<compile_context>
chip_gen: v7x
topology: tpu7x:2x2x1
jax: 0.10.2.dev20260603
libtpu: 0.0.44.dev20260713+nightly
codegen_flags: <defaults>
</compile_context>

<pallas_src>
import functools

import jax
import jax.numpy as jnp
from jax import lax
from jax.experimental import pallas as pl
from jax.experimental.pallas import tpu as pltpu
from jax.experimental.pallas import tpu_sc as plsc

N_ATOMS = 50000
N_EDGES = 800000
N_PAIRS = 3200000
F_DIM = 92
F_PAD = 96
R_PAD = 8

NC, NS, LANES = 2, 16, 16
NW = NC * NS

CA = 512
CE = 1024
CP = 2048


def _cdiv(a, b):
    return (a + b - 1) // b


NCH_A = _cdiv(N_ATOMS, CA)
NCH_E = _cdiv(N_EDGES, CE)
NCH_P = _cdiv(N_PAIRS, CP)

_MESH = plsc.VectorSubcoreMesh(
    core_axis_name="c", subcore_axis_name="s", num_cores=NC, num_subcores=NS
)
_PARAMS = pltpu.CompilerParams(
    needs_layout_passes=False, use_tc_tiling_on_sc=False
)


def _wid():
    return lax.axis_index("s") * NC + lax.axis_index("c")


def _my_chunks(total_chunks, wid):
    return (total_chunks - 1 - wid) // NW + 1


def _rsqrt(q):
    i = plsc.bitcast(q, jnp.int32)
    i = 0x5F3759DF - lax.shift_right_logical(i, 1)
    y = plsc.bitcast(i, jnp.float32)
    for _ in range(2):
        y = y * (1.5 - 0.5 * q * y * y)
    return y


@functools.partial(
    pl.kernel,
    out_type=(
        jax.ShapeDtypeStruct((N_ATOMS, F_PAD), jnp.float32),
        jax.ShapeDtypeStruct((N_EDGES, R_PAD), jnp.float32),
    ),
    mesh=_MESH,
    compiler_params=_PARAMS,
    scratch_types=[
        pltpu.VMEM((CA,), jnp.int32),
        pltpu.VMEM((CA, F_PAD), jnp.float32),
        pltpu.SemaphoreType.DMA,
        pltpu.VMEM((CE,), jnp.int32),
        pltpu.VMEM((CE,), jnp.int32),
        pltpu.VMEM((CE, R_PAD), jnp.float32),
        pltpu.VMEM((CE, R_PAD), jnp.float32),
        pltpu.VMEM((CE, R_PAD), jnp.float32),
        pltpu.SemaphoreType.DMA,
        pltpu.SemaphoreType.DMA,
        pltpu.SemaphoreType.DMA,
        pltpu.VMEM((CE,), jnp.int32),
        pltpu.VMEM((CE,), jnp.int32),
        pltpu.VMEM((CE, R_PAD), jnp.float32),
        pltpu.VMEM((CE, R_PAD), jnp.float32),
        pltpu.VMEM((CE, R_PAD), jnp.float32),
        pltpu.SemaphoreType.DMA,
        pltpu.SemaphoreType.DMA,
        pltpu.SemaphoreType.DMA,
    ],
)
def _embed_r_kernel(an_hbm, pos_hbm, src_hbm, dst_hbm, tab_hbm, feat_out, r_out,
                    aidx, afeat, asem,
                    sxa, dxa, psa, pda, rba, sia, sga, soa,
                    sxb, dxb, psb, pdb, rbb, sib, sgb, sob):
    wid = _wid()
    iota = lax.iota(jnp.int32, LANES)

    def atom_chunk(k, carry):
        c = wid + k * NW
        base = jnp.minimum(c * CA, N_ATOMS - CA)
        pltpu.sync_copy(an_hbm.at[pl.ds(base, CA)], aidx)
        pltpu.async_copy(tab_hbm.at[aidx], afeat, asem).wait()
        pltpu.sync_copy(afeat, feat_out.at[pl.ds(base, CA)])
        return carry

    lax.fori_loop(0, _my_chunks(NCH_A, wid), atom_chunk, 0)

    n = _my_chunks(NCH_E, wid)
    slots = ((sxa, dxa, psa, pda, rba, sia, sga, soa),
             (sxb, dxb, psb, pdb, rbb, sib, sgb, sob))

    def chunk_base(k):
        return jnp.minimum((wid + k * NW) * CE, N_EDGES - CE)

    def fire_idx(k, sl):
        base = chunk_base(k)
        pltpu.async_copy(src_hbm.at[pl.ds(base, CE)], sl[0], sl[5])
        pltpu.async_copy(dst_hbm.at[pl.ds(base, CE)], sl[1], sl[5])

    def wait_idx(sl):
        pltpu.make_async_copy(src_hbm.at[pl.ds(0, CE)], sl[0], sl[5]).wait()
        pltpu.make_async_copy(dst_hbm.at[pl.ds(0, CE)], sl[1], sl[5]).wait()

    def fire_gat(sl):
        pltpu.async_copy(pos_hbm.at[sl[0]], sl[2], sl[6])
        pltpu.async_copy(pos_hbm.at[sl[1]], sl[3], sl[6])

    def wait_gat(sl):
        pltpu.make_async_copy(pos_hbm.at[pl.ds(0, CE)], sl[2], sl[6]).wait()
        pltpu.make_async_copy(pos_hbm.at[pl.ds(0, CE)], sl[3], sl[6]).wait()

    def fire_out(k, sl):
        pltpu.async_copy(sl[4], r_out.at[pl.ds(chunk_base(k), CE)], sl[7])

    def wait_out(sl):
        pltpu.make_async_copy(sl[4], r_out.at[pl.ds(0, CE)], sl[7]).wait()

    def compute(sl):
        psrc, pdst, rbuf = sl[2], sl[3], sl[4]

        def sub_group(g, rows):
            for comp in range(3):
                cvec = jnp.full((LANES,), comp, jnp.int32)
                a = plsc.load_gather(pdst, [rows, cvec])
                b = plsc.load_gather(psrc, [rows, cvec])
                plsc.store_scatter(rbuf, [rows, cvec], a - b)
            return rows + LANES

        lax.fori_loop(0, CE // LANES, sub_group, iota)

    @pl.when(n >= 1)
    def _():
        fire_idx(0, slots[0])

    @pl.when(n >= 2)
    def _():
        fire_idx(1, slots[1])

    @pl.when(n >= 1)
    def _():
        wait_idx(slots[0])
        fire_gat(slots[0])

    def body(kk, carry):
        for off in (0, 1):
            k = kk * 2 + off
            s = slots[off]
            o = slots[1 - off]

            @pl.when(k < n)
            def _(k=k, s=s, o=o):
                wait_gat(s)

                @pl.when(k + 2 < n)
                def _():
                    fire_idx(k + 2, s)

                @pl.when(k + 1 < n)
                def _():
                    wait_idx(o)
                    fire_gat(o)

                @pl.when(k >= 2)
                def _():
                    wait_out(s)

                compute(s)
                fire_out(k, s)

        return carry

    lax.fori_loop(0, (n + 1) // 2, body, 0)

    last_even = lax.rem(n - 1, 2) == 0

    @pl.when(last_even)
    def _():
        wait_out(slots[0])

    @pl.when(jnp.logical_not(last_even))
    def _():
        wait_out(slots[1])

    @pl.when(n >= 2)
    def _():
        @pl.when(last_even)
        def _():
            wait_out(slots[1])

        @pl.when(jnp.logical_not(last_even))
        def _():
            wait_out(slots[0])


@functools.partial(
    pl.kernel,
    out_type=jax.ShapeDtypeStruct((N_PAIRS,), jnp.float32),
    mesh=_MESH,
    compiler_params=_PARAMS,
    scratch_types=[
        pltpu.VMEM((CP,), jnp.int32),
        pltpu.VMEM((CP,), jnp.int32),
        pltpu.VMEM((CP, R_PAD), jnp.float32),
        pltpu.VMEM((CP, R_PAD), jnp.float32),
        pltpu.VMEM((CP,), jnp.float32),
        pltpu.SemaphoreType.DMA,
        pltpu.SemaphoreType.DMA,
        pltpu.SemaphoreType.DMA,
        pltpu.VMEM((CP,), jnp.int32),
        pltpu.VMEM((CP,), jnp.int32),
        pltpu.VMEM((CP, R_PAD), jnp.float32),
        pltpu.VMEM((CP, R_PAD), jnp.float32),
        pltpu.VMEM((CP,), jnp.float32),
        pltpu.SemaphoreType.DMA,
        pltpu.SemaphoreType.DMA,
        pltpu.SemaphoreType.DMA,
        pltpu.VMEM((CP,), jnp.int32),
        pltpu.VMEM((CP,), jnp.int32),
        pltpu.VMEM((CP, R_PAD), jnp.float32),
        pltpu.VMEM((CP, R_PAD), jnp.float32),
        pltpu.VMEM((CP,), jnp.float32),
        pltpu.SemaphoreType.DMA,
        pltpu.SemaphoreType.DMA,
        pltpu.SemaphoreType.DMA,
    ],
)
def _cos_kernel(r_hbm, lg0_hbm, lg1_hbm, cos_out,
                i0a, i1a, r1a, r2a, cba, sia, sga, soa,
                i0b, i1b, r1b, r2b, cbb, sib, sgb, sob,
                i0c, i1c, r1c, r2c, cbc, sic, sgc, soc):
    wid = _wid()
    iota = lax.iota(jnp.int32, LANES)
    n = _my_chunks(NCH_P, wid)
    slots = ((i0a, i1a, r1a, r2a, cba, sia, sga, soa),
             (i0b, i1b, r1b, r2b, cbb, sib, sgb, sob),
             (i0c, i1c, r1c, r2c, cbc, sic, sgc, soc))

    def chunk_base(k):
        return jnp.minimum((wid + k * NW) * CP, N_PAIRS - CP)

    def fire_idx(k, sl):
        base = chunk_base(k)
        pltpu.async_copy(lg0_hbm.at[pl.ds(base, CP)], sl[0], sl[5])
        pltpu.async_copy(lg1_hbm.at[pl.ds(base, CP)], sl[1], sl[5])

    def wait_idx(sl):
        pltpu.make_async_copy(lg0_hbm.at[pl.ds(0, CP)], sl[0], sl[5]).wait()
        pltpu.make_async_copy(lg1_hbm.at[pl.ds(0, CP)], sl[1], sl[5]).wait()

    def fire_gat(sl):
        pltpu.async_copy(r_hbm.at[sl[0]], sl[2], sl[6])
        pltpu.async_copy(r_hbm.at[sl[1]], sl[3], sl[6])

    def wait_gat(sl):
        pltpu.make_async_copy(r_hbm.at[pl.ds(0, CP)], sl[2], sl[6]).wait()
        pltpu.make_async_copy(r_hbm.at[pl.ds(0, CP)], sl[3], sl[6]).wait()

    def fire_out(k, sl):
        pltpu.async_copy(sl[4], cos_out.at[pl.ds(chunk_base(k), CP)], sl[7])

    def wait_out(sl):
        pltpu.make_async_copy(sl[4], cos_out.at[pl.ds(0, CP)], sl[7]).wait()

    c0 = jnp.zeros((LANES,), jnp.int32)
    c1 = jnp.full((LANES,), 1, jnp.int32)
    c2v = jnp.full((LANES,), 2, jnp.int32)

    def compute(sl):
        r1, r2, cosb = sl[2], sl[3], sl[4]

        def grp(g, rows):
            x1 = plsc.load_gather(r1, [rows, c0])
            y1 = plsc.load_gather(r1, [rows, c1])
            z1 = plsc.load_gather(r1, [rows, c2v])
            x2 = plsc.load_gather(r2, [rows, c0])
            y2 = plsc.load_gather(r2, [rows, c1])
            z2 = plsc.load_gather(r2, [rows, c2v])
            num = x1 * x2 + y1 * y2 + z1 * z2
            q = (x1 * x1 + y1 * y1 + z1 * z1) * (x2 * x2 + y2 * y2 + z2 * z2)
            cosv = (0.0 - num) * _rsqrt(q)
            cosv = jnp.clip(cosv, -1.0, 1.0)
            cosb[pl.ds(g * LANES, LANES)] = cosv
            return rows + LANES

        lax.fori_loop(0, CP // LANES, grp, iota)

    @pl.when(n >= 1)
    def _():
        fire_idx(0, slots[0])

    @pl.when(n >= 2)
    def _():
        fire_idx(1, slots[1])

    @pl.when(n >= 3)
    def _():
        fire_idx(2, slots[2])

    @pl.when(n >= 1)
    def _():
        wait_idx(slots[0])
        fire_gat(slots[0])

    @pl.when(n >= 2)
    def _():
        wait_idx(slots[1])
        fire_gat(slots[1])

    def body(kk, carry):
        for off in (0, 1, 2):
            k = kk * 3 + off
            s = slots[off]
            nx = slots[(off + 2) % 3]

            @pl.when(k < n)
            def _(k=k, s=s, nx=nx):
                wait_gat(s)

                @pl.when(k + 3 < n)
                def _():
                    fire_idx(k + 3, s)

                @pl.when(k + 2 < n)
                def _():
                    wait_idx(nx)
                    fire_gat(nx)

                @pl.when(k >= 3)
                def _():
                    wait_out(s)

                compute(s)
                fire_out(k, s)

        return carry

    lax.fori_loop(0, (n + 2) // 3, body, 0)

    for j in (1, 2, 3):
        for res in (0, 1, 2):
            @pl.when((n >= j) & (lax.rem(n - j, 3) == res))
            def _(res=res):
                wait_out(slots[res])

_G1 = 25
_EB = 32768
_LB = 131072
_NB = 2000


@functools.partial(
    pl.pallas_call,
    grid=(_G1,),
    in_specs=[
        pl.BlockSpec((2, _EB), lambda i: (0, i)),
        pl.BlockSpec((2, _LB), lambda i: (0, i)),
    ],
    out_specs=[
        pl.BlockSpec((_EB,), lambda i: (i,)),
        pl.BlockSpec((_EB,), lambda i: (i,)),
        pl.BlockSpec((_LB,), lambda i: (i,)),
        pl.BlockSpec((_LB,), lambda i: (i,)),
    ],
    out_shape=[
        jax.ShapeDtypeStruct((N_EDGES,), jnp.int32),
        jax.ShapeDtypeStruct((N_EDGES,), jnp.int32),
        jax.ShapeDtypeStruct((N_PAIRS,), jnp.int32),
        jax.ShapeDtypeStruct((N_PAIRS,), jnp.int32),
    ],
)
def _prep_tc(ei_ref, lg_ref, src_ref, dst_ref, lg0_ref, lg1_ref):
    src_ref[...] = ei_ref[0, :]
    dst_ref[...] = ei_ref[1, :]
    lg0_ref[...] = lg_ref[0, :]
    lg1_ref[...] = lg_ref[1, :]


@functools.partial(
    pl.pallas_call,
    grid=(_G1,),
    in_specs=[pl.BlockSpec((_NB, F_PAD), lambda i: (i, 0))],
    out_specs=pl.BlockSpec((_NB, F_DIM), lambda i: (i, 0)),
    out_shape=jax.ShapeDtypeStruct((N_ATOMS, F_DIM), jnp.float32),
)
def _depad_feat_tc(featp_ref, feat_ref):
    feat_ref[...] = featp_ref[:, :F_DIM]


def kernel(atomic_number, positions, edge_index, lg_pairs, atom_table):
    an = atomic_number.astype(jnp.int32)
    ei = edge_index.astype(jnp.int32)
    lg = lg_pairs.astype(jnp.int32)
    src_e, dst_e, lg0, lg1 = _prep_tc(ei, lg)
    pos_pad = jnp.pad(positions, ((0, 0), (0, R_PAD - 3)))
    tab_pad = jnp.pad(atom_table, ((0, 0), (0, F_PAD - F_DIM)))
    featp, r_pad = _embed_r_kernel(an, pos_pad, src_e, dst_e, tab_pad)
    cos = _cos_kernel(r_pad, lg0, lg1)
    return (_depad_feat_tc(featp), r_pad[:, :3], cos)

# --- scband reference (transcript-rebuilt; emitter-appended) ---
"""Pipeline reference for scband-alignntransform-31731218383388 (READ-ONLY COPY).

The authoritative reference and input builder live on the scoring server;
editing this copy changes nothing except your own understanding.
"""

import jax, jax.numpy as jnp
import numpy as np

N = 50000
E = 800000
L = 3200000
NUM_ELEMENTS = 92
FEAT_DIM = 92


def setup_inputs(seed: int = 0) -> dict:
    key = jax.random.key(seed)
    ks = jax.random.split(key, 5)
    atomic_number = jax.random.randint(ks[0], (N,), 0, NUM_ELEMENTS)
    positions = jax.random.normal(ks[1], (N, 3), dtype=jnp.float32)
    edge_index = jax.random.randint(ks[2], (2, E), 0, N)
    lg_pairs = jax.random.randint(ks[3], (2, L), 0, E)
    atom_table = jax.random.normal(ks[4], (NUM_ELEMENTS, FEAT_DIM), dtype=jnp.float32)
    return {
        "atomic_number": atomic_number,
        "positions": positions,
        "edge_index": edge_index,
        "lg_pairs": lg_pairs,
        "atom_table": atom_table,
    }


def reference(atomic_number, positions, edge_index, lg_pairs, atom_table):
    # CGCNN atom feature embedding lookup (g.ndata['atom_features'])
    atom_features = jnp.take(atom_table, atomic_number, axis=0)
    # Neighbor transform: per-edge displacement vectors r = pos[dst] - pos[src]
    src = edge_index[0]
    dst = edge_index[1]
    r = jnp.take(positions, dst, axis=0) - jnp.take(positions, src, axis=0)
    # Line graph edge feature: compute_bond_cosines over pairs of bonds
    # sharing a node. lg_pairs[0] = incoming bond id, lg_pairs[1] = outgoing bond id.
    r1 = -jnp.take(r, lg_pairs[0], axis=0)
    r2 = jnp.take(r, lg_pairs[1], axis=0)
    num = jnp.sum(r1 * r2, axis=-1)
    denom = jnp.linalg.norm(r1, axis=-1) * jnp.linalg.norm(r2, axis=-1)
    bond_cosine = jnp.clip(num / (denom + 1e-12), -1.0, 1.0)
    return (atom_features, r, bond_cosine)

if __name__ == "__main__":
    import jax
    _d = setup_inputs()
    print(jax.jit(kernel)(*tuple(_d.values())))

</pallas_src>

<mosaic_0001>
#map = affine_map<(d0, d1) -> (0)>
#map1 = affine_map<(d0, d1) -> (0, 0)>
module attributes {stable_mosaic.version = 14 : i64} {
  func.func @_embed_r_kernel(%arg0: i32, %arg1: i32, %arg2: memref<50000xi32, #tpu.memory_space<hbm>>, %arg3: memref<50000x8xf32, #tpu.memory_space<hbm>>, %arg4: memref<800000xi32, #tpu.memory_space<hbm>>, %arg5: memref<800000xi32, #tpu.memory_space<hbm>>, %arg6: memref<92x96xf32, #tpu.memory_space<hbm>>, %arg7: memref<50000x96xf32, #tpu.memory_space<hbm>>, %arg8: memref<800000x8xf32, #tpu.memory_space<hbm>>, %arg9: memref<512xi32, #tpu.memory_space<vmem>>, %arg10: memref<512x96xf32, #tpu.memory_space<vmem>>, %arg11: memref<!tpu.dma_semaphore, #tpu.memory_space<semaphore_mem>>, %arg12: memref<1024xi32, #tpu.memory_space<vmem>>, %arg13: memref<1024xi32, #tpu.memory_space<vmem>>, %arg14: memref<1024x8xf32, #tpu.memory_space<vmem>>, %arg15: memref<1024x8xf32, #tpu.memory_space<vmem>>, %arg16: memref<1024x8xf32, #tpu.memory_space<vmem>>, %arg17: memref<!tpu.dma_semaphore, #tpu.memory_space<semaphore_mem>>, %arg18: memref<!tpu.dma_semaphore, #tpu.memory_space<semaphore_mem>>, %arg19: memref<!tpu.dma_semaphore, #tpu.memory_space<semaphore_mem>>, %arg20: memref<1024xi32, #tpu.memory_space<vmem>>, %arg21: memref<1024xi32, #tpu.memory_space<vmem>>, %arg22: memref<1024x8xf32, #tpu.memory_space<vmem>>, %arg23: memref<1024x8xf32, #tpu.memory_space<vmem>>, %arg24: memref<1024x8xf32, #tpu.memory_space<vmem>>, %arg25: memref<!tpu.dma_semaphore, #tpu.memory_space<semaphore_mem>>, %arg26: memref<!tpu.dma_semaphore, #tpu.memory_space<semaphore_mem>>, %arg27: memref<!tpu.dma_semaphore, #tpu.memory_space<semaphore_mem>>) attributes {dimension_semantics = [#tpu.dimension_semantics<core_parallel>, #tpu.dimension_semantics<subcore_parallel>], iteration_bounds = array<i64: 2, 16>, scalar_prefetch = 0 : i64, scratch_operands = 19 : i64, tpu.core_type = #tpu.core_type<sc_vector_subcore>, window_params = [{transform_indices = #map}, {transform_indices = #map1}, {transform_indices = #map}, {transform_indices = #map}, {transform_indices = #map1}, {transform_indices = #map1}, {transform_indices = #map1}]} {
    %mul3A = arith.constant 2 : i32
    %mul3A_0 = arith.muli %arg1, %mul3A : i32
    %add3A = arith.addi %mul3A_0, %arg0 : i32
    %iota3A = tpu.iota {dimensions = array<i32: 0>} : vector<16xi32>
    %sub3A = arith.constant 97 : i32
    %sub3A_1 = arith.subi %sub3A, %add3A : i32
    %jit3A = arith.constant 32 : i32
    %div3A = arith.divsi %sub3A_1, %jit3A : i32
    %sign3A = arith.constant 0 : i32
    %sign3A_2 = arith.cmpi sgt, %sub3A_1, %sign3A : i32
    %sign3A_3 = arith.extui %sign3A_2 : i1 to i32
    %sign3A_4 = arith.constant 0 : i32
    %sign3A_5 = arith.cmpi slt, %sub3A_1, %sign3A_4 : i32
    %sign3A_6 = arith.extui %sign3A_5 : i1 to i32
    %sign3A_7 = arith.subi %sign3A_3, %sign3A_6 : i32
    %sign3A_8 = arith.constant 0 : i32
    %sign3A_9 = arith.cmpi sgt, %jit3A, %sign3A_8 : i32
    %sign3A_10 = arith.extui %sign3A_9 : i1 to i32
    %sign3A_11 = arith.constant 0 : i32
    %sign3A_12 = arith.cmpi slt, %jit3A, %sign3A_11 : i32
    %sign3A_13 = arith.extui %sign3A_12 : i1 to i32
    %sign3A_14 = arith.subi %sign3A_10, %sign3A_13 : i32
    %ne3A = arith.cmpi ne, %sign3A_7, %sign3A_14 : i32
    %rem3A = arith.remsi %sub3A_1, %jit3A : i32
    %ne3A_15 = arith.constant 0 : i32
    %ne3A_16 = arith.cmpi ne, %rem3A, %ne3A_15 : i32
    %and3A = arith.andi %ne3A, %ne3A_16 : i1
    %sub3A_17 = arith.constant 1 : i32
    %sub3A_18 = arith.subi %div3A, %sub3A_17 : i32
    %select_n3A = arith.select %and3A, %sub3A_18, %div3A : i32
    %add3A_19 = arith.constant 1 : i32
    %add3A_20 = arith.addi %select_n3A, %add3A_19 : i32
    %while3A = arith.constant 0 : i32
    %while3A_21 = arith.constant 0 : i32
    %while3A_22 = arith.subi %add3A_20, %while3A_21 : i32
    %while3A_23 = arith.addi %while3A_21, %while3A_22 : i32
    %while3A_24 = arith.constant 1 : i32
    %while3A_25 = arith.divsi %while3A_22, %while3A_24 : i32
    %while3A_26 = arith.muli %while3A_25, %while3A_24 : i32
    %while3A_27 = arith.addi %while3A_21, %while3A_26 : i32
    %while3A_28 = arith.constant 1 : i32
    scf.for %while3A_123 = %while3A_21 to %while3A_27 step %while3A_28  : i32 {
      %mul3A_124 = arith.constant 32 : i32
      %mul3A_125 = arith.muli %while3A_123, %mul3A_124 : i32
      %add3A_126 = arith.addi %add3A, %mul3A_125 : i32
      %mul3A_127 = arith.constant 512 : i32
      %mul3A_128 = arith.muli %add3A_126, %mul3A_127 : i32
      %min3A = arith.constant 49488 : i32
      %min3A_129 = arith.minsi %mul3A_128, %min3A : i32
      "tpu.region"() ({
        %run_scoped3A = tpu.sem_alloc : memref<!tpu.dma_semaphore, #tpu.memory_space<semaphore_mem>>
        %dma_start3A_134 = tpu.memref_slice %arg2[%min3A_129] : memref<50000xi32, #tpu.memory_space<hbm>> -> memref<512xi32, #tpu.memory_space<hbm>>
        %dma_start3A_135 = tpu.memref_slice %arg2[%min3A_129] : memref<50000xi32, #tpu.memory_space<hbm>> -> memref<512xi32, #tpu.memory_space<hbm>>
        tpu.enqueue_dma source(%dma_start3A_135 : memref<512xi32, #tpu.memory_space<hbm>>) target(%arg9 : memref<512xi32, #tpu.memory_space<vmem>>) target_semaphore(%run_scoped3A : memref<!tpu.dma_semaphore, #tpu.memory_space<semaphore_mem>>)
        %dma_wait3A_136 = tpu.memref_slice %arg2[%min3A_129] : memref<50000xi32, #tpu.memory_space<hbm>> -> memref<512xi32, #tpu.memory_space<hbm>>
        %dma_wait3A_137 = tpu.memref_slice %arg2[%min3A_129] : memref<50000xi32, #tpu.memory_space<hbm>> -> memref<512xi32, #tpu.memory_space<hbm>>
        tpu.wait_dma2 semaphore(%run_scoped3A : memref<!tpu.dma_semaphore, #tpu.memory_space<semaphore_mem>>) src(%dma_wait3A_137 : memref<512xi32, #tpu.memory_space<hbm>>) dst(%arg9 : memref<512xi32, #tpu.memory_space<vmem>>)
        tpu.yield
      }) : () -> ()
      %dma_start3A = arith.constant 0 : i32
      %dma_start3A_130 = arith.constant 0 : i32
      %dma_start3A_131 = tpu.memref_slice %arg6[%dma_start3A, %dma_start3A_130] : memref<92x96xf32, #tpu.memory_space<hbm>> -> memref<92x96xf32, #tpu.memory_space<hbm>>
      tpu.enqueue_indirect_dma source(%dma_start3A_131 : memref<92x96xf32, #tpu.memory_space<hbm>>) target(%arg10 : memref<512x96xf32, #tpu.memory_space<vmem>>) offsets(%arg9 : memref<512xi32, #tpu.memory_space<vmem>>) semaphore(%arg11 : memref<!tpu.dma_semaphore, #tpu.memory_space<semaphore_mem>>)
      %dma_wait3A = arith.constant 0 : i32
      %dma_wait3A_132 = arith.constant 0 : i32
      %dma_wait3A_133 = tpu.memref_slice %arg6[%dma_wait3A, %dma_wait3A_132] : memref<92x96xf32, #tpu.memory_space<hbm>> -> memref<92x96xf32, #tpu.memory_space<hbm>>
      tpu.wait_indirect_dma semaphore(%arg11 : memref<!tpu.dma_semaphore, #tpu.memory_space<semaphore_mem>>) src(%dma_wait3A_133 : memref<92x96xf32, #tpu.memory_space<hbm>>) dst(%arg10 : memref<512x96xf32, #tpu.memory_space<vmem>>)
      "tpu.region"() ({
        %run_scoped3A = tpu.sem_alloc : memref<!tpu.dma_semaphore, #tpu.memory_space<semaphore_mem>>
        %dma_start3A_134 = arith.constant 0 : i32
        %dma_start3A_135 = tpu.memref_slice %arg7[%min3A_129, %dma_start3A_134] : memref<50000x96xf32, #tpu.memory_space<hbm>> -> memref<512x96xf32, #tpu.memory_space<hbm>>
        %dma_start3A_136 = arith.constant 0 : i32
        %dma_start3A_137 = tpu.memref_slice %arg7[%min3A_129, %dma_start3A_136] : memref<50000x96xf32, #tpu.memory_space<hbm>> -> memref<512x96xf32, #tpu.memory_space<hbm>>
        tpu.enqueue_dma source(%arg10 : memref<512x96xf32, #tpu.memory_space<vmem>>) target(%dma_start3A_137 : memref<512x96xf32, #tpu.memory_space<hbm>>) target_semaphore(%run_scoped3A : memref<!tpu.dma_semaphore, #tpu.memory_space<semaphore_mem>>)
        %dma_wait3A_138 = arith.constant 0 : i32
        %dma_wait3A_139 = tpu.memref_slice %arg7[%min3A_129, %dma_wait3A_138] : memref<50000x96xf32, #tpu.memory_space<hbm>> -> memref<512x96xf32, #tpu.memory_space<hbm>>
        %dma_wait3A_140 = arith.constant 0 : i32
        %dma_wait3A_141 = tpu.memref_slice %arg7[%min3A_129, %dma_wait3A_140] : memref<50000x96xf32, #tpu.memory_space<hbm>> -> memref<512x96xf32, #tpu.memory_space<hbm>>
        tpu.wait_dma2 semaphore(%run_scoped3A : memref<!tpu.dma_semaphore, #tpu.memory_space<semaphore_mem>>) src(%arg10 : memref<512x96xf32, #tpu.memory_space<vmem>>) dst(%dma_wait3A_141 : memref<512x96xf32, #tpu.memory_space<hbm>>)
        tpu.yield
      }) : () -> ()
    }
    %while3A_29 = arith.constant 1 : i32
    scf.for %while3A_123 = %while3A_27 to %while3A_23 step %while3A_29  : i32 {
      %mul3A_124 = arith.constant 32 : i32
      %mul3A_125 = arith.muli %while3A_123, %mul3A_124 : i32
      %add3A_126 = arith.addi %add3A, %mul3A_125 : i32
      %mul3A_127 = arith.constant 512 : i32
      %mul3A_128 = arith.muli %add3A_126, %mul3A_127 : i32
      %min3A = arith.constant 49488 : i32
      %min3A_129 = arith.minsi %mul3A_128, %min3A : i32
      "tpu.region"() ({
        %run_scoped3A = tpu.sem_alloc : memref<!tpu.dma_semaphore, #tpu.memory_space<semaphore_mem>>
        %dma_start3A_134 = tpu.memref_slice %arg2[%min3A_129] : memref<50000xi32, #tpu.memory_space<hbm>> -> memref<512xi32, #tpu.memory_space<hbm>>
        %dma_start3A_135 = tpu.memref_slice %arg2[%min3A_129] : memref<50000xi32, #tpu.memory_space<hbm>> -> memref<512xi32, #tpu.memory_space<hbm>>
        tpu.enqueue_dma source(%dma_start3A_135 : memref<512xi32, #tpu.memory_space<hbm>>) target(%arg9 : memref<512xi32, #tpu.memory_space<vmem>>) target_semaphore(%run_scoped3A : memref<!tpu.dma_semaphore, #tpu.memory_space<semaphore_mem>>)
        %dma_wait3A_136 = tpu.memref_slice %arg2[%min3A_129] : memref<50000xi32, #tpu.memory_space<hbm>> -> memref<512xi32, #tpu.memory_space<hbm>>
        %dma_wait3A_137 = tpu.memref_slice %arg2[%min3A_129] : memref<50000xi32, #tpu.memory_space<hbm>> -> memref<512xi32, #tpu.memory_space<hbm>>
        tpu.wait_dma2 semaphore(%run_scoped3A : memref<!tpu.dma_semaphore, #tpu.memory_space<semaphore_mem>>) src(%dma_wait3A_137 : memref<512xi32, #tpu.memory_space<hbm>>) dst(%arg9 : memref<512xi32, #tpu.memory_space<vmem>>)
        tpu.yield
      }) : () -> ()
      %dma_start3A = arith.constant 0 : i32
      %dma_start3A_130 = arith.constant 0 : i32
      %dma_start3A_131 = tpu.memref_slice %arg6[%dma_start3A, %dma_start3A_130] : memref<92x96xf32, #tpu.memory_space<hbm>> -> memref<92x96xf32, #tpu.memory_space<hbm>>
      tpu.enqueue_indirect_dma source(%dma_start3A_131 : memref<92x96xf32, #tpu.memory_space<hbm>>) target(%arg10 : memref<512x96xf32, #tpu.memory_space<vmem>>) offsets(%arg9 : memref<512xi32, #tpu.memory_space<vmem>>) semaphore(%arg11 : memref<!tpu.dma_semaphore, #tpu.memory_space<semaphore_mem>>)
      %dma_wait3A = arith.constant 0 : i32
      %dma_wait3A_132 = arith.constant 0 : i32
      %dma_wait3A_133 = tpu.memref_slice %arg6[%dma_wait3A, %dma_wait3A_132] : memref<92x96xf32, #tpu.memory_space<hbm>> -> memref<92x96xf32, #tpu.memory_space<hbm>>
      tpu.wait_indirect_dma semaphore(%arg11 : memref<!tpu.dma_semaphore, #tpu.memory_space<semaphore_mem>>) src(%dma_wait3A_133 : memref<92x96xf32, #tpu.memory_space<hbm>>) dst(%arg10 : memref<512x96xf32, #tpu.memory_space<vmem>>)
      "tpu.region"() ({
        %run_scoped3A = tpu.sem_alloc : memref<!tpu.dma_semaphore, #tpu.memory_space<semaphore_mem>>
        %dma_start3A_134 = arith.constant 0 : i32
        %dma_start3A_135 = tpu.memref_slice %arg7[%min3A_129, %dma_start3A_134] : memref<50000x96xf32, #tpu.memory_space<hbm>> -> memref<512x96xf32, #tpu.memory_space<hbm>>
        %dma_start3A_136 = arith.constant 0 : i32
        %dma_start3A_137 = tpu.memref_slice %arg7[%min3A_129, %dma_start3A_136] : memref<50000x96xf32, #tpu.memory_space<hbm>> -> memref<512x96xf32, #tpu.memory_space<hbm>>
        tpu.enqueue_dma source(%arg10 : memref<512x96xf32, #tpu.memory_space<vmem>>) target(%dma_start3A_137 : memref<512x96xf32, #tpu.memory_space<hbm>>) target_semaphore(%run_scoped3A : memref<!tpu.dma_semaphore, #tpu.memory_space<semaphore_mem>>)
        %dma_wait3A_138 = arith.constant 0 : i32
        %dma_wait3A_139 = tpu.memref_slice %arg7[%min3A_129, %dma_wait3A_138] : memref<50000x96xf32, #tpu.memory_space<hbm>> -> memref<512x96xf32, #tpu.memory_space<hbm>>
        %dma_wait3A_140 = arith.constant 0 : i32
        %dma_wait3A_141 = tpu.memref_slice %arg7[%min3A_129, %dma_wait3A_140] : memref<50000x96xf32, #tpu.memory_space<hbm>> -> memref<512x96xf32, #tpu.memory_space<hbm>>
        tpu.wait_dma2 semaphore(%run_scoped3A : memref<!tpu.dma_semaphore, #tpu.memory_space<semaphore_mem>>) src(%arg10 : memref<512x96xf32, #tpu.memory_space<vmem>>) dst(%dma_wait3A_141 : memref<512x96xf32, #tpu.memory_space<hbm>>)
        tpu.yield
      }) : () -> ()
    }
    %sub3A_30 = arith.constant 781 : i32
    %sub3A_31 = arith.subi %sub3A_30, %add3A : i32
    %jit3A_32 = arith.constant 32 : i32
    %div3A_33 = arith.divsi %sub3A_31, %jit3A_32 : i32
    %sign3A_34 = arith.constant 0 : i32
    %sign3A_35 = arith.cmpi sgt, %sub3A_31, %sign3A_34 : i32
    %sign3A_36 = arith.extui %sign3A_35 : i1 to i32
    %sign3A_37 = arith.constant 0 : i32
    %sign3A_38 = arith.cmpi slt, %sub3A_31, %sign3A_37 : i32
    %sign3A_39 = arith.extui %sign3A_38 : i1 to i32
    %sign3A_40 = arith.subi %sign3A_36, %sign3A_39 : i32
    %sign3A_41 = arith.constant 0 : i32
    %sign3A_42 = arith.cmpi sgt, %jit3A_32, %sign3A_41 : i32
    %sign3A_43 = arith.extui %sign3A_42 : i1 to i32
    %sign3A_44 = arith.constant 0 : i32
    %sign3A_45 = arith.cmpi slt, %jit3A_32, %sign3A_44 : i32
    %sign3A_46 = arith.extui %sign3A_45 : i1 to i32
    %sign3A_47 = arith.subi %sign3A_43, %sign3A_46 : i32
    %ne3A_48 = arith.cmpi ne, %sign3A_40, %sign3A_47 : i32
    %rem3A_49 = arith.remsi %sub3A_31, %jit3A_32 : i32
    %ne3A_50 = arith.constant 0 : i32
    %ne3A_51 = arith.cmpi ne, %rem3A_49, %ne3A_50 : i32
    %and3A_52 = arith.andi %ne3A_48, %ne3A_51 : i1
    %sub3A_53 = arith.constant 1 : i32
    %sub3A_54 = arith.subi %div3A_33, %sub3A_53 : i32
    %select_n3A_55 = arith.select %and3A_52, %sub3A_54, %div3A_33 : i32
    %add3A_56 = arith.constant 1 : i32
    %add3A_57 = arith.addi %select_n3A_55, %add3A_56 : i32
    %ge3A = arith.constant 1 : i32
    %ge3A_58 = arith.cmpi sge, %add3A_57, %ge3A : i32
    %convert_element_type3A = arith.extui %ge3A_58 : i1 to i32
    %cond3A = arith.constant 0 : i32
    %cond3A_59 = arith.cmpi ne, %convert_element_type3A, %cond3A : i32
    scf.if %cond3A_59 {
      %add3A_123 = arith.constant 0 : i32
      %add3A_124 = arith.addi %add3A, %add3A_123 : i32
      %mul3A_125 = arith.constant 1024 : i32
      %mul3A_126 = arith.muli %add3A_124, %mul3A_125 : i32
      %min3A = arith.constant 798976 : i32
      %min3A_127 = arith.minsi %mul3A_126, %min3A : i32
      %dma_start3A = tpu.memref_slice %arg4[%min3A_127] : memref<800000xi32, #tpu.memory_space<hbm>> -> memref<1024xi32, #tpu.memory_space<hbm>>
      %dma_start3A_128 = tpu.memref_slice %arg4[%min3A_127] : memref<800000xi32, #tpu.memory_space<hbm>> -> memref<1024xi32, #tpu.memory_space<hbm>>
      tpu.enqueue_dma source(%dma_start3A_128 : memref<1024xi32, #tpu.memory_space<hbm>>) target(%arg12 : memref<1024xi32, #tpu.memory_space<vmem>>) target_semaphore(%arg17 : memref<!tpu.dma_semaphore, #tpu.memory_space<semaphore_mem>>)
      %dma_start3A_129 = tpu.memref_slice %arg5[%min3A_127] : memref<800000xi32, #tpu.memory_space<hbm>> -> memref<1024xi32, #tpu.memory_space<hbm>>
      %dma_start3A_130 = tpu.memref_slice %arg5[%min3A_127] : memref<800000xi32, #tpu.memory_space<hbm>> -> memref<1024xi32, #tpu.memory_space<hbm>>
      tpu.enqueue_dma source(%dma_start3A_130 : memref<1024xi32, #tpu.memory_space<hbm>>) target(%arg13 : memref<1024xi32, #tpu.memory_space<vmem>>) target_semaphore(%arg17 : memref<!tpu.dma_semaphore, #tpu.memory_space<semaphore_mem>>)
    } else {
    }
    %ge3A_60 = arith.constant 2 : i32
    %ge3A_61 = arith.cmpi sge, %add3A_57, %ge3A_60 : i32
    %convert_element_type3A_62 = arith.extui %ge3A_61 : i1 to i32
    %cond3A_63 = arith.constant 0 : i32
    %cond3A_64 = arith.cmpi ne, %convert_element_type3A_62, %cond3A_63 : i32
    scf.if %cond3A_64 {
      %add3A_123 = arith.constant 32 : i32
      %add3A_124 = arith.addi %add3A, %add3A_123 : i32
      %mul3A_125 = arith.constant 1024 : i32
      %mul3A_126 = arith.muli %add3A_124, %mul3A_125 : i32
      %min3A = arith.constant 798976 : i32
      %min3A_127 = arith.minsi %mul3A_126, %min3A : i32
      %dma_start3A = tpu.memref_slice %arg4[%min3A_127] : memref<800000xi32, #tpu.memory_space<hbm>> -> memref<1024xi32, #tpu.memory_space<hbm>>
      %dma_start3A_128 = tpu.memref_slice %arg4[%min3A_127] : memref<800000xi32, #tpu.memory_space<hbm>> -> memref<1024xi32, #tpu.memory_space<hbm>>
      tpu.enqueue_dma source(%dma_start3A_128 : memref<1024xi32, #tpu.memory_space<hbm>>) target(%arg20 : memref<1024xi32, #tpu.memory_space<vmem>>) target_semaphore(%arg25 : memref<!tpu.dma_semaphore, #tpu.memory_space<semaphore_mem>>)
      %dma_start3A_129 = tpu.memref_slice %arg5[%min3A_127] : memref<800000xi32, #tpu.memory_space<hbm>> -> memref<1024xi32, #tpu.memory_space<hbm>>
      %dma_start3A_130 = tpu.memref_slice %arg5[%min3A_127] : memref<800000xi32, #tpu.memory_space<hbm>> -> memref<1024xi32, #tpu.memory_space<hbm>>
      tpu.enqueue_dma source(%dma_start3A_130 : memref<1024xi32, #tpu.memory_space<hbm>>) target(%arg21 : memref<1024xi32, #tpu.memory_space<vmem>>) target_semaphore(%arg25 : memref<!tpu.dma_semaphore, #tpu.memory_space<semaphore_mem>>)
    } else {
    }
    %ge3A_65 = arith.constant 1 : i32
    %ge3A_66 = arith.cmpi sge, %add3A_57, %ge3A_65 : i32
    %convert_element_type3A_67 = arith.extui %ge3A_66 : i1 to i32
    %cond3A_68 = arith.constant 0 : i32
    %cond3A_69 = arith.cmpi ne, %convert_element_type3A_67, %cond3A_68 : i32
    scf.if %cond3A_69 {
      %dma_wait3A = arith.constant 0 : i32
      %dma_wait3A_123 = tpu.memref_slice %arg4[%dma_wait3A] : memref<800000xi32, #tpu.memory_space<hbm>> -> memref<1024xi32, #tpu.memory_space<hbm>>
      %dma_wait3A_124 = arith.constant 0 : i32
      %dma_wait3A_125 = tpu.memref_slice %arg4[%dma_wait3A_124] : memref<800000xi32, #tpu.memory_space<hbm>> -> memref<1024xi32, #tpu.memory_space<hbm>>
      tpu.wait_dma2 semaphore(%arg17 : memref<!tpu.dma_semaphore, #tpu.memory_space<semaphore_mem>>) src(%dma_wait3A_125 : memref<1024xi32, #tpu.memory_space<hbm>>) dst(%arg12 : memref<1024xi32, #tpu.memory_space<vmem>>)
      %dma_wait3A_126 = arith.constant 0 : i32
      %dma_wait3A_127 = tpu.memref_slice %arg5[%dma_wait3A_126] : memref<800000xi32, #tpu.memory_space<hbm>> -> memref<1024xi32, #tpu.memory_space<hbm>>
      %dma_wait3A_128 = arith.constant 0 : i32
      %dma_wait3A_129 = tpu.memref_slice %arg5[%dma_wait3A_128] : memref<800000xi32, #tpu.memory_space<hbm>> -> memref<1024xi32, #tpu.memory_space<hbm>>
      tpu.wait_dma2 semaphore(%arg17 : memref<!tpu.dma_semaphore, #tpu.memory_space<semaphore_mem>>) src(%dma_wait3A_129 : memref<1024xi32, #tpu.memory_space<hbm>>) dst(%arg13 : memref<1024xi32, #tpu.memory_space<vmem>>)
      %dma_start3A = arith.constant 0 : i32
      %dma_start3A_130 = arith.constant 0 : i32
      %dma_start3A_131 = tpu.memref_slice %arg3[%dma_start3A, %dma_start3A_130] : memref<50000x8xf32, #tpu.memory_space<hbm>> -> memref<50000x8xf32, #tpu.memory_space<hbm>>
      tpu.enqueue_indirect_dma source(%dma_start3A_131 : memref<50000x8xf32, #tpu.memory_space<hbm>>) target(%arg14 : memref<1024x8xf32, #tpu.memory_space<vmem>>) offsets(%arg12 : memref<1024xi32, #tpu.memory_space<vmem>>) semaphore(%arg18 : memref<!tpu.dma_semaphore, #tpu.memory_space<semaphore_mem>>)
      %dma_start3A_132 = arith.constant 0 : i32
      %dma_start3A_133 = arith.constant 0 : i32
      %dma_start3A_134 = tpu.memref_slice %arg3[%dma_start3A_132, %dma_start3A_133] : memref<50000x8xf32, #tpu.memory_space<hbm>> -> memref<50000x8xf32, #tpu.memory_space<hbm>>
      tpu.enqueue_indirect_dma source(%dma_start3A_134 : memref<50000x8xf32, #tpu.memory_space<hbm>>) target(%arg15 : memref<1024x8xf32, #tpu.memory_space<vmem>>) offsets(%arg13 : memref<1024xi32, #tpu.memory_space<vmem>>) semaphore(%arg18 : memref<!tpu.dma_semaphore, #tpu.memory_space<semaphore_mem>>)
    } else {
    }
    %add3A_70 = arith.constant 1 : i32
    %add3A_71 = arith.addi %add3A_57, %add3A_70 : i32
    %jit3A_72 = arith.constant 2 : i32
    %div3A_73 = arith.divsi %add3A_71, %jit3A_72 : i32
    %sign3A_74 = arith.constant 0 : i32
    %sign3A_75 = arith.cmpi sgt, %add3A_71, %sign3A_74 : i32
    %sign3A_76 = arith.extui %sign3A_75 : i1 to i32
    %sign3A_77 = arith.constant 0 : i32
    %sign3A_78 = arith.cmpi slt, %add3A_71, %sign3A_77 : i32
    %sign3A_79 = arith.extui %sign3A_78 : i1 to i32
    %sign3A_80 = arith.subi %sign3A_76, %sign3A_79 : i32
    %sign3A_81 = arith.constant 0 : i32
    %sign3A_82 = arith.cmpi sgt, %jit3A_72, %sign3A_81 : i32
    %sign3A_83 = arith.extui %sign3A_82 : i1 to i32
    %sign3A_84 = arith.constant 0 : i32
    %sign3A_85 = arith.cmpi slt, %jit3A_72, %sign3A_84 : i32
    %sign3A_86 = arith.extui %sign3A_85 : i1 to i32
    %sign3A_87 = arith.subi %sign3A_83, %sign3A_86 : i32
    %ne3A_88 = arith.cmpi ne, %sign3A_80, %sign3A_87 : i32
    %rem3A_89 = arith.remsi %add3A_71, %jit3A_72 : i32
    %ne3A_90 = arith.constant 0 : i32
    %ne3A_91 = arith.cmpi ne, %rem3A_89, %ne3A_90 : i32
    %and3A_92 = arith.andi %ne3A_88, %ne3A_91 : i1
    %sub3A_93 = arith.constant 1 : i32
    %sub3A_94 = arith.subi %div3A_73, %sub3A_93 : i32
    %select_n3A_95 = arith.select %and3A_92, %sub3A_94, %div3A_73 : i32
    %while3A_96 = arith.constant 0 : i32
    %while3A_97 = arith.constant 0 : i32
    %while3A_98 = arith.subi %select_n3A_95, %while3A_97 : i32
    %while3A_99 = arith.addi %while3A_97, %while3A_98 : i32
    %while3A_100 = arith.constant 1 : i32
    %while3A_101 = arith.divsi %while3A_98, %while3A_100 : i32
    %while3A_102 = arith.muli %while3A_101, %while3A_100 : i32
    %while3A_103 = arith.addi %while3A_97, %while3A_102 : i32
    %while3A_104 = arith.constant 1 : i32
    scf.for %while3A_123 = %while3A_97 to %while3A_103 step %while3A_104  : i32 {
      %mul3A_124 = arith.constant 2 : i32
      %mul3A_125 = arith.muli %while3A_123, %mul3A_124 : i32
      %add3A_126 = arith.constant 0 : i32
      %add3A_127 = arith.addi %mul3A_125, %add3A_126 : i32
      %lt3A = arith.cmpi slt, %add3A_127, %add3A_57 : i32
      %convert_element_type3A_128 = arith.extui %lt3A : i1 to i32
      %cond3A_129 = arith.constant 0 : i32
      %cond3A_130 = arith.cmpi ne, %convert_element_type3A_128, %cond3A_129 : i32
      scf.if %cond3A_130 {
        %dma_wait3A = arith.constant 0 : i32
        %dma_wait3A_139 = arith.constant 0 : i32
        %dma_wait3A_140 = tpu.memref_slice %arg3[%dma_wait3A, %dma_wait3A_139] : memref<50000x8xf32, #tpu.memory_space<hbm>> -> memref<1024x8xf32, #tpu.memory_space<hbm>>
        %dma_wait3A_141 = arith.constant 0 : i32
        %dma_wait3A_142 = arith.constant 0 : i32
        %dma_wait3A_143 = tpu.memref_slice %arg3[%dma_wait3A_141, %dma_wait3A_142] : memref<50000x8xf32, #tpu.memory_space<hbm>> -> memref<1024x8xf32, #tpu.memory_space<hbm>>
        tpu.wait_dma2 semaphore(%arg18 : memref<!tpu.dma_semaphore, #tpu.memory_space<semaphore_mem>>) src(%dma_wait3A_143 : memref<1024x8xf32, #tpu.memory_space<hbm>>) dst(%arg14 : memref<1024x8xf32, #tpu.memory_space<vmem>>)
        %dma_wait3A_144 = arith.constant 0 : i32
        %dma_wait3A_145 = arith.constant 0 : i32
        %dma_wait3A_146 = tpu.memref_slice %arg3[%dma_wait3A_144, %dma_wait3A_145] : memref<50000x8xf32, #tpu.memory_space<hbm>> -> memref<1024x8xf32, #tpu.memory_space<hbm>>
        %dma_wait3A_147 = arith.constant 0 : i32
        %dma_wait3A_148 = arith.constant 0 : i32
        %dma_wait3A_149 = tpu.memref_slice %arg3[%dma_wait3A_147, %dma_wait3A_148] : memref<50000x8xf32, #tpu.memory_space<hbm>> -> memref<1024x8xf32, #tpu.memory_space<hbm>>
        tpu.wait_dma2 semaphore(%arg18 : memref<!tpu.dma_semaphore, #tpu.memory_space<semaphore_mem>>) src(%dma_wait3A_149 : memref<1024x8xf32, #tpu.memory_space<hbm>>) dst(%arg15 : memref<1024x8xf32, #tpu.memory_space<vmem>>)
        %add3A_150 = arith.constant 2 : i32
        %add3A_151 = arith.addi %add3A_127, %add3A_150 : i32
        %lt3A_152 = arith.cmpi slt, %add3A_151, %add3A_57 : i32
        %convert_element_type3A_153 = arith.extui %lt3A_152 : i1 to i32
        %cond3A_154 = arith.constant 0 : i32
        %cond3A_155 = arith.cmpi ne, %convert_element_type3A_153, %cond3A_154 : i32
        scf.if %cond3A_155 {
          %add3A_181 = arith.constant 2 : i32
          %add3A_182 = arith.addi %add3A_127, %add3A_181 : i32
          %mul3A_183 = arith.constant 32 : i32
          %mul3A_184 = arith.muli %add3A_182, %mul3A_183 : i32
          %add3A_185 = arith.addi %add3A, %mul3A_184 : i32
          %mul3A_186 = arith.constant 1024 : i32
          %mul3A_187 = arith.muli %add3A_185, %mul3A_186 : i32
          %min3A_188 = arith.constant 798976 : i32
          %min3A_189 = arith.minsi %mul3A_187, %min3A_188 : i32
          %dma_start3A_190 = tpu.memref_slice %arg4[%min3A_189] : memref<800000xi32, #tpu.memory_space<hbm>> -> memref<1024xi32, #tpu.memory_space<hbm>>
          %dma_start3A_191 = tpu.memref_slice %arg4[%min3A_189] : memref<800000xi32, #tpu.memory_space<hbm>> -> memref<1024xi32, #tpu.memory_space<hbm>>
          tpu.enqueue_dma source(%dma_start3A_191 : memref<1024xi32, #tpu.memory_space<hbm>>) target(%arg12 : memref<1024xi32, #tpu.memory_space<vmem>>) target_semaphore(%arg17 : memref<!tpu.dma_semaphore, #tpu.memory_space<semaphore_mem>>)
          %dma_start3A_192 = tpu.memref_slice %arg5[%min3A_189] : memref<800000xi32, #tpu.memory_space<hbm>> -> memref<1024xi32, #tpu.memory_space<hbm>>
          %dma_start3A_193 = tpu.memref_slice %arg5[%min3A_189] : memref<800000xi32, #tpu.memory_space<hbm>> -> memref<1024xi32, #tpu.memory_space<hbm>>
          tpu.enqueue_dma source(%dma_start3A_193 : memref<1024xi32, #tpu.memory_space<hbm>>) target(%arg13 : memref<1024xi32, #tpu.memory_space<vmem>>) target_semaphore(%arg17 : memref<!tpu.dma_semaphore, #tpu.memory_space<semaphore_mem>>)
        } else {
        }
        %add3A_156 = arith.constant 1 : i32
        %add3A_157 = arith.addi %add3A_127, %add3A_156 : i32
        %lt3A_158 = arith.cmpi slt, %add3A_157, %add3A_57 : i32
        %convert_element_type3A_159 = arith.extui %lt3A_158 : i1 to i32
        %cond3A_160 = arith.constant 0 : i32
        %cond3A_161 = arith.cmpi ne, %convert_element_type3A_159, %cond3A_160 : i32
        scf.if %cond3A_161 {
          %dma_wait3A_181 = arith.constant 0 : i32
          %dma_wait3A_182 = tpu.memref_slice %arg4[%dma_wait3A_181] : memref<800000xi32, #tpu.memory_space<hbm>> -> memref<1024xi32, #tpu.memory_space<hbm>>
          %dma_wait3A_183 = arith.constant 0 : i32
          %dma_wait3A_184 = tpu.memref_slice %arg4[%dma_wait3A_183] : memref<800000xi32, #tpu.memory_space<hbm>> -> memref<1024xi32, #tpu.memory_space<hbm>>
          tpu.wait_dma2 semaphore(%arg25 : memref<!tpu.dma_semaphore, #tpu.memory_space<semaphore_mem>>) src(%dma_wait3A_184 : memref<1024xi32, #tpu.memory_space<hbm>>) dst(%arg20 : memref<1024xi32, #tpu.memory_space<vmem>>)
          %dma_wait3A_185 = arith.constant 0 : i32
          %dma_wait3A_186 = tpu.memref_slice %arg5[%dma_wait3A_185] : memref<800000xi32, #tpu.memory_space<hbm>> -> memref<1024xi32, #tpu.memory_space<hbm>>
          %dma_wait3A_187 = arith.constant 0 : i32
          %dma_wait3A_188 = tpu.memref_slice %arg5[%dma_wait3A_187] : memref<800000xi32, #tpu.memory_space<hbm>> -> memref<1024xi32, #tpu.memory_space<hbm>>
          tpu.wait_dma2 semaphore(%arg25 : memref<!tpu.dma_semaphore, #tpu.memory_space<semaphore_mem>>) src(%dma_wait3A_188 : memref<1024xi32, #tpu.memory_space<hbm>>) dst(%arg21 : memref<1024xi32, #tpu.memory_space<vmem>>)
          %dma_start3A_189 = arith.constant 0 : i32
          %dma_start3A_190 = arith.constant 0 : i32
          %dma_start3A_191 = tpu.memref_slice %arg3[%dma_start3A_189, %dma_start3A_190] : memref<50000x8xf32, #tpu.memory_space<hbm>> -> memref<50000x8xf32, #tpu.memory_space<hbm>>
          tpu.enqueue_indirect_dma source(%dma_start3A_191 : memref<50000x8xf32, #tpu.memory_space<hbm>>) target(%arg22 : memref<1024x8xf32, #tpu.memory_space<vmem>>) offsets(%arg20 : memref<1024xi32, #tpu.memory_space<vmem>>) semaphore(%arg26 : memref<!tpu.dma_semaphore, #tpu.memory_space<semaphore_mem>>)
          %dma_start3A_192 = arith.constant 0 : i32
          %dma_start3A_193 = arith.constant 0 : i32
          %dma_start3A_194 = tpu.memref_slice %arg3[%dma_start3A_192, %dma_start3A_193] : memref<50000x8xf32, #tpu.memory_space<hbm>> -> memref<50000x8xf32, #tpu.memory_space<hbm>>
          tpu.enqueue_indirect_dma source(%dma_start3A_194 : memref<50000x8xf32, #tpu.memory_space<hbm>>) target(%arg23 : memref<1024x8xf32, #tpu.memory_space<vmem>>) offsets(%arg21 : memref<1024xi32, #tpu.memory_space<vmem>>) semaphore(%arg26 : memref<!tpu.dma_semaphore, #tpu.memory_space<semaphore_mem>>)
        } else {
        }
        %ge3A_162 = arith.constant 2 : i32
        %ge3A_163 = arith.cmpi sge, %add3A_127, %ge3A_162 : i32
        %convert_element_type3A_164 = arith.extui %ge3A_163 : i1 to i32
        %cond3A_165 = arith.constant 0 : i32
        %cond3A_166 = arith.cmpi ne, %convert_element_type3A_164, %cond3A_165 : i32
        scf.if %cond3A_166 {
          %dma_wait3A_181 = arith.constant 0 : i32
          %dma_wait3A_182 = arith.constant 0 : i32
          %dma_wait3A_183 = tpu.memref_slice %arg8[%dma_wait3A_181, %dma_wait3A_182] : memref<800000x8xf32, #tpu.memory_space<hbm>> -> memref<1024x8xf32, #tpu.memory_space<hbm>>
          %dma_wait3A_184 = arith.constant 0 : i32
          %dma_wait3A_185 = arith.constant 0 : i32
          %dma_wait3A_186 = tpu.memref_slice %arg8[%dma_wait3A_184, %dma_wait3A_185] : memref<800000x8xf32, #tpu.memory_space<hbm>> -> memref<1024x8xf32, #tpu.memory_space<hbm>>
          tpu.wait_dma2 semaphore(%arg19 : memref<!tpu.dma_semaphore, #tpu.memory_space<semaphore_mem>>) src(%arg16 : memref<1024x8xf32, #tpu.memory_space<vmem>>) dst(%dma_wait3A_186 : memref<1024x8xf32, #tpu.memory_space<hbm>>)
        } else {
        }
        %scan3A = arith.constant 0 : i32
        %scan3A_167 = arith.constant 64 : i32
        %scan3A_168 = arith.addi %scan3A, %scan3A_167 : i32
        %scan3A_169 = arith.constant 1 : i32
        %scan3A_170 = scf.for %scan3A_181 = %scan3A to %scan3A_168 step %scan3A_169 iter_args(%scan3A_182 = %iota3A) -> (vector<16xi32>)  : i32 {
          %broadcast_in_dim3A = arith.constant 0 : i32
          %broadcast_in_dim3A_183 = vector.broadcast %broadcast_in_dim3A : i32 to vector<16xi32>
          %gather3A = tpu.vector_load_idx %arg15[%scan3A_182, %broadcast_in_dim3A_183] : memref<1024x8xf32, #tpu.memory_space<vmem>>[vector<16xi32>, vector<16xi32>], vector<16xf32>,
          %gather3A_184 = tpu.vector_load_idx %arg14[%scan3A_182, %broadcast_in_dim3A_183] : memref<1024x8xf32, #tpu.memory_space<vmem>>[vector<16xi32>, vector<16xi32>], vector<16xf32>,
          %sub3A_185 = arith.subf %gather3A, %gather3A_184 : vector<16xf32>
          tpu.vector_store_idx %arg16[%scan3A_182, %broadcast_in_dim3A_183], %sub3A_185 : memref<1024x8xf32, #tpu.memory_space<vmem>>[vector<16xi32>, vector<16xi32>], vector<16xf32>,
          %broadcast_in_dim3A_186 = arith.constant 1 : i32
          %broadcast_in_dim3A_187 = vector.broadcast %broadcast_in_dim3A_186 : i32 to vector<16xi32>
          %gather3A_188 = tpu.vector_load_idx %arg15[%scan3A_182, %broadcast_in_dim3A_187] : memref<1024x8xf32, #tpu.memory_space<vmem>>[vector<16xi32>, vector<16xi32>], vector<16xf32>,
          %gather3A_189 = tpu.vector_load_idx %arg14[%scan3A_182, %broadcast_in_dim3A_187] : memref<1024x8xf32, #tpu.memory_space<vmem>>[vector<16xi32>, vector<16xi32>], vector<16xf32>,
          %sub3A_190 = arith.subf %gather3A_188, %gather3A_189 : vector<16xf32>
          tpu.vector_store_idx %arg16[%scan3A_182, %broadcast_in_dim3A_187], %sub3A_190 : memref<1024x8xf32, #tpu.memory_space<vmem>>[vector<16xi32>, vector<16xi32>], vector<16xf32>,
          %broadcast_in_dim3A_191 = arith.constant 2 : i32
          %broadcast_in_dim3A_192 = vector.broadcast %broadcast_in_dim3A_191 : i32 to vector<16xi32>
          %gather3A_193 = tpu.vector_load_idx %arg15[%scan3A_182, %broadcast_in_dim3A_192] : memref<1024x8xf32, #tpu.memory_space<vmem>>[vector<16xi32>, vector<16xi32>], vector<16xf32>,
          %gather3A_194 = tpu.vector_load_idx %arg14[%scan3A_182, %broadcast_in_dim3A_192] : memref<1024x8xf32, #tpu.memory_space<vmem>>[vector<16xi32>, vector<16xi32>], vector<16xf32>,
          %sub3A_195 = arith.subf %gather3A_193, %gather3A_194 : vector<16xf32>
          tpu.vector_store_idx %arg16[%scan3A_182, %broadcast_in_dim3A_192], %sub3A_195 : memref<1024x8xf32, #tpu.memory_space<vmem>>[vector<16xi32>, vector<16xi32>], vector<16xf32>,
          %add3A_196 = arith.constant 16 : i32
          %add3A_197 = vector.broadcast %add3A_196 : i32 to vector<16xi32>
          %add3A_198 = arith.addi %scan3A_182, %add3A_197 : vector<16xi32>
          scf.yield %add3A_198 : vector<16xi32>
        }
        %scan3A_171 = arith.constant 64 : i32
        %mul3A_172 = arith.constant 32 : i32
        %mul3A_173 = arith.muli %add3A_127, %mul3A_172 : i32
        %add3A_174 = arith.addi %add3A, %mul3A_173 : i32
        %mul3A_175 = arith.constant 1024 : i32
        %mul3A_176 = arith.muli %add3A_174, %mul3A_175 : i32
        %min3A = arith.constant 798976 : i32
        %min3A_177 = arith.minsi %mul3A_176, %min3A : i32
        %dma_start3A = arith.constant 0 : i32
        %dma_start3A_178 = tpu.memref_slice %arg8[%min3A_177, %dma_start3A] : memref<800000x8xf32, #tpu.memory_space<hbm>> -> memref<1024x8xf32, #tpu.memory_space<hbm>>
        %dma_start3A_179 = arith.constant 0 : i32
        %dma_start3A_180 = tpu.memref_slice %arg8[%min3A_177, %dma_start3A_179] : memref<800000x8xf32, #tpu.memory_space<hbm>> -> memref<1024x8xf32, #tpu.memory_space<hbm>>
        tpu.enqueue_dma source(%arg16 : memref<1024x8xf32, #tpu.memory_space<vmem>>) target(%dma_start3A_180 : memref<1024x8xf32, #tpu.memory_space<hbm>>) target_semaphore(%arg19 : memref<!tpu.dma_semaphore, #tpu.memory_space<semaphore_mem>>)
      } else {
      }
      %mul3A_131 = arith.constant 2 : i32
      %mul3A_132 = arith.muli %while3A_123, %mul3A_131 : i32
      %add3A_133 = arith.constant 1 : i32
      %add3A_134 = arith.addi %mul3A_132, %add3A_133 : i32
      %lt3A_135 = arith.cmpi slt, %add3A_134, %add3A_57 : i32
      %convert_element_type3A_136 = arith.extui %lt3A_135 : i1 to i32
      %cond3A_137 = arith.constant 0 : i32
      %cond3A_138 = arith.cmpi ne, %convert_element_type3A_136, %cond3A_137 : i32
      scf.if %cond3A_138 {
        %dma_wait3A = arith.constant 0 : i32
        %dma_wait3A_139 = arith.constant 0 : i32
        %dma_wait3A_140 = tpu.memref_slice %arg3[%dma_wait3A, %dma_wait3A_139] : memref<50000x8xf32, #tpu.memory_space<hbm>> -> memref<1024x8xf32, #tpu.memory_space<hbm>>
        %dma_wait3A_141 = arith.constant 0 : i32
        %dma_wait3A_142 = arith.constant 0 : i32
        %dma_wait3A_143 = tpu.memref_slice %arg3[%dma_wait3A_141, %dma_wait3A_142] : memref<50000x8xf32, #tpu.memory_space<hbm>> -> memref<1024x8xf32, #tpu.memory_space<hbm>>
        tpu.wait_dma2 semaphore(%arg26 : memref<!tpu.dma_semaphore, #tpu.memory_space<semaphore_mem>>) src(%dma_wait3A_143 : memref<1024x8xf32, #tpu.memory_space<hbm>>) dst(%arg22 : memref<1024x8xf32, #tpu.memory_space<vmem>>)
        %dma_wait3A_144 = arith.constant 0 : i32
        %dma_wait3A_145 = arith.constant 0 : i32
        %dma_wait3A_146 = tpu.memref_slice %arg3[%dma_wait3A_144, %dma_wait3A_145] : memref<50000x8xf32, #tpu.memory_space<hbm>> -> memref<1024x8xf32, #tpu.memory_space<hbm>>
        %dma_wait3A_147 = arith.constant 0 : i32
        %dma_wait3A_148 = arith.constant 0 : i32
        %dma_wait3A_149 = tpu.memref_slice %arg3[%dma_wait3A_147, %dma_wait3A_148] : memref<50000x8xf32, #tpu.memory_space<hbm>> -> memref<1024x8xf32, #tpu.memory_space<hbm>>
        tpu.wait_dma2 semaphore(%arg26 : memref<!tpu.dma_semaphore, #tpu.memory_space<semaphore_mem>>) src(%dma_wait3A_149 : memref<1024x8xf32, #tpu.memory_space<hbm>>) dst(%arg23 : memref<1024x8xf32, #tpu.memory_space<vmem>>)
        %add3A_150 = arith.constant 2 : i32
        %add3A_151 = arith.addi %add3A_134, %add3A_150 : i32
        %lt3A_152 = arith.cmpi slt, %add3A_151, %add3A_57 : i32
        %convert_element_type3A_153 = arith.extui %lt3A_152 : i1 to i32
        %cond3A_154 = arith.constant 0 : i32
        %cond3A_155 = arith.cmpi ne, %convert_element_type3A_153, %cond3A_154 : i32
        scf.if %cond3A_155 {
          %add3A_181 = arith.constant 2 : i32
          %add3A_182 = arith.addi %add3A_134, %add3A_181 : i32
          %mul3A_183 = arith.constant 32 : i32
          %mul3A_184 = arith.muli %add3A_182, %mul3A_183 : i32
          %add3A_185 = arith.addi %add3A, %mul3A_184 : i32
          %mul3A_186 = arith.constant 1024 : i32
          %mul3A_187 = arith.muli %add3A_185, %mul3A_186 : i32
          %min3A_188 = arith.constant 798976 : i32
          %min3A_189 = arith.minsi %mul3A_187, %min3A_188 : i32
          %dma_start3A_190 = tpu.memref_slice %arg4[%min3A_189] : memref<800000xi32, #tpu.memory_space<hbm>> -> memref<1024xi32, #tpu.memory_space<hbm>>
          %dma_start3A_191 = tpu.memref_slice %arg4[%min3A_189] : memref<800000xi32, #tpu.memory_space<hbm>> -> memref<1024xi32, #tpu.memory_space<hbm>>
          tpu.enqueue_dma source(%dma_start3A_191 : memref<1024xi32, #tpu.memory_space<hbm>>) target(%arg20 : memref<1024xi32, #tpu.memory_space<vmem>>) target_semaphore(%arg25 : memref<!tpu.dma_semaphore, #tpu.memory_space<semaphore_mem>>)
          %dma_start3A_192 = tpu.memref_slice %arg5[%min3A_189] : memref<800000xi32, #tpu.memory_space<hbm>> -> memref<1024xi32, #tpu.memory_space<hbm>>
          %dma_start3A_193 = tpu.memref_slice %arg5[%min3A_189] : memref<800000xi32, #tpu.memory_space<hbm>> -> memref<1024xi32, #tpu.memory_space<hbm>>
          tpu.enqueue_dma source(%dma_start3A_193 : memref<1024xi32, #tpu.memory_space<hbm>>) target(%arg21 : memref<1024xi32, #tpu.memory_space<vmem>>) target_semaphore(%arg25 : memref<!tpu.dma_semaphore, #tpu.memory_space<semaphore_mem>>)
        } else {
        }
        %add3A_156 = arith.constant 1 : i32
        %add3A_157 = arith.addi %add3A_134, %add3A_156 : i32
        %lt3A_158 = arith.cmpi slt, %add3A_157, %add3A_57 : i32
        %convert_element_type3A_159 = arith.extui %lt3A_158 : i1 to i32
        %cond3A_160 = arith.constant 0 : i32
        %cond3A_161 = arith.cmpi ne, %convert_element_type3A_159, %cond3A_160 : i32
        scf.if %cond3A_161 {
          %dma_wait3A_181 = arith.constant 0 : i32
          %dma_wait3A_182 = tpu.memref_slice %arg4[%dma_wait3A_181] : memref<800000xi32, #tpu.memory_space<hbm>> -> memref<1024xi32, #tpu.memory_space<hbm>>
          %dma_wait3A_183 = arith.constant 0 : i32
          %dma_wait3A_184 = tpu.memref_slice %arg4[%dma_wait3A_183] : memref<800000xi32, #tpu.memory_space<hbm>> -> memref<1024xi32, #tpu.memory_space<hbm>>
          tpu.wait_dma2 semaphore(%arg17 : memref<!tpu.dma_semaphore, #tpu.memory_space<semaphore_mem>>) src(%dma_wait3A_184 : memref<1024xi32, #tpu.memory_space<hbm>>) dst(%arg12 : memref<1024xi32, #tpu.memory_space<vmem>>)
          %dma_wait3A_185 = arith.constant 0 : i32
          %dma_wait3A_186 = tpu.memref_slice %arg5[%dma_wait3A_185] : memref<800000xi32, #tpu.memory_space<hbm>> -> memref<1024xi32, #tpu.memory_space<hbm>>
          %dma_wait3A_187 = arith.constant 0 : i32
          %dma_wait3A_188 = tpu.memref_slice %arg5[%dma_wait3A_187] : memref<800000xi32, #tpu.memory_space<hbm>> -> memref<1024xi32, #tpu.memory_space<hbm>>
          tpu.wait_dma2 semaphore(%arg17 : memref<!tpu.dma_semaphore, #tpu.memory_space<semaphore_mem>>) src(%dma_wait3A_188 : memref<1024xi32, #tpu.memory_space<hbm>>) dst(%arg13 : memref<1024xi32, #tpu.memory_space<vmem>>)
          %dma_start3A_189 = arith.constant 0 : i32
          %dma_start3A_190 = arith.constant 0 : i32
          %dma_start3A_191 = tpu.memref_slice %arg3[%dma_start3A_189, %dma_start3A_190] : memref<50000x8xf32, #tpu.memory_space<hbm>> -> memref<50000x8xf32, #tpu.memory_space<hbm>>
          tpu.enqueue_indirect_dma source(%dma_start3A_191 : memref<50000x8xf32, #tpu.memory_space<hbm>>) target(%arg14 : memref<1024x8xf32, #tpu.memory_space<vmem>>) offsets(%arg12 : memref<1024xi32, #tpu.memory_space<vmem>>) semaphore(%arg18 : memref<!tpu.dma_semaphore, #tpu.memory_space<semaphore_mem>>)
          %dma_start3A_192 = arith.constant 0 : i32
          %dma_start3A_193 = arith.constant 0 : i32
          %dma_start3A_194 = tpu.memref_slice %arg3[%dma_start3A_192, %dma_start3A_193] : memref<50000x8xf32, #tpu.memory_space<hbm>> -> memref<50000x8xf32, #tpu.memory_space<hbm>>
          tpu.enqueue_indirect_dma source(%dma_start3A_194 : memref<50000x8xf32, #tpu.memory_space<hbm>>) target(%arg15 : memref<1024x8xf32, #tpu.memory_space<vmem>>) offsets(%arg13 : memref<1024xi32, #tpu.memory_space<vmem>>) semaphore(%arg18 : memref<!tpu.dma_semaphore, #tpu.memory_space<semaphore_mem>>)
        } else {
        }
        %ge3A_162 = arith.constant 2 : i32
        %ge3A_163 = arith.cmpi sge, %add3A_134, %ge3A_162 : i32
        %convert_element_type3A_164 = arith.extui %ge3A_163 : i1 to i32
        %cond3A_165 = arith.constant 0 : i32
        %cond3A_166 = arith.cmpi ne, %convert_element_type3A_164, %cond3A_165 : i32
        scf.if %cond3A_166 {
          %dma_wait3A_181 = arith.constant 0 : i32
          %dma_wait3A_182 = arith.constant 0 : i32
          %dma_wait3A_183 = tpu.memref_slice %arg8[%dma_wait3A_181, %dma_wait3A_182] : memref<800000x8xf32, #tpu.memory_space<hbm>> -> memref<1024x8xf32, #tpu.memory_space<hbm>>
          %dma_wait3A_184 = arith.constant 0 : i32
          %dma_wait3A_185 = arith.constant 0 : i32
          %dma_wait3A_186 = tpu.memref_slice %arg8[%dma_wait3A_184, %dma_wait3A_185] : memref<800000x8xf32, #tpu.memory_space<hbm>> -> memref<1024x8xf32, #tpu.memory_space<hbm>>
          tpu.wait_dma2 semaphore(%arg27 : memref<!tpu.dma_semaphore, #tpu.memory_space<semaphore_mem>>) src(%arg24 : memref<1024x8xf32, #tpu.memory_space<vmem>>) dst(%dma_wait3A_186 : memref<1024x8xf32, #tpu.memory_space<hbm>>)
        } else {
        }
        %scan3A = arith.constant 0 : i32
        %scan3A_167 = arith.constant 64 : i32
        %scan3A_168 = arith.addi %scan3A, %scan3A_167 : i32
        %scan3A_169 = arith.constant 1 : i32
        %scan3A_170 = scf.for %scan3A_181 = %scan3A to %scan3A_168 step %scan3A_169 iter_args(%scan3A_182 = %iota3A) -> (vector<16xi32>)  : i32 {
          %broadcast_in_dim3A = arith.constant 0 : i32
          %broadcast_in_dim3A_183 = vector.broadcast %broadcast_in_dim3A : i32 to vector<16xi32>
          %gather3A = tpu.vector_load_idx %arg23[%scan3A_182, %broadcast_in_dim3A_183] : memref<1024x8xf32, #tpu.memory_space<vmem>>[vector<16xi32>, vector<16xi32>], vector<16xf32>,
          %gather3A_184 = tpu.vector_load_idx %arg22[%scan3A_182, %broadcast_in_dim3A_183] : memref<1024x8xf32, #tpu.memory_space<vmem>>[vector<16xi32>, vector<16xi32>], vector<16xf32>,
          %sub3A_185 = arith.subf %gather3A, %gather3A_184 : vector<16xf32>
          tpu.vector_store_idx %arg24[%scan3A_182, %broadcast_in_dim3A_183], %sub3A_185 : memref<1024x8xf32, #tpu.memory_space<vmem>>[vector<16xi32>, vector<16xi32>], vector<16xf32>,
          %broadcast_in_dim3A_186 = arith.constant 1 : i32
          %broadcast_in_dim3A_187 = vector.broadcast %broadcast_in_dim3A_186 : i32 to vector<16xi32>
          %gather3A_188 = tpu.vector_load_idx %arg23[%scan3A_182, %broadcast_in_dim3A_187] : memref<1024x8xf32, #tpu.memory_space<vmem>>[vector<16xi32>, vector<16xi32>], vector<16xf32>,
          %gather3A_189 = tpu.vector_load_idx %arg22[%scan3A_182, %broadcast_in_dim3A_187] : memref<1024x8xf32, #tpu.memory_space<vmem>>[vector<16xi32>, vector<16xi32>], vector<16xf32>,
          %sub3A_190 = arith.subf %gather3A_188, %gather3A_189 : vector<16xf32>
          tpu.vector_store_idx %arg24[%scan3A_182, %broadcast_in_dim3A_187], %sub3A_190 : memref<1024x8xf32, #tpu.memory_space<vmem>>[vector<16xi32>, vector<16xi32>], vector<16xf32>,
          %broadcast_in_dim3A_191 = arith.constant 2 : i32
          %broadcast_in_dim3A_192 = vector.broadcast %broadcast_in_dim3A_191 : i32 to vector<16xi32>
          %gather3A_193 = tpu.vector_load_idx %arg23[%scan3A_182, %broadcast_in_dim3A_192] : memref<1024x8xf32, #tpu.memory_space<vmem>>[vector<16xi32>, vector<16xi32>], vector<16xf32>,
          %gather3A_194 = tpu.vector_load_idx %arg22[%scan3A_182, %broadcast_in_dim3A_192] : memref<1024x8xf32, #tpu.memory_space<vmem>>[vector<16xi32>, vector<16xi32>], vector<16xf32>,
          %sub3A_195 = arith.subf %gather3A_193, %gather3A_194 : vector<16xf32>
          tpu.vector_store_idx %arg24[%scan3A_182, %broadcast_in_dim3A_192], %sub3A_195 : memref<1024x8xf32, #tpu.memory_space<vmem>>[vector<16xi32>, vector<16xi32>], vector<16xf32>,
          %add3A_196 = arith.constant 16 : i32
          %add3A_197 = vector.broadcast %add3A_196 : i32 to vector<16xi32>
          %add3A_198 = arith.addi %scan3A_182, %add3A_197 : vector<16xi32>
          scf.yield %add3A_198 : vector<16xi32>
        }
        %scan3A_171 = arith.constant 64 : i32
        %mul3A_172 = arith.constant 32 : i32
        %mul3A_173 = arith.muli %add3A_134, %mul3A_172 : i32
        %add3A_174 = arith.addi %add3A, %mul3A_173 : i32
        %mul3A_175 = arith.constant 1024 : i32
        %mul3A_176 = arith.muli %add3A_174, %mul3A_175 : i32
        %min3A = arith.constant 798976 : i32
        %min3A_177 = arith.minsi %mul3A_176, %min3A : i32
        %dma_start3A = arith.constant 0 : i32
        %dma_start3A_178 = tpu.memref_slice %arg8[%min3A_177, %dma_start3A] : memref<800000x8xf32, #tpu.memory_space<hbm>> -> memref<1024x8xf32, #tpu.memory_space<hbm>>
        %dma_start3A_179 = arith.constant 0 : i32
        %dma_start3A_180 = tpu.memref_slice %arg8[%min3A_177, %dma_start3A_179] : memref<800000x8xf32, #tpu.memory_space<hbm>> -> memref<1024x8xf32, #tpu.memory_space<hbm>>
        tpu.enqueue_dma source(%arg24 : memref<1024x8xf32, #tpu.memory_space<vmem>>) target(%dma_start3A_180 : memref<1024x8xf32, #tpu.memory_space<hbm>>) target_semaphore(%arg27 : memref<!tpu.dma_semaphore, #tpu.memory_space<semaphore_mem>>)
      } else {
      }
    }
    %while3A_105 = arith.constant 1 : i32
    scf.for %while3A_123 = %while3A_103 to %while3A_99 step %while3A_105  : i32 {
      %mul3A_124 = arith.constant 2 : i32
      %mul3A_125 = arith.muli %while3A_123, %mul3A_124 : i32
      %add3A_126 = arith.constant 0 : i32
      %add3A_127 = arith.addi %mul3A_125, %add3A_126 : i32
      %lt3A = arith.cmpi slt, %add3A_127, %add3A_57 : i32
      %convert_element_type3A_128 = arith.extui %lt3A : i1 to i32
      %cond3A_129 = arith.constant 0 : i32
      %cond3A_130 = arith.cmpi ne, %convert_element_type3A_128, %cond3A_129 : i32
      scf.if %cond3A_130 {
        %dma_wait3A = arith.constant 0 : i32
        %dma_wait3A_139 = arith.constant 0 : i32
        %dma_wait3A_140 = tpu.memref_slice %arg3[%dma_wait3A, %dma_wait3A_139] : memref<50000x8xf32, #tpu.memory_space<hbm>> -> memref<1024x8xf32, #tpu.memory_space<hbm>>
        %dma_wait3A_141 = arith.constant 0 : i32
        %dma_wait3A_142 = arith.constant 0 : i32
        %dma_wait3A_143 = tpu.memref_slice %arg3[%dma_wait3A_141, %dma_wait3A_142] : memref<50000x8xf32, #tpu.memory_space<hbm>> -> memref<1024x8xf32, #tpu.memory_space<hbm>>
        tpu.wait_dma2 semaphore(%arg18 : memref<!tpu.dma_semaphore, #tpu.memory_space<semaphore_mem>>) src(%dma_wait3A_143 : memref<1024x8xf32, #tpu.memory_space<hbm>>) dst(%arg14 : memref<1024x8xf32, #tpu.memory_space<vmem>>)
        %dma_wait3A_144 = arith.constant 0 : i32
        %dma_wait3A_145 = arith.constant 0 : i32
        %dma_wait3A_146 = tpu.memref_slice %arg3[%dma_wait3A_144, %dma_wait3A_145] : memref<50000x8xf32, #tpu.memory_space<hbm>> -> memref<1024x8xf32, #tpu.memory_space<hbm>>
        %dma_wait3A_147 = arith.constant 0 : i32
        %dma_wait3A_148 = arith.constant 0 : i32
        %dma_wait3A_149 = tpu.memref_slice %arg3[%dma_wait3A_147, %dma_wait3A_148] : memref<50000x8xf32, #tpu.memory_space<hbm>> -> memref<1024x8xf32, #tpu.memory_space<hbm>>
        tpu.wait_dma2 semaphore(%arg18 : memref<!tpu.dma_semaphore, #tpu.memory_space<semaphore_mem>>) src(%dma_wait3A_149 : memref<1024x8xf32, #tpu.memory_space<hbm>>) dst(%arg15 : memref<1024x8xf32, #tpu.memory_space<vmem>>)
        %add3A_150 = arith.constant 2 : i32
        %add3A_151 = arith.addi %add3A_127, %add3A_150 : i32
        %lt3A_152 = arith.cmpi slt, %add3A_151, %add3A_57 : i32
        %convert_element_type3A_153 = arith.extui %lt3A_152 : i1 to i32
        %cond3A_154 = arith.constant 0 : i32
        %cond3A_155 = arith.cmpi ne, %convert_element_type3A_153, %cond3A_154 : i32
        scf.if %cond3A_155 {
          %add3A_181 = arith.constant 2 : i32
          %add3A_182 = arith.addi %add3A_127, %add3A_181 : i32
          %mul3A_183 = arith.constant 32 : i32
          %mul3A_184 = arith.muli %add3A_182, %mul3A_183 : i32
          %add3A_185 = arith.addi %add3A, %mul3A_184 : i32
          %mul3A_186 = arith.constant 1024 : i32
          %mul3A_187 = arith.muli %add3A_185, %mul3A_186 : i32
          %min3A_188 = arith.constant 798976 : i32
          %min3A_189 = arith.minsi %mul3A_187, %min3A_188 : i32
          %dma_start3A_190 = tpu.memref_slice %arg4[%min3A_189] : memref<800000xi32, #tpu.memory_space<hbm>> -> memref<1024xi32, #tpu.memory_space<hbm>>
          %dma_start3A_191 = tpu.memref_slice %arg4[%min3A_189] : memref<800000xi32, #tpu.memory_space<hbm>> -> memref<1024xi32, #tpu.memory_space<hbm>>
          tpu.enqueue_dma source(%dma_start3A_191 : memref<1024xi32, #tpu.memory_space<hbm>>) target(%arg12 : memref<1024xi32, #tpu.memory_space<vmem>>) target_semaphore(%arg17 : memref<!tpu.dma_semaphore, #tpu.memory_space<semaphore_mem>>)
          %dma_start3A_192 = tpu.memref_slice %arg5[%min3A_189] : memref<800000xi32, #tpu.memory_space<hbm>> -> memref<1024xi32, #tpu.memory_space<hbm>>
          %dma_start3A_193 = tpu.memref_slice %arg5[%min3A_189] : memref<800000xi32, #tpu.memory_space<hbm>> -> memref<1024xi32, #tpu.memory_space<hbm>>
          tpu.enqueue_dma source(%dma_start3A_193 : memref<1024xi32, #tpu.memory_space<hbm>>) target(%arg13 : memref<1024xi32, #tpu.memory_space<vmem>>) target_semaphore(%arg17 : memref<!tpu.dma_semaphore, #tpu.memory_space<semaphore_mem>>)
        } else {
        }
        %add3A_156 = arith.constant 1 : i32
        %add3A_157 = arith.addi %add3A_127, %add3A_156 : i32
        %lt3A_158 = arith.cmpi slt, %add3A_157, %add3A_57 : i32
        %convert_element_type3A_159 = arith.extui %lt3A_158 : i1 to i32
        %cond3A_160 = arith.constant 0 : i32
        %cond3A_161 = arith.cmpi ne, %convert_element_type3A_159, %cond3A_160 : i32
        scf.if %cond3A_161 {
          %dma_wait3A_181 = arith.constant 0 : i32
          %dma_wait3A_182 = tpu.memref_slice %arg4[%dma_wait3A_181] : memref<800000xi32, #tpu.memory_space<hbm>> -> memref<1024xi32, #tpu.memory_space<hbm>>
          %dma_wait3A_183 = arith.constant 0 : i32
          %dma_wait3A_184 = tpu.memref_slice %arg4[%dma_wait3A_183] : memref<800000xi32, #tpu.memory_space<hbm>> -> memref<1024xi32, #tpu.memory_space<hbm>>
          tpu.wait_dma2 semaphore(%arg25 : memref<!tpu.dma_semaphore, #tpu.memory_space<semaphore_mem>>) src(%dma_wait3A_184 : memref<1024xi32, #tpu.memory_space<hbm>>) dst(%arg20 : memref<1024xi32, #tpu.memory_space<vmem>>)
          %dma_wait3A_185 = arith.constant 0 : i32
          %dma_wait3A_186 = tpu.memref_slice %arg5[%dma_wait3A_185] : memref<800000xi32, #tpu.memory_space<hbm>> -> memref<1024xi32, #tpu.memory_space<hbm>>
          %dma_wait3A_187 = arith.constant 0 : i32
          %dma_wait3A_188 = tpu.memref_slice %arg5[%dma_wait3A_187] : memref<800000xi32, #tpu.memory_space<hbm>> -> memref<1024xi32, #tpu.memory_space<hbm>>
          tpu.wait_dma2 semaphore(%arg25 : memref<!tpu.dma_semaphore, #tpu.memory_space<semaphore_mem>>) src(%dma_wait3A_188 : memref<1024xi32, #tpu.memory_space<hbm>>) dst(%arg21 : memref<1024xi32, #tpu.memory_space<vmem>>)
          %dma_start3A_189 = arith.constant 0 : i32
          %dma_start3A_190 = arith.constant 0 : i32
          %dma_start3A_191 = tpu.memref_slice %arg3[%dma_start3A_189, %dma_start3A_190] : memref<50000x8xf32, #tpu.memory_space<hbm>> -> memref<50000x8xf32, #tpu.memory_space<hbm>>
          tpu.enqueue_indirect_dma source(%dma_start3A_191 : memref<50000x8xf32, #tpu.memory_space<hbm>>) target(%arg22 : memref<1024x8xf32, #tpu.memory_space<vmem>>) offsets(%arg20 : memref<1024xi32, #tpu.memory_space<vmem>>) semaphore(%arg26 : memref<!tpu.dma_semaphore, #tpu.memory_space<semaphore_mem>>)
          %dma_start3A_192 = arith.constant 0 : i32
          %dma_start3A_193 = arith.constant 0 : i32
          %dma_start3A_194 = tpu.memref_slice %arg3[%dma_start3A_192, %dma_start3A_193] : memref<50000x8xf32, #tpu.memory_space<hbm>> -> memref<50000x8xf32, #tpu.memory_space<hbm>>
          tpu.enqueue_indirect_dma source(%dma_start3A_194 : memref<50000x8xf32, #tpu.memory_space<hbm>>) target(%arg23 : memref<1024x8xf32, #tpu.memory_space<vmem>>) offsets(%arg21 : memref<1024xi32, #tpu.memory_space<vmem>>) semaphore(%arg26 : memref<!tpu.dma_semaphore, #tpu.memory_space<semaphore_mem>>)
        } else {
        }
        %ge3A_162 = arith.constant 2 : i32
        %ge3A_163 = arith.cmpi sge, %add3A_127, %ge3A_162 : i32
        %convert_element_type3A_164 = arith.extui %ge3A_163 : i1 to i32
        %cond3A_165 = arith.constant 0 : i32
        %cond3A_166 = arith.cmpi ne, %convert_element_type3A_164, %cond3A_165 : i32
        scf.if %cond3A_166 {
          %dma_wait3A_181 = arith.constant 0 : i32
          %dma_wait3A_182 = arith.constant 0 : i32
          %dma_wait3A_183 = tpu.memref_slice %arg8[%dma_wait3A_181, %dma_wait3A_182] : memref<800000x8xf32, #tpu.memory_space<hbm>> -> memref<1024x8xf32, #tpu.memory_space<hbm>>
          %dma_wait3A_184 = arith.constant 0 : i32
          %dma_wait3A_185 = arith.constant 0 : i32
          %dma_wait3A_186 = tpu.memref_slice %arg8[%dma_wait3A_184, %dma_wait3A_185] : memref<800000x8xf32, #tpu.memory_space<hbm>> -> memref<1024x8xf32, #tpu.memory_space<hbm>>
          tpu.wait_dma2 semaphore(%arg19 : memref<!tpu.dma_semaphore, #tpu.memory_space<semaphore_mem>>) src(%arg16 : memref<1024x8xf32, #tpu.memory_space<vmem>>) dst(%dma_wait3A_186 : memref<1024x8xf32, #tpu.memory_space<hbm>>)
        } else {
        }
        %scan3A = arith.constant 0 : i32
        %scan3A_167 = arith.constant 64 : i32
        %scan3A_168 = arith.addi %scan3A, %scan3A_167 : i32
        %scan3A_169 = arith.constant 1 : i32
        %scan3A_170 = scf.for %scan3A_181 = %scan3A to %scan3A_168 step %scan3A_169 iter_args(%scan3A_182 = %iota3A) -> (vector<16xi32>)  : i32 {
          %broadcast_in_dim3A = arith.constant 0 : i32
          %broadcast_in_dim3A_183 = vector.broadcast %broadcast_in_dim3A : i32 to vector<16xi32>
          %gather3A = tpu.vector_load_idx %arg15[%scan3A_182, %broadcast_in_dim3A_183] : memref<1024x8xf32, #tpu.memory_space<vmem>>[vector<16xi32>, vector<16xi32>], vector<16xf32>,
          %gather3A_184 = tpu.vector_load_idx %arg14[%scan3A_182, %broadcast_in_dim3A_183] : memref<1024x8xf32, #tpu.memory_space<vmem>>[vector<16xi32>, vector<16xi32>], vector<16xf32>,
          %sub3A_185 = arith.subf %gather3A, %gather3A_184 : vector<16xf32>
          tpu.vector_store_idx %arg16[%scan3A_182, %broadcast_in_dim3A_183], %sub3A_185 : memref<1024x8xf32, #tpu.memory_space<vmem>>[vector<16xi32>, vector<16xi32>], vector<16xf32>,
          %broadcast_in_dim3A_186 = arith.constant 1 : i32
          %broadcast_in_dim3A_187 = vector.broadcast %broadcast_in_dim3A_186 : i32 to vector<16xi32>
          %gather3A_188 = tpu.vector_load_idx %arg15[%scan3A_182, %broadcast_in_dim3A_187] : memref<1024x8xf32, #tpu.memory_space<vmem>>[vector<16xi32>, vector<16xi32>], vector<16xf32>,
          %gather3A_189 = tpu.vector_load_idx %arg14[%scan3A_182, %broadcast_in_dim3A_187] : memref<1024x8xf32, #tpu.memory_space<vmem>>[vector<16xi32>, vector<16xi32>], vector<16xf32>,
          %sub3A_190 = arith.subf %gather3A_188, %gather3A_189 : vector<16xf32>
          tpu.vector_store_idx %arg16[%scan3A_182, %broadcast_in_dim3A_187], %sub3A_190 : memref<1024x8xf32, #tpu.memory_space<vmem>>[vector<16xi32>, vector<16xi32>], vector<16xf32>,
          %broadcast_in_dim3A_191 = arith.constant 2 : i32
          %broadcast_in_dim3A_192 = vector.broadcast %broadcast_in_dim3A_191 : i32 to vector<16xi32>
          %gather3A_193 = tpu.vector_load_idx %arg15[%scan3A_182, %broadcast_in_dim3A_192] : memref<1024x8xf32, #tpu.memory_space<vmem>>[vector<16xi32>, vector<16xi32>], vector<16xf32>,
          %gather3A_194 = tpu.vector_load_idx %arg14[%scan3A_182, %broadcast_in_dim3A_192] : memref<1024x8xf32, #tpu.memory_space<vmem>>[vector<16xi32>, vector<16xi32>], vector<16xf32>,
          %sub3A_195 = arith.subf %gather3A_193, %gather3A_194 : vector<16xf32>
          tpu.vector_store_idx %arg16[%scan3A_182, %broadcast_in_dim3A_192], %sub3A_195 : memref<1024x8xf32, #tpu.memory_space<vmem>>[vector<16xi32>, vector<16xi32>], vector<16xf32>,
          %add3A_196 = arith.constant 16 : i32
          %add3A_197 = vector.broadcast %add3A_196 : i32 to vector<16xi32>
          %add3A_198 = arith.addi %scan3A_182, %add3A_197 : vector<16xi32>
          scf.yield %add3A_198 : vector<16xi32>
        }
        %scan3A_171 = arith.constant 64 : i32
        %mul3A_172 = arith.constant 32 : i32
        %mul3A_173 = arith.muli %add3A_127, %mul3A_172 : i32
        %add3A_174 = arith.addi %add3A, %mul3A_173 : i32
        %mul3A_175 = arith.constant 1024 : i32
        %mul3A_176 = arith.muli %add3A_174, %mul3A_175 : i32
        %min3A = arith.constant 798976 : i32
        %min3A_177 = arith.minsi %mul3A_176, %min3A : i32
        %dma_start3A = arith.constant 0 : i32
        %dma_start3A_178 = tpu.memref_slice %arg8[%min3A_177, %dma_start3A] : memref<800000x8xf32, #tpu.memory_space<hbm>> -> memref<1024x8xf32, #tpu.memory_space<hbm>>
        %dma_start3A_179 = arith.constant 0 : i32
        %dma_start3A_180 = tpu.memref_slice %arg8[%min3A_177, %dma_start3A_179] : memref<800000x8xf32, #tpu.memory_space<hbm>> -> memref<1024x8xf32, #tpu.memory_space<hbm>>
        tpu.enqueue_dma source(%arg16 : memref<1024x8xf32, #tpu.memory_space<vmem>>) target(%dma_start3A_180 : memref<1024x8xf32, #tpu.memory_space<hbm>>) target_semaphore(%arg19 : memref<!tpu.dma_semaphore, #tpu.memory_space<semaphore_mem>>)
      } else {
      }
      %mul3A_131 = arith.constant 2 : i32
      %mul3A_132 = arith.muli %while3A_123, %mul3A_131 : i32
      %add3A_133 = arith.constant 1 : i32
      %add3A_134 = arith.addi %mul3A_132, %add3A_133 : i32
      %lt3A_135 = arith.cmpi slt, %add3A_134, %add3A_57 : i32
      %convert_element_type3A_136 = arith.extui %lt3A_135 : i1 to i32
      %cond3A_137 = arith.constant 0 : i32
      %cond3A_138 = arith.cmpi ne, %convert_element_type3A_136, %cond3A_137 : i32
      scf.if %cond3A_138 {
        %dma_wait3A = arith.constant 0 : i32
        %dma_wait3A_139 = arith.constant 0 : i32
        %dma_wait3A_140 = tpu.memref_slice %arg3[%dma_wait3A, %dma_wait3A_139] : memref<50000x8xf32, #tpu.memory_space<hbm>> -> memref<1024x8xf32, #tpu.memory_space<hbm>>
        %dma_wait3A_141 = arith.constant 0 : i32
        %dma_wait3A_142 = arith.constant 0 : i32
        %dma_wait3A_143 = tpu.memref_slice %arg3[%dma_wait3A_141, %dma_wait3A_142] : memref<50000x8xf32, #tpu.memory_space<hbm>> -> memref<1024x8xf32, #tpu.memory_space<hbm>>
        tpu.wait_dma2 semaphore(%arg26 : memref<!tpu.dma_semaphore, #tpu.memory_space<semaphore_mem>>) src(%dma_wait3A_143 : memref<1024x8xf32, #tpu.memory_space<hbm>>) dst(%arg22 : memref<1024x8xf32, #tpu.memory_space<vmem>>)
        %dma_wait3A_144 = arith.constant 0 : i32
        %dma_wait3A_145 = arith.constant 0 : i32
        %dma_wait3A_146 = tpu.memref_slice %arg3[%dma_wait3A_144, %dma_wait3A_145] : memref<50000x8xf32, #tpu.memory_space<hbm>> -> memref<1024x8xf32, #tpu.memory_space<hbm>>
        %dma_wait3A_147 = arith.constant 0 : i32
        %dma_wait3A_148 = arith.constant 0 : i32
        %dma_wait3A_149 = tpu.memref_slice %arg3[%dma_wait3A_147, %dma_wait3A_148] : memref<50000x8xf32, #tpu.memory_space<hbm>> -> memref<1024x8xf32, #tpu.memory_space<hbm>>
        tpu.wait_dma2 semaphore(%arg26 : memref<!tpu.dma_semaphore, #tpu.memory_space<semaphore_mem>>) src(%dma_wait3A_149 : memref<1024x8xf32, #tpu.memory_space<hbm>>) dst(%arg23 : memref<1024x8xf32, #tpu.memory_space<vmem>>)
        %add3A_150 = arith.constant 2 : i32
        %add3A_151 = arith.addi %add3A_134, %add3A_150 : i32
        %lt3A_152 = arith.cmpi slt, %add3A_151, %add3A_57 : i32
        %convert_element_type3A_153 = arith.extui %lt3A_152 : i1 to i32
        %cond3A_154 = arith.constant 0 : i32
        %cond3A_155 = arith.cmpi ne, %convert_element_type3A_153, %cond3A_154 : i32
        scf.if %cond3A_155 {
          %add3A_181 = arith.constant 2 : i32
          %add3A_182 = arith.addi %add3A_134, %add3A_181 : i32
          %mul3A_183 = arith.constant 32 : i32
          %mul3A_184 = arith.muli %add3A_182, %mul3A_183 : i32
          %add3A_185 = arith.addi %add3A, %mul3A_184 : i32
          %mul3A_186 = arith.constant 1024 : i32
          %mul3A_187 = arith.muli %add3A_185, %mul3A_186 : i32
          %min3A_188 = arith.constant 798976 : i32
          %min3A_189 = arith.minsi %mul3A_187, %min3A_188 : i32
          %dma_start3A_190 = tpu.memref_slice %arg4[%min3A_189] : memref<800000xi32, #tpu.memory_space<hbm>> -> memref<1024xi32, #tpu.memory_space<hbm>>
          %dma_start3A_191 = tpu.memref_slice %arg4[%min3A_189] : memref<800000xi32, #tpu.memory_space<hbm>> -> memref<1024xi32, #tpu.memory_space<hbm>>
          tpu.enqueue_dma source(%dma_start3A_191 : memref<1024xi32, #tpu.memory_space<hbm>>) target(%arg20 : memref<1024xi32, #tpu.memory_space<vmem>>) target_semaphore(%arg25 : memref<!tpu.dma_semaphore, #tpu.memory_space<semaphore_mem>>)
          %dma_start3A_192 = tpu.memref_slice %arg5[%min3A_189] : memref<800000xi32, #tpu.memory_space<hbm>> -> memref<1024xi32, #tpu.memory_space<hbm>>
          %dma_start3A_193 = tpu.memref_slice %arg5[%min3A_189] : memref<800000xi32, #tpu.memory_space<hbm>> -> memref<1024xi32, #tpu.memory_space<hbm>>
          tpu.enqueue_dma source(%dma_start3A_193 : memref<1024xi32, #tpu.memory_space<hbm>>) target(%arg21 : memref<1024xi32, #tpu.memory_space<vmem>>) target_semaphore(%arg25 : memref<!tpu.dma_semaphore, #tpu.memory_space<semaphore_mem>>)
        } else {
        }
        %add3A_156 = arith.constant 1 : i32
        %add3A_157 = arith.addi %add3A_134, %add3A_156 : i32
        %lt3A_158 = arith.cmpi slt, %add3A_157, %add3A_57 : i32
        %convert_element_type3A_159 = arith.extui %lt3A_158 : i1 to i32
        %cond3A_160 = arith.constant 0 : i32
        %cond3A_161 = arith.cmpi ne, %convert_element_type3A_159, %cond3A_160 : i32
        scf.if %cond3A_161 {
          %dma_wait3A_181 = arith.constant 0 : i32
          %dma_wait3A_182 = tpu.memref_slice %arg4[%dma_wait3A_181] : memref<800000xi32, #tpu.memory_space<hbm>> -> memref<1024xi32, #tpu.memory_space<hbm>>
          %dma_wait3A_183 = arith.constant 0 : i32
          %dma_wait3A_184 = tpu.memref_slice %arg4[%dma_wait3A_183] : memref<800000xi32, #tpu.memory_space<hbm>> -> memref<1024xi32, #tpu.memory_space<hbm>>
          tpu.wait_dma2 semaphore(%arg17 : memref<!tpu.dma_semaphore, #tpu.memory_space<semaphore_mem>>) src(%dma_wait3A_184 : memref<1024xi32, #tpu.memory_space<hbm>>) dst(%arg12 : memref<1024xi32, #tpu.memory_space<vmem>>)
          %dma_wait3A_185 = arith.constant 0 : i32
          %dma_wait3A_186 = tpu.memref_slice %arg5[%dma_wait3A_185] : memref<800000xi32, #tpu.memory_space<hbm>> -> memref<1024xi32, #tpu.memory_space<hbm>>
          %dma_wait3A_187 = arith.constant 0 : i32
          %dma_wait3A_188 = tpu.memref_slice %arg5[%dma_wait3A_187] : memref<800000xi32, #tpu.memory_space<hbm>> -> memref<1024xi32, #tpu.memory_space<hbm>>
          tpu.wait_dma2 semaphore(%arg17 : memref<!tpu.dma_semaphore, #tpu.memory_space<semaphore_mem>>) src(%dma_wait3A_188 : memref<1024xi32, #tpu.memory_space<hbm>>) dst(%arg13 : memref<1024xi32, #tpu.memory_space<vmem>>)
          %dma_start3A_189 = arith.constant 0 : i32
          %dma_start3A_190 = arith.constant 0 : i32
          %dma_start3A_191 = tpu.memref_slice %arg3[%dma_start3A_189, %dma_start3A_190] : memref<50000x8xf32, #tpu.memory_space<hbm>> -> memref<50000x8xf32, #tpu.memory_space<hbm>>
          tpu.enqueue_indirect_dma source(%dma_start3A_191 : memref<50000x8xf32, #tpu.memory_space<hbm>>) target(%arg14 : memref<1024x8xf32, #tpu.memory_space<vmem>>) offsets(%arg12 : memref<1024xi32, #tpu.memory_space<vmem>>) semaphore(%arg18 : memref<!tpu.dma_semaphore, #tpu.memory_space<semaphore_mem>>)
          %dma_start3A_192 = arith.constant 0 : i32
          %dma_start3A_193 = arith.constant 0 : i32
          %dma_start3A_194 = tpu.memref_slice %arg3[%dma_start3A_192, %dma_start3A_193] : memref<50000x8xf32, #tpu.memory_space<hbm>> -> memref<50000x8xf32, #tpu.memory_space<hbm>>
          tpu.enqueue_indirect_dma source(%dma_start3A_194 : memref<50000x8xf32, #tpu.memory_space<hbm>>) target(%arg15 : memref<1024x8xf32, #tpu.memory_space<vmem>>) offsets(%arg13 : memref<1024xi32, #tpu.memory_space<vmem>>) semaphore(%arg18 : memref<!tpu.dma_semaphore, #tpu.memory_space<semaphore_mem>>)
        } else {
        }
        %ge3A_162 = arith.constant 2 : i32
        %ge3A_163 = arith.cmpi sge, %add3A_134, %ge3A_162 : i32
        %convert_element_type3A_164 = arith.extui %ge3A_163 : i1 to i32
        %cond3A_165 = arith.constant 0 : i32
        %cond3A_166 = arith.cmpi ne, %convert_element_type3A_164, %cond3A_165 : i32
        scf.if %cond3A_166 {
          %dma_wait3A_181 = arith.constant 0 : i32
          %dma_wait3A_182 = arith.constant 0 : i32
          %dma_wait3A_183 = tpu.memref_slice %arg8[%dma_wait3A_181, %dma_wait3A_182] : memref<800000x8xf32, #tpu.memory_space<hbm>> -> memref<1024x8xf32, #tpu.memory_space<hbm>>
          %dma_wait3A_184 = arith.constant 0 : i32
          %dma_wait3A_185 = arith.constant 0 : i32
          %dma_wait3A_186 = tpu.memref_slice %arg8[%dma_wait3A_184, %dma_wait3A_185] : memref<800000x8xf32, #tpu.memory_space<hbm>> -> memref<1024x8xf32, #tpu.memory_space<hbm>>
          tpu.wait_dma2 semaphore(%arg27 : memref<!tpu.dma_semaphore, #tpu.memory_space<semaphore_mem>>) src(%arg24 : memref<1024x8xf32, #tpu.memory_space<vmem>>) dst(%dma_wait3A_186 : memref<1024x8xf32, #tpu.memory_space<hbm>>)
        } else {
        }
        %scan3A = arith.constant 0 : i32
        %scan3A_167 = arith.constant 64 : i32
        %scan3A_168 = arith.addi %scan3A, %scan3A_167 : i32
        %scan3A_169 = arith.constant 1 : i32
        %scan3A_170 = scf.for %scan3A_181 = %scan3A to %scan3A_168 step %scan3A_169 iter_args(%scan3A_182 = %iota3A) -> (vector<16xi32>)  : i32 {
          %broadcast_in_dim3A = arith.constant 0 : i32
          %broadcast_in_dim3A_183 = vector.broadcast %broadcast_in_dim3A : i32 to vector<16xi32>
          %gather3A = tpu.vector_load_idx %arg23[%scan3A_182, %broadcast_in_dim3A_183] : memref<1024x8xf32, #tpu.memory_space<vmem>>[vector<16xi32>, vector<16xi32>], vector<16xf32>,
          %gather3A_184 = tpu.vector_load_idx %arg22[%scan3A_182, %broadcast_in_dim3A_183] : memref<1024x8xf32, #tpu.memory_space<vmem>>[vector<16xi32>, vector<16xi32>], vector<16xf32>,
          %sub3A_185 = arith.subf %gather3A, %gather3A_184 : vector<16xf32>
          tpu.vector_store_idx %arg24[%scan3A_182, %broadcast_in_dim3A_183], %sub3A_185 : memref<1024x8xf32, #tpu.memory_space<vmem>>[vector<16xi32>, vector<16xi32>], vector<16xf32>,
          %broadcast_in_dim3A_186 = arith.constant 1 : i32
          %broadcast_in_dim3A_187 = vector.broadcast %broadcast_in_dim3A_186 : i32 to vector<16xi32>
          %gather3A_188 = tpu.vector_load_idx %arg23[%scan3A_182, %broadcast_in_dim3A_187] : memref<1024x8xf32, #tpu.memory_space<vmem>>[vector<16xi32>, vector<16xi32>], vector<16xf32>,
          %gather3A_189 = tpu.vector_load_idx %arg22[%scan3A_182, %broadcast_in_dim3A_187] : memref<1024x8xf32, #tpu.memory_space<vmem>>[vector<16xi32>, vector<16xi32>], vector<16xf32>,
          %sub3A_190 = arith.subf %gather3A_188, %gather3A_189 : vector<16xf32>
          tpu.vector_store_idx %arg24[%scan3A_182, %broadcast_in_dim3A_187], %sub3A_190 : memref<1024x8xf32, #tpu.memory_space<vmem>>[vector<16xi32>, vector<16xi32>], vector<16xf32>,
          %broadcast_in_dim3A_191 = arith.constant 2 : i32
          %broadcast_in_dim3A_192 = vector.broadcast %broadcast_in_dim3A_191 : i32 to vector<16xi32>
          %gather3A_193 = tpu.vector_load_idx %arg23[%scan3A_182, %broadcast_in_dim3A_192] : memref<1024x8xf32, #tpu.memory_space<vmem>>[vector<16xi32>, vector<16xi32>], vector<16xf32>,
          %gather3A_194 = tpu.vector_load_idx %arg22[%scan3A_182, %broadcast_in_dim3A_192] : memref<1024x8xf32, #tpu.memory_space<vmem>>[vector<16xi32>, vector<16xi32>], vector<16xf32>,
          %sub3A_195 = arith.subf %gather3A_193, %gather3A_194 : vector<16xf32>
          tpu.vector_store_idx %arg24[%scan3A_182, %broadcast_in_dim3A_192], %sub3A_195 : memref<1024x8xf32, #tpu.memory_space<vmem>>[vector<16xi32>, vector<16xi32>], vector<16xf32>,
          %add3A_196 = arith.constant 16 : i32
          %add3A_197 = vector.broadcast %add3A_196 : i32 to vector<16xi32>
          %add3A_198 = arith.addi %scan3A_182, %add3A_197 : vector<16xi32>
          scf.yield %add3A_198 : vector<16xi32>
        }
        %scan3A_171 = arith.constant 64 : i32
        %mul3A_172 = arith.constant 32 : i32
        %mul3A_173 = arith.muli %add3A_134, %mul3A_172 : i32
        %add3A_174 = arith.addi %add3A, %mul3A_173 : i32
        %mul3A_175 = arith.constant 1024 : i32
        %mul3A_176 = arith.muli %add3A_174, %mul3A_175 : i32
        %min3A = arith.constant 798976 : i32
        %min3A_177 = arith.minsi %mul3A_176, %min3A : i32
        %dma_start3A = arith.constant 0 : i32
        %dma_start3A_178 = tpu.memref_slice %arg8[%min3A_177, %dma_start3A] : memref<800000x8xf32, #tpu.memory_space<hbm>> -> memref<1024x8xf32, #tpu.memory_space<hbm>>
        %dma_start3A_179 = arith.constant 0 : i32
        %dma_start3A_180 = tpu.memref_slice %arg8[%min3A_177, %dma_start3A_179] : memref<800000x8xf32, #tpu.memory_space<hbm>> -> memref<1024x8xf32, #tpu.memory_space<hbm>>
        tpu.enqueue_dma source(%arg24 : memref<1024x8xf32, #tpu.memory_space<vmem>>) target(%dma_start3A_180 : memref<1024x8xf32, #tpu.memory_space<hbm>>) target_semaphore(%arg27 : memref<!tpu.dma_semaphore, #tpu.memory_space<semaphore_mem>>)
      } else {
      }
    }
    %sub3A_106 = arith.constant 1 : i32
    %sub3A_107 = arith.subi %add3A_57, %sub3A_106 : i32
    %rem3A_108 = arith.constant 2 : i32
    %rem3A_109 = arith.remsi %sub3A_107, %rem3A_108 : i32
    %eq3A = arith.constant 0 : i32
    %eq3A_110 = arith.cmpi eq, %rem3A_109, %eq3A : i32
    %convert_element_type3A_111 = arith.extui %eq3A_110 : i1 to i32
    %cond3A_112 = arith.constant 0 : i32
    %cond3A_113 = arith.cmpi ne, %convert_element_type3A_111, %cond3A_112 : i32
    scf.if %cond3A_113 {
      %dma_wait3A = arith.constant 0 : i32
      %dma_wait3A_123 = arith.constant 0 : i32
      %dma_wait3A_124 = tpu.memref_slice %arg8[%dma_wait3A, %dma_wait3A_123] : memref<800000x8xf32, #tpu.memory_space<hbm>> -> memref<1024x8xf32, #tpu.memory_space<hbm>>
      %dma_wait3A_125 = arith.constant 0 : i32
      %dma_wait3A_126 = arith.constant 0 : i32
      %dma_wait3A_127 = tpu.memref_slice %arg8[%dma_wait3A_125, %dma_wait3A_126] : memref<800000x8xf32, #tpu.memory_space<hbm>> -> memref<1024x8xf32, #tpu.memory_space<hbm>>
      tpu.wait_dma2 semaphore(%arg19 : memref<!tpu.dma_semaphore, #tpu.memory_space<semaphore_mem>>) src(%arg16 : memref<1024x8xf32, #tpu.memory_space<vmem>>) dst(%dma_wait3A_127 : memref<1024x8xf32, #tpu.memory_space<hbm>>)
    } else {
    }
    %not3A = arith.constant true
    %not3A_114 = arith.xori %eq3A_110, %not3A : i1
    %convert_element_type3A_115 = arith.extui %not3A_114 : i1 to i32
    %cond3A_116 = arith.constant 0 : i32
    %cond3A_117 = arith.cmpi ne, %convert_element_type3A_115, %cond3A_116 : i32
    scf.if %cond3A_117 {
      %dma_wait3A = arith.constant 0 : i32
      %dma_wait3A_123 = arith.constant 0 : i32
      %dma_wait3A_124 = tpu.memref_slice %arg8[%dma_wait3A, %dma_wait3A_123] : memref<800000x8xf32, #tpu.memory_space<hbm>> -> memref<1024x8xf32, #tpu.memory_space<hbm>>
      %dma_wait3A_125 = arith.constant 0 : i32
      %dma_wait3A_126 = arith.constant 0 : i32
      %dma_wait3A_127 = tpu.memref_slice %arg8[%dma_wait3A_125, %dma_wait3A_126] : memref<800000x8xf32, #tpu.memory_space<hbm>> -> memref<1024x8xf32, #tpu.memory_space<hbm>>
      tpu.wait_dma2 semaphore(%arg27 : memref<!tpu.dma_semaphore, #tpu.memory_space<semaphore_mem>>) src(%arg24 : memref<1024x8xf32, #tpu.memory_space<vmem>>) dst(%dma_wait3A_127 : memref<1024x8xf32, #tpu.memory_space<hbm>>)
    } else {
    }
    %ge3A_118 = arith.constant 2 : i32
    %ge3A_119 = arith.cmpi sge, %add3A_57, %ge3A_118 : i32
    %convert_element_type3A_120 = arith.extui %ge3A_119 : i1 to i32
    %cond3A_121 = arith.constant 0 : i32
    %cond3A_122 = arith.cmpi ne, %convert_element_type3A_120, %cond3A_121 : i32
    scf.if %cond3A_122 {
      %convert_element_type3A_123 = arith.extui %eq3A_110 : i1 to i32
      %cond3A_124 = arith.constant 0 : i32
      %cond3A_125 = arith.cmpi ne, %convert_element_type3A_123, %cond3A_124 : i32
      scf.if %cond3A_125 {
        %dma_wait3A = arith.constant 0 : i32
        %dma_wait3A_131 = arith.constant 0 : i32
        %dma_wait3A_132 = tpu.memref_slice %arg8[%dma_wait3A, %dma_wait3A_131] : memref<800000x8xf32, #tpu.memory_space<hbm>> -> memref<1024x8xf32, #tpu.memory_space<hbm>>
        %dma_wait3A_133 = arith.constant 0 : i32
        %dma_wait3A_134 = arith.constant 0 : i32
        %dma_wait3A_135 = tpu.memref_slice %arg8[%dma_wait3A_133, %dma_wait3A_134] : memref<800000x8xf32, #tpu.memory_space<hbm>> -> memref<1024x8xf32, #tpu.memory_space<hbm>>
        tpu.wait_dma2 semaphore(%arg27 : memref<!tpu.dma_semaphore, #tpu.memory_space<semaphore_mem>>) src(%arg24 : memref<1024x8xf32, #tpu.memory_space<vmem>>) dst(%dma_wait3A_135 : memref<1024x8xf32, #tpu.memory_space<hbm>>)
      } else {
      }
      %not3A_126 = arith.constant true
      %not3A_127 = arith.xori %eq3A_110, %not3A_126 : i1
      %convert_element_type3A_128 = arith.extui %not3A_127 : i1 to i32
      %cond3A_129 = arith.constant 0 : i32
      %cond3A_130 = arith.cmpi ne, %convert_element_type3A_128, %cond3A_129 : i32
      scf.if %cond3A_130 {
        %dma_wait3A = arith.constant 0 : i32
        %dma_wait3A_131 = arith.constant 0 : i32
        %dma_wait3A_132 = tpu.memref_slice %arg8[%dma_wait3A, %dma_wait3A_131] : memref<800000x8xf32, #tpu.memory_space<hbm>> -> memref<1024x8xf32, #tpu.memory_space<hbm>>
        %dma_wait3A_133 = arith.constant 0 : i32
        %dma_wait3A_134 = arith.constant 0 : i32
        %dma_wait3A_135 = tpu.memref_slice %arg8[%dma_wait3A_133, %dma_wait3A_134] : memref<800000x8xf32, #tpu.memory_space<hbm>> -> memref<1024x8xf32, #tpu.memory_space<hbm>>
        tpu.wait_dma2 semaphore(%arg19 : memref<!tpu.dma_semaphore, #tpu.memory_space<semaphore_mem>>) src(%arg16 : memref<1024x8xf32, #tpu.memory_space<vmem>>) dst(%dma_wait3A_135 : memref<1024x8xf32, #tpu.memory_space<hbm>>)
      } else {
      }
    } else {
    }
    return
  }
}

#map = affine_map<(d0, d1) -> (0, 0)>
#map1 = affine_map<(d0, d1) -> (0)>
module attributes {stable_mosaic.version = 14 : i64} {
  func.func @_cos_kernel(%arg0: i32, %arg1: i32, %arg2: memref<800000x8xf32, #tpu.memory_space<hbm>>, %arg3: memref<3200000xi32, #tpu.memory_space<hbm>>, %arg4: memref<3200000xi32, #tpu.memory_space<hbm>>, %arg5: memref<3200000xf32, #tpu.memory_space<hbm>>, %arg6: memref<2048xi32, #tpu.memory_space<vmem>>, %arg7: memref<2048xi32, #tpu.memory_space<vmem>>, %arg8: memref<2048x8xf32, #tpu.memory_space<vmem>>, %arg9: memref<2048x8xf32, #tpu.memory_space<vmem>>, %arg10: memref<2048xf32, #tpu.memory_space<vmem>>, %arg11: memref<!tpu.dma_semaphore, #tpu.memory_space<semaphore_mem>>, %arg12: memref<!tpu.dma_semaphore, #tpu.memory_space<semaphore_mem>>, %arg13: memref<!tpu.dma_semaphore, #tpu.memory_space<semaphore_mem>>, %arg14: memref<2048xi32, #tpu.memory_space<vmem>>, %arg15: memref<2048xi32, #tpu.memory_space<vmem>>, %arg16: memref<2048x8xf32, #tpu.memory_space<vmem>>, %arg17: memref<2048x8xf32, #tpu.memory_space<vmem>>, %arg18: memref<2048xf32, #tpu.memory_space<vmem>>, %arg19: memref<!tpu.dma_semaphore, #tpu.memory_space<semaphore_mem>>, %arg20: memref<!tpu.dma_semaphore, #tpu.memory_space<semaphore_mem>>, %arg21: memref<!tpu.dma_semaphore, #tpu.memory_space<semaphore_mem>>, %arg22: memref<2048xi32, #tpu.memory_space<vmem>>, %arg23: memref<2048xi32, #tpu.memory_space<vmem>>, %arg24: memref<2048x8xf32, #tpu.memory_space<vmem>>, %arg25: memref<2048x8xf32, #tpu.memory_space<vmem>>, %arg26: memref<2048xf32, #tpu.memory_space<vmem>>, %arg27: memref<!tpu.dma_semaphore, #tpu.memory_space<semaphore_mem>>, %arg28: memref<!tpu.dma_semaphore, #tpu.memory_space<semaphore_mem>>, %arg29: memref<!tpu.dma_semaphore, #tpu.memory_space<semaphore_mem>>) attributes {dimension_semantics = [#tpu.dimension_semantics<core_parallel>, #tpu.dimension_semantics<subcore_parallel>], iteration_bounds = array<i64: 2, 16>, scalar_prefetch = 0 : i64, scratch_operands = 24 : i64, tpu.core_type = #tpu.core_type<sc_vector_subcore>, window_params = [{transform_indices = #map}, {transform_indices = #map1}, {transform_indices = #map1}, {transform_indices = #map1}]} {
    %mul3A = arith.constant 2 : i32
    %mul3A_0 = arith.muli %arg1, %mul3A : i32
    %add3A = arith.addi %mul3A_0, %arg0 : i32
    %iota3A = tpu.iota {dimensions = array<i32: 0>} : vector<16xi32>
    %sub3A = arith.constant 1562 : i32
    %sub3A_1 = arith.subi %sub3A, %add3A : i32
    %jit3A = arith.constant 32 : i32
    %div3A = arith.divsi %sub3A_1, %jit3A : i32
    %sign3A = arith.constant 0 : i32
    %sign3A_2 = arith.cmpi sgt, %sub3A_1, %sign3A : i32
    %sign3A_3 = arith.extui %sign3A_2 : i1 to i32
    %sign3A_4 = arith.constant 0 : i32
    %sign3A_5 = arith.cmpi slt, %sub3A_1, %sign3A_4 : i32
    %sign3A_6 = arith.extui %sign3A_5 : i1 to i32
    %sign3A_7 = arith.subi %sign3A_3, %sign3A_6 : i32
    %sign3A_8 = arith.constant 0 : i32
    %sign3A_9 = arith.cmpi sgt, %jit3A, %sign3A_8 : i32
    %sign3A_10 = arith.extui %sign3A_9 : i1 to i32
    %sign3A_11 = arith.constant 0 : i32
    %sign3A_12 = arith.cmpi slt, %jit3A, %sign3A_11 : i32
    %sign3A_13 = arith.extui %sign3A_12 : i1 to i32
    %sign3A_14 = arith.subi %sign3A_10, %sign3A_13 : i32
    %ne3A = arith.cmpi ne, %sign3A_7, %sign3A_14 : i32
    %rem3A = arith.remsi %sub3A_1, %jit3A : i32
    %ne3A_15 = arith.constant 0 : i32
    %ne3A_16 = arith.cmpi ne, %rem3A, %ne3A_15 : i32
    %and3A = arith.andi %ne3A, %ne3A_16 : i1
    %sub3A_17 = arith.constant 1 : i32
    %sub3A_18 = arith.subi %div3A, %sub3A_17 : i32
    %select_n3A = arith.select %and3A, %sub3A_18, %div3A : i32
    %add3A_19 = arith.constant 1 : i32
    %add3A_20 = arith.addi %select_n3A, %add3A_19 : i32
    %broadcast_in_dim3A = arith.constant 0 : i32
    %broadcast_in_dim3A_21 = vector.broadcast %broadcast_in_dim3A : i32 to vector<16xi32>
    %broadcast_in_dim3A_22 = arith.constant 1 : i32
    %broadcast_in_dim3A_23 = vector.broadcast %broadcast_in_dim3A_22 : i32 to vector<16xi32>
    %broadcast_in_dim3A_24 = arith.constant 2 : i32
    %broadcast_in_dim3A_25 = vector.broadcast %broadcast_in_dim3A_24 : i32 to vector<16xi32>
    %ge3A = arith.constant 1 : i32
    %ge3A_26 = arith.cmpi sge, %add3A_20, %ge3A : i32
    %convert_element_type3A = arith.extui %ge3A_26 : i1 to i32
    %cond3A = arith.constant 0 : i32
    %cond3A_27 = arith.cmpi ne, %convert_element_type3A, %cond3A : i32
    scf.if %cond3A_27 {
      %add3A_190 = arith.constant 0 : i32
      %add3A_191 = arith.addi %add3A, %add3A_190 : i32
      %mul3A_192 = arith.constant 2048 : i32
      %mul3A_193 = arith.muli %add3A_191, %mul3A_192 : i32
      %min3A = arith.constant 3197952 : i32
      %min3A_194 = arith.minsi %mul3A_193, %min3A : i32
      %dma_start3A = tpu.memref_slice %arg3[%min3A_194] : memref<3200000xi32, #tpu.memory_space<hbm>> -> memref<2048xi32, #tpu.memory_space<hbm>>
      %dma_start3A_195 = tpu.memref_slice %arg3[%min3A_194] : memref<3200000xi32, #tpu.memory_space<hbm>> -> memref<2048xi32, #tpu.memory_space<hbm>>
      tpu.enqueue_dma source(%dma_start3A_195 : memref<2048xi32, #tpu.memory_space<hbm>>) target(%arg6 : memref<2048xi32, #tpu.memory_space<vmem>>) target_semaphore(%arg11 : memref<!tpu.dma_semaphore, #tpu.memory_space<semaphore_mem>>)
      %dma_start3A_196 = tpu.memref_slice %arg4[%min3A_194] : memref<3200000xi32, #tpu.memory_space<hbm>> -> memref<2048xi32, #tpu.memory_space<hbm>>
      %dma_start3A_197 = tpu.memref_slice %arg4[%min3A_194] : memref<3200000xi32, #tpu.memory_space<hbm>> -> memref<2048xi32, #tpu.memory_space<hbm>>
      tpu.enqueue_dma source(%dma_start3A_197 : memref<2048xi32, #tpu.memory_space<hbm>>) target(%arg7 : memref<2048xi32, #tpu.memory_space<vmem>>) target_semaphore(%arg11 : memref<!tpu.dma_semaphore, #tpu.memory_space<semaphore_mem>>)
    } else {
    }
    %ge3A_28 = arith.constant 2 : i32
    %ge3A_29 = arith.cmpi sge, %add3A_20, %ge3A_28 : i32
    %convert_element_type3A_30 = arith.extui %ge3A_29 : i1 to i32
    %cond3A_31 = arith.constant 0 : i32
    %cond3A_32 = arith.cmpi ne, %convert_element_type3A_30, %cond3A_31 : i32
    scf.if %cond3A_32 {
      %add3A_190 = arith.constant 32 : i32
      %add3A_191 = arith.addi %add3A, %add3A_190 : i32
      %mul3A_192 = arith.constant 2048 : i32
      %mul3A_193 = arith.muli %add3A_191, %mul3A_192 : i32
      %min3A = arith.constant 3197952 : i32
      %min3A_194 = arith.minsi %mul3A_193, %min3A : i32
      %dma_start3A = tpu.memref_slice %arg3[%min3A_194] : memref<3200000xi32, #tpu.memory_space<hbm>> -> memref<2048xi32, #tpu.memory_space<hbm>>
      %dma_start3A_195 = tpu.memref_slice %arg3[%min3A_194] : memref<3200000xi32, #tpu.memory_space<hbm>> -> memref<2048xi32, #tpu.memory_space<hbm>>
      tpu.enqueue_dma source(%dma_start3A_195 : memref<2048xi32, #tpu.memory_space<hbm>>) target(%arg14 : memref<2048xi32, #tpu.memory_space<vmem>>) target_semaphore(%arg19 : memref<!tpu.dma_semaphore, #tpu.memory_space<semaphore_mem>>)
      %dma_start3A_196 = tpu.memref_slice %arg4[%min3A_194] : memref<3200000xi32, #tpu.memory_space<hbm>> -> memref<2048xi32, #tpu.memory_space<hbm>>
      %dma_start3A_197 = tpu.memref_slice %arg4[%min3A_194] : memref<3200000xi32, #tpu.memory_space<hbm>> -> memref<2048xi32, #tpu.memory_space<hbm>>
      tpu.enqueue_dma source(%dma_start3A_197 : memref<2048xi32, #tpu.memory_space<hbm>>) target(%arg15 : memref<2048xi32, #tpu.memory_space<vmem>>) target_semaphore(%arg19 : memref<!tpu.dma_semaphore, #tpu.memory_space<semaphore_mem>>)
    } else {
    }
    %ge3A_33 = arith.constant 3 : i32
    %ge3A_34 = arith.cmpi sge, %add3A_20, %ge3A_33 : i32
    %convert_element_type3A_35 = arith.extui %ge3A_34 : i1 to i32
    %cond3A_36 = arith.constant 0 : i32
    %cond3A_37 = arith.cmpi ne, %convert_element_type3A_35, %cond3A_36 : i32
    scf.if %cond3A_37 {
      %add3A_190 = arith.constant 64 : i32
      %add3A_191 = arith.addi %add3A, %add3A_190 : i32
      %mul3A_192 = arith.constant 2048 : i32
      %mul3A_193 = arith.muli %add3A_191, %mul3A_192 : i32
      %min3A = arith.constant 3197952 : i32
      %min3A_194 = arith.minsi %mul3A_193, %min3A : i32
      %dma_start3A = tpu.memref_slice %arg3[%min3A_194] : memref<3200000xi32, #tpu.memory_space<hbm>> -> memref<2048xi32, #tpu.memory_space<hbm>>
      %dma_start3A_195 = tpu.memref_slice %arg3[%min3A_194] : memref<3200000xi32, #tpu.memory_space<hbm>> -> memref<2048xi32, #tpu.memory_space<hbm>>
      tpu.enqueue_dma source(%dma_start3A_195 : memref<2048xi32, #tpu.memory_space<hbm>>) target(%arg22 : memref<2048xi32, #tpu.memory_space<vmem>>) target_semaphore(%arg27 : memref<!tpu.dma_semaphore, #tpu.memory_space<semaphore_mem>>)
      %dma_start3A_196 = tpu.memref_slice %arg4[%min3A_194] : memref<3200000xi32, #tpu.memory_space<hbm>> -> memref<2048xi32, #tpu.memory_space<hbm>>
      %dma_start3A_197 = tpu.memref_slice %arg4[%min3A_194] : memref<3200000xi32, #tpu.memory_space<hbm>> -> memref<2048xi32, #tpu.memory_space<hbm>>
      tpu.enqueue_dma source(%dma_start3A_197 : memref<2048xi32, #tpu.memory_space<hbm>>) target(%arg23 : memref<2048xi32, #tpu.memory_space<vmem>>) target_semaphore(%arg27 : memref<!tpu.dma_semaphore, #tpu.memory_space<semaphore_mem>>)
    } else {
    }
    %ge3A_38 = arith.constant 1 : i32
    %ge3A_39 = arith.cmpi sge, %add3A_20, %ge3A_38 : i32
    %convert_element_type3A_40 = arith.extui %ge3A_39 : i1 to i32
    %cond3A_41 = arith.constant 0 : i32
    %cond3A_42 = arith.cmpi ne, %convert_element_type3A_40, %cond3A_41 : i32
    scf.if %cond3A_42 {
      %dma_wait3A = arith.constant 0 : i32
      %dma_wait3A_190 = tpu.memref_slice %arg3[%dma_wait3A] : memref<3200000xi32, #tpu.memory_space<hbm>> -> memref<2048xi32, #tpu.memory_space<hbm>>
      %dma_wait3A_191 = arith.constant 0 : i32
      %dma_wait3A_192 = tpu.memref_slice %arg3[%dma_wait3A_191] : memref<3200000xi32, #tpu.memory_space<hbm>> -> memref<2048xi32, #tpu.memory_space<hbm>>
      tpu.wait_dma2 semaphore(%arg11 : memref<!tpu.dma_semaphore, #tpu.memory_space<semaphore_mem>>) src(%dma_wait3A_192 : memref<2048xi32, #tpu.memory_space<hbm>>) dst(%arg6 : memref<2048xi32, #tpu.memory_space<vmem>>)
      %dma_wait3A_193 = arith.constant 0 : i32
      %dma_wait3A_194 = tpu.memref_slice %arg4[%dma_wait3A_193] : memref<3200000xi32, #tpu.memory_space<hbm>> -> memref<2048xi32, #tpu.memory_space<hbm>>
      %dma_wait3A_195 = arith.constant 0 : i32
      %dma_wait3A_196 = tpu.memref_slice %arg4[%dma_wait3A_195] : memref<3200000xi32, #tpu.memory_space<hbm>> -> memref<2048xi32, #tpu.memory_space<hbm>>
      tpu.wait_dma2 semaphore(%arg11 : memref<!tpu.dma_semaphore, #tpu.memory_space<semaphore_mem>>) src(%dma_wait3A_196 : memref<2048xi32, #tpu.memory_space<hbm>>) dst(%arg7 : memref<2048xi32, #tpu.memory_space<vmem>>)
      %dma_start3A = arith.constant 0 : i32
      %dma_start3A_197 = arith.constant 0 : i32
      %dma_start3A_198 = tpu.memref_slice %arg2[%dma_start3A, %dma_start3A_197] : memref<800000x8xf32, #tpu.memory_space<hbm>> -> memref<800000x8xf32, #tpu.memory_space<hbm>>
      tpu.enqueue_indirect_dma source(%dma_start3A_198 : memref<800000x8xf32, #tpu.memory_space<hbm>>) target(%arg8 : memref<2048x8xf32, #tpu.memory_space<vmem>>) offsets(%arg6 : memref<2048xi32, #tpu.memory_space<vmem>>) semaphore(%arg12 : memref<!tpu.dma_semaphore, #tpu.memory_space<semaphore_mem>>)
      %dma_start3A_199 = arith.constant 0 : i32
      %dma_start3A_200 = arith.constant 0 : i32
      %dma_start3A_201 = tpu.memref_slice %arg2[%dma_start3A_199, %dma_start3A_200] : memref<800000x8xf32, #tpu.memory_space<hbm>> -> memref<800000x8xf32, #tpu.memory_space<hbm>>
      tpu.enqueue_indirect_dma source(%dma_start3A_201 : memref<800000x8xf32, #tpu.memory_space<hbm>>) target(%arg9 : memref<2048x8xf32, #tpu.memory_space<vmem>>) offsets(%arg7 : memref<2048xi32, #tpu.memory_space<vmem>>) semaphore(%arg12 : memref<!tpu.dma_semaphore, #tpu.memory_space<semaphore_mem>>)
    } else {
    }
    %ge3A_43 = arith.constant 2 : i32
    %ge3A_44 = arith.cmpi sge, %add3A_20, %ge3A_43 : i32
    %convert_element_type3A_45 = arith.extui %ge3A_44 : i1 to i32
    %cond3A_46 = arith.constant 0 : i32
    %cond3A_47 = arith.cmpi ne, %convert_element_type3A_45, %cond3A_46 : i32
    scf.if %cond3A_47 {
      %dma_wait3A = arith.constant 0 : i32
      %dma_wait3A_190 = tpu.memref_slice %arg3[%dma_wait3A] : memref<3200000xi32, #tpu.memory_space<hbm>> -> memref<2048xi32, #tpu.memory_space<hbm>>
      %dma_wait3A_191 = arith.constant 0 : i32
      %dma_wait3A_192 = tpu.memref_slice %arg3[%dma_wait3A_191] : memref<3200000xi32, #tpu.memory_space<hbm>> -> memref<2048xi32, #tpu.memory_space<hbm>>
      tpu.wait_dma2 semaphore(%arg19 : memref<!tpu.dma_semaphore, #tpu.memory_space<semaphore_mem>>) src(%dma_wait3A_192 : memref<2048xi32, #tpu.memory_space<hbm>>) dst(%arg14 : memref<2048xi32, #tpu.memory_space<vmem>>)
      %dma_wait3A_193 = arith.constant 0 : i32
      %dma_wait3A_194 = tpu.memref_slice %arg4[%dma_wait3A_193] : memref<3200000xi32, #tpu.memory_space<hbm>> -> memref<2048xi32, #tpu.memory_space<hbm>>
      %dma_wait3A_195 = arith.constant 0 : i32
      %dma_wait3A_196 = tpu.memref_slice %arg4[%dma_wait3A_195] : memref<3200000xi32, #tpu.memory_space<hbm>> -> memref<2048xi32, #tpu.memory_space<hbm>>
      tpu.wait_dma2 semaphore(%arg19 : memref<!tpu.dma_semaphore, #tpu.memory_space<semaphore_mem>>) src(%dma_wait3A_196 : memref<2048xi32, #tpu.memory_space<hbm>>) dst(%arg15 : memref<2048xi32, #tpu.memory_space<vmem>>)
      %dma_start3A = arith.constant 0 : i32
      %dma_start3A_197 = arith.constant 0 : i32
      %dma_start3A_198 = tpu.memref_slice %arg2[%dma_start3A, %dma_start3A_197] : memref<800000x8xf32, #tpu.memory_space<hbm>> -> memref<800000x8xf32, #tpu.memory_space<hbm>>
      tpu.enqueue_indirect_dma source(%dma_start3A_198 : memref<800000x8xf32, #tpu.memory_space<hbm>>) target(%arg16 : memref<2048x8xf32, #tpu.memory_space<vmem>>) offsets(%arg14 : memref<2048xi32, #tpu.memory_space<vmem>>) semaphore(%arg20 : memref<!tpu.dma_semaphore, #tpu.memory_space<semaphore_mem>>)
      %dma_start3A_199 = arith.constant 0 : i32
      %dma_start3A_200 = arith.constant 0 : i32
      %dma_start3A_201 = tpu.memref_slice %arg2[%dma_start3A_199, %dma_start3A_200] : memref<800000x8xf32, #tpu.memory_space<hbm>> -> memref<800000x8xf32, #tpu.memory_space<hbm>>
      tpu.enqueue_indirect_dma source(%dma_start3A_201 : memref<800000x8xf32, #tpu.memory_space<hbm>>) target(%arg17 : memref<2048x8xf32, #tpu.memory_space<vmem>>) offsets(%arg15 : memref<2048xi32, #tpu.memory_space<vmem>>) semaphore(%arg20 : memref<!tpu.dma_semaphore, #tpu.memory_space<semaphore_mem>>)
    } else {
    }
    %add3A_48 = arith.constant 2 : i32
    %add3A_49 = arith.addi %add3A_20, %add3A_48 : i32
    %jit3A_50 = arith.constant 3 : i32
    %div3A_51 = arith.divsi %add3A_49, %jit3A_50 : i32
    %sign3A_52 = arith.constant 0 : i32
    %sign3A_53 = arith.cmpi sgt, %add3A_49, %sign3A_52 : i32
    %sign3A_54 = arith.extui %sign3A_53 : i1 to i32
    %sign3A_55 = arith.constant 0 : i32
    %sign3A_56 = arith.cmpi slt, %add3A_49, %sign3A_55 : i32
    %sign3A_57 = arith.extui %sign3A_56 : i1 to i32
    %sign3A_58 = arith.subi %sign3A_54, %sign3A_57 : i32
    %sign3A_59 = arith.constant 0 : i32
    %sign3A_60 = arith.cmpi sgt, %jit3A_50, %sign3A_59 : i32
    %sign3A_61 = arith.extui %sign3A_60 : i1 to i32
    %sign3A_62 = arith.constant 0 : i32
    %sign3A_63 = arith.cmpi slt, %jit3A_50, %sign3A_62 : i32
    %sign3A_64 = arith.extui %sign3A_63 : i1 to i32
    %sign3A_65 = arith.subi %sign3A_61, %sign3A_64 : i32
    %ne3A_66 = arith.cmpi ne, %sign3A_58, %sign3A_65 : i32
    %rem3A_67 = arith.remsi %add3A_49, %jit3A_50 : i32
    %ne3A_68 = arith.constant 0 : i32
    %ne3A_69 = arith.cmpi ne, %rem3A_67, %ne3A_68 : i32
    %and3A_70 = arith.andi %ne3A_66, %ne3A_69 : i1
    %sub3A_71 = arith.constant 1 : i32
    %sub3A_72 = arith.subi %div3A_51, %sub3A_71 : i32
    %select_n3A_73 = arith.select %and3A_70, %sub3A_72, %div3A_51 : i32
    %while3A = arith.constant 0 : i32
    %while3A_74 = arith.constant 0 : i32
    %while3A_75 = arith.subi %select_n3A_73, %while3A_74 : i32
    %while3A_76 = arith.addi %while3A_74, %while3A_75 : i32
    %while3A_77 = arith.constant 1 : i32
    %while3A_78 = arith.divsi %while3A_75, %while3A_77 : i32
    %while3A_79 = arith.muli %while3A_78, %while3A_77 : i32
    %while3A_80 = arith.addi %while3A_74, %while3A_79 : i32
    %while3A_81 = arith.constant 1 : i32
    scf.for %while3A_190 = %while3A_74 to %while3A_80 step %while3A_81  : i32 {
      %mul3A_191 = arith.constant 3 : i32
      %mul3A_192 = arith.muli %while3A_190, %mul3A_191 : i32
      %add3A_193 = arith.constant 0 : i32
      %add3A_194 = arith.addi %mul3A_192, %add3A_193 : i32
      %lt3A = arith.cmpi slt, %add3A_194, %add3A_20 : i32
      %convert_element_type3A_195 = arith.extui %lt3A : i1 to i32
      %cond3A_196 = arith.constant 0 : i32
      %cond3A_197 = arith.cmpi ne, %convert_element_type3A_195, %cond3A_196 : i32
      scf.if %cond3A_197 {
        %dma_wait3A = arith.constant 0 : i32
        %dma_wait3A_214 = arith.constant 0 : i32
        %dma_wait3A_215 = tpu.memref_slice %arg2[%dma_wait3A, %dma_wait3A_214] : memref<800000x8xf32, #tpu.memory_space<hbm>> -> memref<2048x8xf32, #tpu.memory_space<hbm>>
        %dma_wait3A_216 = arith.constant 0 : i32
        %dma_wait3A_217 = arith.constant 0 : i32
        %dma_wait3A_218 = tpu.memref_slice %arg2[%dma_wait3A_216, %dma_wait3A_217] : memref<800000x8xf32, #tpu.memory_space<hbm>> -> memref<2048x8xf32, #tpu.memory_space<hbm>>
        tpu.wait_dma2 semaphore(%arg12 : memref<!tpu.dma_semaphore, #tpu.memory_space<semaphore_mem>>) src(%dma_wait3A_218 : memref<2048x8xf32, #tpu.memory_space<hbm>>) dst(%arg8 : memref<2048x8xf32, #tpu.memory_space<vmem>>)
        %dma_wait3A_219 = arith.constant 0 : i32
        %dma_wait3A_220 = arith.constant 0 : i32
        %dma_wait3A_221 = tpu.memref_slice %arg2[%dma_wait3A_219, %dma_wait3A_220] : memref<800000x8xf32, #tpu.memory_space<hbm>> -> memref<2048x8xf32, #tpu.memory_space<hbm>>
        %dma_wait3A_222 = arith.constant 0 : i32
        %dma_wait3A_223 = arith.constant 0 : i32
        %dma_wait3A_224 = tpu.memref_slice %arg2[%dma_wait3A_222, %dma_wait3A_223] : memref<800000x8xf32, #tpu.memory_space<hbm>> -> memref<2048x8xf32, #tpu.memory_space<hbm>>
        tpu.wait_dma2 semaphore(%arg12 : memref<!tpu.dma_semaphore, #tpu.memory_space<semaphore_mem>>) src(%dma_wait3A_224 : memref<2048x8xf32, #tpu.memory_space<hbm>>) dst(%arg9 : memref<2048x8xf32, #tpu.memory_space<vmem>>)
        %add3A_225 = arith.constant 3 : i32
        %add3A_226 = arith.addi %add3A_194, %add3A_225 : i32
        %lt3A_227 = arith.cmpi slt, %add3A_226, %add3A_20 : i32
        %convert_element_type3A_228 = arith.extui %lt3A_227 : i1 to i32
        %cond3A_229 = arith.constant 0 : i32
        %cond3A_230 = arith.cmpi ne, %convert_element_type3A_228, %cond3A_229 : i32
        scf.if %cond3A_230 {
          %add3A_254 = arith.constant 3 : i32
          %add3A_255 = arith.addi %add3A_194, %add3A_254 : i32
          %mul3A_256 = arith.constant 32 : i32
          %mul3A_257 = arith.muli %add3A_255, %mul3A_256 : i32
          %add3A_258 = arith.addi %add3A, %mul3A_257 : i32
          %mul3A_259 = arith.constant 2048 : i32
          %mul3A_260 = arith.muli %add3A_258, %mul3A_259 : i32
          %min3A_261 = arith.constant 3197952 : i32
          %min3A_262 = arith.minsi %mul3A_260, %min3A_261 : i32
          %dma_start3A_263 = tpu.memref_slice %arg3[%min3A_262] : memref<3200000xi32, #tpu.memory_space<hbm>> -> memref<2048xi32, #tpu.memory_space<hbm>>
          %dma_start3A_264 = tpu.memref_slice %arg3[%min3A_262] : memref<3200000xi32, #tpu.memory_space<hbm>> -> memref<2048xi32, #tpu.memory_space<hbm>>
          tpu.enqueue_dma source(%dma_start3A_264 : memref<2048xi32, #tpu.memory_space<hbm>>) target(%arg6 : memref<2048xi32, #tpu.memory_space<vmem>>) target_semaphore(%arg11 : memref<!tpu.dma_semaphore, #tpu.memory_space<semaphore_mem>>)
          %dma_start3A_265 = tpu.memref_slice %arg4[%min3A_262] : memref<3200000xi32, #tpu.memory_space<hbm>> -> memref<2048xi32, #tpu.memory_space<hbm>>
          %dma_start3A_266 = tpu.memref_slice %arg4[%min3A_262] : memref<3200000xi32, #tpu.memory_space<hbm>> -> memref<2048xi32, #tpu.memory_space<hbm>>
          tpu.enqueue_dma source(%dma_start3A_266 : memref<2048xi32, #tpu.memory_space<hbm>>) target(%arg7 : memref<2048xi32, #tpu.memory_space<vmem>>) target_semaphore(%arg11 : memref<!tpu.dma_semaphore, #tpu.memory_space<semaphore_mem>>)
        } else {
        }
        %add3A_231 = arith.constant 2 : i32
        %add3A_232 = arith.addi %add3A_194, %add3A_231 : i32
        %lt3A_233 = arith.cmpi slt, %add3A_232, %add3A_20 : i32
        %convert_element_type3A_234 = arith.extui %lt3A_233 : i1 to i32
        %cond3A_235 = arith.constant 0 : i32
        %cond3A_236 = arith.cmpi ne, %convert_element_type3A_234, %cond3A_235 : i32
        scf.if %cond3A_236 {
          %dma_wait3A_254 = arith.constant 0 : i32
          %dma_wait3A_255 = tpu.memref_slice %arg3[%dma_wait3A_254] : memref<3200000xi32, #tpu.memory_space<hbm>> -> memref<2048xi32, #tpu.memory_space<hbm>>
          %dma_wait3A_256 = arith.constant 0 : i32
          %dma_wait3A_257 = tpu.memref_slice %arg3[%dma_wait3A_256] : memref<3200000xi32, #tpu.memory_space<hbm>> -> memref<2048xi32, #tpu.memory_space<hbm>>
          tpu.wait_dma2 semaphore(%arg27 : memref<!tpu.dma_semaphore, #tpu.memory_space<semaphore_mem>>) src(%dma_wait3A_257 : memref<2048xi32, #tpu.memory_space<hbm>>) dst(%arg22 : memref<2048xi32, #tpu.memory_space<vmem>>)
          %dma_wait3A_258 = arith.constant 0 : i32
          %dma_wait3A_259 = tpu.memref_slice %arg4[%dma_wait3A_258] : memref<3200000xi32, #tpu.memory_space<hbm>> -> memref<2048xi32, #tpu.memory_space<hbm>>
          %dma_wait3A_260 = arith.constant 0 : i32
          %dma_wait3A_261 = tpu.memref_slice %arg4[%dma_wait3A_260] : memref<3200000xi32, #tpu.memory_space<hbm>> -> memref<2048xi32, #tpu.memory_space<hbm>>
          tpu.wait_dma2 semaphore(%arg27 : memref<!tpu.dma_semaphore, #tpu.memory_space<semaphore_mem>>) src(%dma_wait3A_261 : memref<2048xi32, #tpu.memory_space<hbm>>) dst(%arg23 : memref<2048xi32, #tpu.memory_space<vmem>>)
          %dma_start3A_262 = arith.constant 0 : i32
          %dma_start3A_263 = arith.constant 0 : i32
          %dma_start3A_264 = tpu.memref_slice %arg2[%dma_start3A_262, %dma_start3A_263] : memref<800000x8xf32, #tpu.memory_space<hbm>> -> memref<800000x8xf32, #tpu.memory_space<hbm>>
          tpu.enqueue_indirect_dma source(%dma_start3A_264 : memref<800000x8xf32, #tpu.memory_space<hbm>>) target(%arg24 : memref<2048x8xf32, #tpu.memory_space<vmem>>) offsets(%arg22 : memref<2048xi32, #tpu.memory_space<vmem>>) semaphore(%arg28 : memref<!tpu.dma_semaphore, #tpu.memory_space<semaphore_mem>>)
          %dma_start3A_265 = arith.constant 0 : i32
          %dma_start3A_266 = arith.constant 0 : i32
          %dma_start3A_267 = tpu.memref_slice %arg2[%dma_start3A_265, %dma_start3A_266] : memref<800000x8xf32, #tpu.memory_space<hbm>> -> memref<800000x8xf32, #tpu.memory_space<hbm>>
          tpu.enqueue_indirect_dma source(%dma_start3A_267 : memref<800000x8xf32, #tpu.memory_space<hbm>>) target(%arg25 : memref<2048x8xf32, #tpu.memory_space<vmem>>) offsets(%arg23 : memref<2048xi32, #tpu.memory_space<vmem>>) semaphore(%arg28 : memref<!tpu.dma_semaphore, #tpu.memory_space<semaphore_mem>>)
        } else {
        }
        %ge3A_237 = arith.constant 3 : i32
        %ge3A_238 = arith.cmpi sge, %add3A_194, %ge3A_237 : i32
        %convert_element_type3A_239 = arith.extui %ge3A_238 : i1 to i32
        %cond3A_240 = arith.constant 0 : i32
        %cond3A_241 = arith.cmpi ne, %convert_element_type3A_239, %cond3A_240 : i32
        scf.if %cond3A_241 {
          %dma_wait3A_254 = arith.constant 0 : i32
          %dma_wait3A_255 = tpu.memref_slice %arg5[%dma_wait3A_254] : memref<3200000xf32, #tpu.memory_space<hbm>> -> memref<2048xf32, #tpu.memory_space<hbm>>
          %dma_wait3A_256 = arith.constant 0 : i32
          %dma_wait3A_257 = tpu.memref_slice %arg5[%dma_wait3A_256] : memref<3200000xf32, #tpu.memory_space<hbm>> -> memref<2048xf32, #tpu.memory_space<hbm>>
          tpu.wait_dma2 semaphore(%arg13 : memref<!tpu.dma_semaphore, #tpu.memory_space<semaphore_mem>>) src(%arg10 : memref<2048xf32, #tpu.memory_space<vmem>>) dst(%dma_wait3A_257 : memref<2048xf32, #tpu.memory_space<hbm>>)
        } else {
        }
        %scan3A = arith.constant 0 : i32
        %scan3A_242 = arith.constant 128 : i32
        %scan3A_243 = arith.addi %scan3A, %scan3A_242 : i32
        %scan3A_244 = arith.constant 1 : i32
        %scan3A_245 = scf.for %scan3A_254 = %scan3A to %scan3A_243 step %scan3A_244 iter_args(%scan3A_255 = %iota3A) -> (vector<16xi32>)  : i32 {
          %gather3A = tpu.vector_load_idx %arg8[%scan3A_255, %broadcast_in_dim3A_21] : memref<2048x8xf32, #tpu.memory_space<vmem>>[vector<16xi32>, vector<16xi32>], vector<16xf32>,
          %gather3A_256 = tpu.vector_load_idx %arg8[%scan3A_255, %broadcast_in_dim3A_23] : memref<2048x8xf32, #tpu.memory_space<vmem>>[vector<16xi32>, vector<16xi32>], vector<16xf32>,
          %gather3A_257 = tpu.vector_load_idx %arg8[%scan3A_255, %broadcast_in_dim3A_25] : memref<2048x8xf32, #tpu.memory_space<vmem>>[vector<16xi32>, vector<16xi32>], vector<16xf32>,
          %gather3A_258 = tpu.vector_load_idx %arg9[%scan3A_255, %broadcast_in_dim3A_21] : memref<2048x8xf32, #tpu.memory_space<vmem>>[vector<16xi32>, vector<16xi32>], vector<16xf32>,
          %gather3A_259 = tpu.vector_load_idx %arg9[%scan3A_255, %broadcast_in_dim3A_23] : memref<2048x8xf32, #tpu.memory_space<vmem>>[vector<16xi32>, vector<16xi32>], vector<16xf32>,
          %gather3A_260 = tpu.vector_load_idx %arg9[%scan3A_255, %broadcast_in_dim3A_25] : memref<2048x8xf32, #tpu.memory_space<vmem>>[vector<16xi32>, vector<16xi32>], vector<16xf32>,
          %mul3A_261 = arith.mulf %gather3A, %gather3A_258 : vector<16xf32>
          %mul3A_262 = arith.mulf %gather3A_256, %gather3A_259 : vector<16xf32>
          %add3A_263 = arith.addf %mul3A_261, %mul3A_262 : vector<16xf32>
          %mul3A_264 = arith.mulf %gather3A_257, %gather3A_260 : vector<16xf32>
          %add3A_265 = arith.addf %add3A_263, %mul3A_264 : vector<16xf32>
          %mul3A_266 = arith.mulf %gather3A, %gather3A : vector<16xf32>
          %mul3A_267 = arith.mulf %gather3A_256, %gather3A_256 : vector<16xf32>
          %add3A_268 = arith.addf %mul3A_266, %mul3A_267 : vector<16xf32>
          %mul3A_269 = arith.mulf %gather3A_257, %gather3A_257 : vector<16xf32>
          %add3A_270 = arith.addf %add3A_268, %mul3A_269 : vector<16xf32>
          %mul3A_271 = arith.mulf %gather3A_258, %gather3A_258 : vector<16xf32>
          %mul3A_272 = arith.mulf %gather3A_259, %gather3A_259 : vector<16xf32>
          %add3A_273 = arith.addf %mul3A_271, %mul3A_272 : vector<16xf32>
          %mul3A_274 = arith.mulf %gather3A_260, %gather3A_260 : vector<16xf32>
          %add3A_275 = arith.addf %add3A_273, %mul3A_274 : vector<16xf32>
          %mul3A_276 = arith.mulf %add3A_270, %add3A_275 : vector<16xf32>
          %sub3A_277 = arith.constant 0.000000e+00 : f32
          %sub3A_278 = vector.broadcast %sub3A_277 : f32 to vector<16xf32>
          %sub3A_279 = arith.subf %sub3A_278, %add3A_265 : vector<16xf32>
          %bitcast3A = vector.bitcast %mul3A_276 : vector<16xf32> to vector<16xi32>
          %shift_right_logical3A = arith.constant 1 : i32
          %shift_right_logical3A_280 = vector.broadcast %shift_right_logical3A : i32 to vector<16xi32>
          %shift_right_logical3A_281 = arith.shrui %bitcast3A, %shift_right_logical3A_280 : vector<16xi32>
          %sub3A_282 = arith.constant 1597463007 : i32
          %sub3A_283 = vector.broadcast %sub3A_282 : i32 to vector<16xi32>
          %sub3A_284 = arith.subi %sub3A_283, %shift_right_logical3A_281 : vector<16xi32>
          %bitcast3A_285 = vector.bitcast %sub3A_284 : vector<16xi32> to vector<16xf32>
          %mul3A_286 = arith.constant 5.000000e-01 : f32
          %mul3A_287 = vector.broadcast %mul3A_286 : f32 to vector<16xf32>
          %mul3A_288 = arith.mulf %mul3A_287, %mul3A_276 : vector<16xf32>
          %mul3A_289 = arith.mulf %mul3A_288, %bitcast3A_285 : vector<16xf32>
          %mul3A_290 = arith.mulf %mul3A_289, %bitcast3A_285 : vector<16xf32>
          %sub3A_291 = arith.constant 1.500000e+00 : f32
          %sub3A_292 = vector.broadcast %sub3A_291 : f32 to vector<16xf32>
          %sub3A_293 = arith.subf %sub3A_292, %mul3A_290 : vector<16xf32>
          %mul3A_294 = arith.mulf %bitcast3A_285, %sub3A_293 : vector<16xf32>
          %mul3A_295 = arith.constant 5.000000e-01 : f32
          %mul3A_296 = vector.broadcast %mul3A_295 : f32 to vector<16xf32>
          %mul3A_297 = arith.mulf %mul3A_296, %mul3A_276 : vector<16xf32>
          %mul3A_298 = arith.mulf %mul3A_297, %mul3A_294 : vector<16xf32>
          %mul3A_299 = arith.mulf %mul3A_298, %mul3A_294 : vector<16xf32>
          %sub3A_300 = arith.constant 1.500000e+00 : f32
          %sub3A_301 = vector.broadcast %sub3A_300 : f32 to vector<16xf32>
          %sub3A_302 = arith.subf %sub3A_301, %mul3A_299 : vector<16xf32>
          %mul3A_303 = arith.mulf %mul3A_294, %sub3A_302 : vector<16xf32>
          %mul3A_304 = arith.mulf %sub3A_279, %mul3A_303 : vector<16xf32>
          %jit3A_305 = arith.constant -1.000000e+00 : f32
          %jit3A_306 = arith.constant 1.000000e+00 : f32
          %max3A = vector.broadcast %jit3A_305 : f32 to vector<16xf32>
          %max3A_307 = arith.maximumf %max3A, %mul3A_304 : vector<16xf32>
          %min3A_308 = vector.broadcast %jit3A_306 : f32 to vector<16xf32>
          %min3A_309 = arith.minimumf %min3A_308, %max3A_307 : vector<16xf32>
          %mul3A_310 = arith.constant 16 : i32
          %mul3A_311 = arith.muli %scan3A_254, %mul3A_310 : i32
          %swap3A = arith.index_cast %mul3A_311 : i32 to index
          %swap3A_312 = tpu.vector_load %arg10[%swap3A] {strides = array<i32>} : memref<2048xf32, #tpu.memory_space<vmem>>, vector<16xf32>,
          tpu.vector_store %arg10[%swap3A], %min3A_309 {strides = array<i32>} : memref<2048xf32, #tpu.memory_space<vmem>>, vector<16xf32>,
          %add3A_313 = arith.constant 16 : i32
          %add3A_314 = vector.broadcast %add3A_313 : i32 to vector<16xi32>
          %add3A_315 = arith.addi %scan3A_255, %add3A_314 : vector<16xi32>
          scf.yield %add3A_315 : vector<16xi32>
        }
        %scan3A_246 = arith.constant 128 : i32
        %mul3A_247 = arith.constant 32 : i32
        %mul3A_248 = arith.muli %add3A_194, %mul3A_247 : i32
        %add3A_249 = arith.addi %add3A, %mul3A_248 : i32
        %mul3A_250 = arith.constant 2048 : i32
        %mul3A_251 = arith.muli %add3A_249, %mul3A_250 : i32
        %min3A = arith.constant 3197952 : i32
        %min3A_252 = arith.minsi %mul3A_251, %min3A : i32
        %dma_start3A = tpu.memref_slice %arg5[%min3A_252] : memref<3200000xf32, #tpu.memory_space<hbm>> -> memref<2048xf32, #tpu.memory_space<hbm>>
        %dma_start3A_253 = tpu.memref_slice %arg5[%min3A_252] : memref<3200000xf32, #tpu.memory_space<hbm>> -> memref<2048xf32, #tpu.memory_space<hbm>>
        tpu.enqueue_dma source(%arg10 : memref<2048xf32, #tpu.memory_space<vmem>>) target(%dma_start3A_253 : memref<2048xf32, #tpu.memory_space<hbm>>) target_semaphore(%arg13 : memref<!tpu.dma_semaphore, #tpu.memory_space<semaphore_mem>>)
      } else {
      }
      %mul3A_198 = arith.constant 3 : i32
      %mul3A_199 = arith.muli %while3A_190, %mul3A_198 : i32
      %add3A_200 = arith.constant 1 : i32
      %add3A_201 = arith.addi %mul3A_199, %add3A_200 : i32
      %lt3A_202 = arith.cmpi slt, %add3A_201, %add3A_20 : i32
      %convert_element_type3A_203 = arith.extui %lt3A_202 : i1 to i32
      %cond3A_204 = arith.constant 0 : i32
      %cond3A_205 = arith.cmpi ne, %convert_element_type3A_203, %cond3A_204 : i32
      scf.if %cond3A_205 {
        %dma_wait3A = arith.constant 0 : i32
        %dma_wait3A_214 = arith.constant 0 : i32
        %dma_wait3A_215 = tpu.memref_slice %arg2[%dma_wait3A, %dma_wait3A_214] : memref<800000x8xf32, #tpu.memory_space<hbm>> -> memref<2048x8xf32, #tpu.memory_space<hbm>>
        %dma_wait3A_216 = arith.constant 0 : i32
        %dma_wait3A_217 = arith.constant 0 : i32
        %dma_wait3A_218 = tpu.memref_slice %arg2[%dma_wait3A_216, %dma_wait3A_217] : memref<800000x8xf32, #tpu.memory_space<hbm>> -> memref<2048x8xf32, #tpu.memory_space<hbm>>
        tpu.wait_dma2 semaphore(%arg20 : memref<!tpu.dma_semaphore, #tpu.memory_space<semaphore_mem>>) src(%dma_wait3A_218 : memref<2048x8xf32, #tpu.memory_space<hbm>>) dst(%arg16 : memref<2048x8xf32, #tpu.memory_space<vmem>>)
        %dma_wait3A_219 = arith.constant 0 : i32
        %dma_wait3A_220 = arith.constant 0 : i32
        %dma_wait3A_221 = tpu.memref_slice %arg2[%dma_wait3A_219, %dma_wait3A_220] : memref<800000x8xf32, #tpu.memory_space<hbm>> -> memref<2048x8xf32, #tpu.memory_space<hbm>>
        %dma_wait3A_222 = arith.constant 0 : i32
        %dma_wait3A_223 = arith.constant 0 : i32
        %dma_wait3A_224 = tpu.memref_slice %arg2[%dma_wait3A_222, %dma_wait3A_223] : memref<800000x8xf32, #tpu.memory_space<hbm>> -> memref<2048x8xf32, #tpu.memory_space<hbm>>
        tpu.wait_dma2 semaphore(%arg20 : memref<!tpu.dma_semaphore, #tpu.memory_space<semaphore_mem>>) src(%dma_wait3A_224 : memref<2048x8xf32, #tpu.memory_space<hbm>>) dst(%arg17 : memref<2048x8xf32, #tpu.memory_space<vmem>>)
        %add3A_225 = arith.constant 3 : i32
        %add3A_226 = arith.addi %add3A_201, %add3A_225 : i32
        %lt3A_227 = arith.cmpi slt, %add3A_226, %add3A_20 : i32
        %convert_element_type3A_228 = arith.extui %lt3A_227 : i1 to i32
        %cond3A_229 = arith.constant 0 : i32
        %cond3A_230 = arith.cmpi ne, %convert_element_type3A_228, %cond3A_229 : i32
        scf.if %cond3A_230 {
          %add3A_254 = arith.constant 3 : i32
          %add3A_255 = arith.addi %add3A_201, %add3A_254 : i32
          %mul3A_256 = arith.constant 32 : i32
          %mul3A_257 = arith.muli %add3A_255, %mul3A_256 : i32
          %add3A_258 = arith.addi %add3A, %mul3A_257 : i32
          %mul3A_259 = arith.constant 2048 : i32
          %mul3A_260 = arith.muli %add3A_258, %mul3A_259 : i32
          %min3A_261 = arith.constant 3197952 : i32
          %min3A_262 = arith.minsi %mul3A_260, %min3A_261 : i32
          %dma_start3A_263 = tpu.memref_slice %arg3[%min3A_262] : memref<3200000xi32, #tpu.memory_space<hbm>> -> memref<2048xi32, #tpu.memory_space<hbm>>
          %dma_start3A_264 = tpu.memref_slice %arg3[%min3A_262] : memref<3200000xi32, #tpu.memory_space<hbm>> -> memref<2048xi32, #tpu.memory_space<hbm>>
          tpu.enqueue_dma source(%dma_start3A_264 : memref<2048xi32, #tpu.memory_space<hbm>>) target(%arg14 : memref<2048xi32, #tpu.memory_space<vmem>>) target_semaphore(%arg19 : memref<!tpu.dma_semaphore, #tpu.memory_space<semaphore_mem>>)
          %dma_start3A_265 = tpu.memref_slice %arg4[%min3A_262] : memref<3200000xi32, #tpu.memory_space<hbm>> -> memref<2048xi32, #tpu.memory_space<hbm>>
          %dma_start3A_266 = tpu.memref_slice %arg4[%min3A_262] : memref<3200000xi32, #tpu.memory_space<hbm>> -> memref<2048xi32, #tpu.memory_space<hbm>>
          tpu.enqueue_dma source(%dma_start3A_266 : memref<2048xi32, #tpu.memory_space<hbm>>) target(%arg15 : memref<2048xi32, #tpu.memory_space<vmem>>) target_semaphore(%arg19 : memref<!tpu.dma_semaphore, #tpu.memory_space<semaphore_mem>>)
        } else {
        }
        %add3A_231 = arith.constant 2 : i32
        %add3A_232 = arith.addi %add3A_201, %add3A_231 : i32
        %lt3A_233 = arith.cmpi slt, %add3A_232, %add3A_20 : i32
        %convert_element_type3A_234 = arith.extui %lt3A_233 : i1 to i32
        %cond3A_235 = arith.constant 0 : i32
        %cond3A_236 = arith.cmpi ne, %convert_element_type3A_234, %cond3A_235 : i32
        scf.if %cond3A_236 {
          %dma_wait3A_254 = arith.constant 0 : i32
          %dma_wait3A_255 = tpu.memref_slice %arg3[%dma_wait3A_254] : memref<3200000xi32, #tpu.memory_space<hbm>> -> memref<2048xi32, #tpu.memory_space<hbm>>
          %dma_wait3A_256 = arith.constant 0 : i32
          %dma_wait3A_257 = tpu.memref_slice %arg3[%dma_wait3A_256] : memref<3200000xi32, #tpu.memory_space<hbm>> -> memref<2048xi32, #tpu.memory_space<hbm>>
          tpu.wait_dma2 semaphore(%arg11 : memref<!tpu.dma_semaphore, #tpu.memory_space<semaphore_mem>>) src(%dma_wait3A_257 : memref<2048xi32, #tpu.memory_space<hbm>>) dst(%arg6 : memref<2048xi32, #tpu.memory_space<vmem>>)
          %dma_wait3A_258 = arith.constant 0 : i32
          %dma_wait3A_259 = tpu.memref_slice %arg4[%dma_wait3A_258] : memref<3200000xi32, #tpu.memory_space<hbm>> -> memref<2048xi32, #tpu.memory_space<hbm>>
          %dma_wait3A_260 = arith.constant 0 : i32
          %dma_wait3A_261 = tpu.memref_slice %arg4[%dma_wait3A_260] : memref<3200000xi32, #tpu.memory_space<hbm>> -> memref<2048xi32, #tpu.memory_space<hbm>>
          tpu.wait_dma2 semaphore(%arg11 : memref<!tpu.dma_semaphore, #tpu.memory_space<semaphore_mem>>) src(%dma_wait3A_261 : memref<2048xi32, #tpu.memory_space<hbm>>) dst(%arg7 : memref<2048xi32, #tpu.memory_space<vmem>>)
          %dma_start3A_262 = arith.constant 0 : i32
          %dma_start3A_263 = arith.constant 0 : i32
          %dma_start3A_264 = tpu.memref_slice %arg2[%dma_start3A_262, %dma_start3A_263] : memref<800000x8xf32, #tpu.memory_space<hbm>> -> memref<800000x8xf32, #tpu.memory_space<hbm>>
          tpu.enqueue_indirect_dma source(%dma_start3A_264 : memref<800000x8xf32, #tpu.memory_space<hbm>>) target(%arg8 : memref<2048x8xf32, #tpu.memory_space<vmem>>) offsets(%arg6 : memref<2048xi32, #tpu.memory_space<vmem>>) semaphore(%arg12 : memref<!tpu.dma_semaphore, #tpu.memory_space<semaphore_mem>>)
          %dma_start3A_265 = arith.constant 0 : i32
          %dma_start3A_266 = arith.constant 0 : i32
          %dma_start3A_267 = tpu.memref_slice %arg2[%dma_start3A_265, %dma_start3A_266] : memref<800000x8xf32, #tpu.memory_space<hbm>> -> memref<800000x8xf32, #tpu.memory_space<hbm>>
          tpu.enqueue_indirect_dma source(%dma_start3A_267 : memref<800000x8xf32, #tpu.memory_space<hbm>>) target(%arg9 : memref<2048x8xf32, #tpu.memory_space<vmem>>) offsets(%arg7 : memref<2048xi32, #tpu.memory_space<vmem>>) semaphore(%arg12 : memref<!tpu.dma_semaphore, #tpu.memory_space<semaphore_mem>>)
        } else {
        }
        %ge3A_237 = arith.constant 3 : i32
        %ge3A_238 = arith.cmpi sge, %add3A_201, %ge3A_237 : i32
        %convert_element_type3A_239 = arith.extui %ge3A_238 : i1 to i32
        %cond3A_240 = arith.constant 0 : i32
        %cond3A_241 = arith.cmpi ne, %convert_element_type3A_239, %cond3A_240 : i32
        scf.if %cond3A_241 {
          %dma_wait3A_254 = arith.constant 0 : i32
          %dma_wait3A_255 = tpu.memref_slice %arg5[%dma_wait3A_254] : memref<3200000xf32, #tpu.memory_space<hbm>> -> memref<2048xf32, #tpu.memory_space<hbm>>
          %dma_wait3A_256 = arith.constant 0 : i32
          %dma_wait3A_257 = tpu.memref_slice %arg5[%dma_wait3A_256] : memref<3200000xf32, #tpu.memory_space<hbm>> -> memref<2048xf32, #tpu.memory_space<hbm>>
          tpu.wait_dma2 semaphore(%arg21 : memref<!tpu.dma_semaphore, #tpu.memory_space<semaphore_mem>>) src(%arg18 : memref<2048xf32, #tpu.memory_space<vmem>>) dst(%dma_wait3A_257 : memref<2048xf32, #tpu.memory_space<hbm>>)
        } else {
        }
        %scan3A = arith.constant 0 : i32
        %scan3A_242 = arith.constant 128 : i32
        %scan3A_243 = arith.addi %scan3A, %scan3A_242 : i32
        %scan3A_244 = arith.constant 1 : i32
        %scan3A_245 = scf.for %scan3A_254 = %scan3A to %scan3A_243 step %scan3A_244 iter_args(%scan3A_255 = %iota3A) -> (vector<16xi32>)  : i32 {
          %gather3A = tpu.vector_load_idx %arg16[%scan3A_255, %broadcast_in_dim3A_21] : memref<2048x8xf32, #tpu.memory_space<vmem>>[vector<16xi32>, vector<16xi32>], vector<16xf32>,
          %gather3A_256 = tpu.vector_load_idx %arg16[%scan3A_255, %broadcast_in_dim3A_23] : memref<2048x8xf32, #tpu.memory_space<vmem>>[vector<16xi32>, vector<16xi32>], vector<16xf32>,
          %gather3A_257 = tpu.vector_load_idx %arg16[%scan3A_255, %broadcast_in_dim3A_25] : memref<2048x8xf32, #tpu.memory_space<vmem>>[vector<16xi32>, vector<16xi32>], vector<16xf32>,
          %gather3A_258 = tpu.vector_load_idx %arg17[%scan3A_255, %broadcast_in_dim3A_21] : memref<2048x8xf32, #tpu.memory_space<vmem>>[vector<16xi32>, vector<16xi32>], vector<16xf32>,
          %gather3A_259 = tpu.vector_load_idx %arg17[%scan3A_255, %broadcast_in_dim3A_23] : memref<2048x8xf32, #tpu.memory_space<vmem>>[vector<16xi32>, vector<16xi32>], vector<16xf32>,
          %gather3A_260 = tpu.vector_load_idx %arg17[%scan3A_255, %broadcast_in_dim3A_25] : memref<2048x8xf32, #tpu.memory_space<vmem>>[vector<16xi32>, vector<16xi32>], vector<16xf32>,
          %mul3A_261 = arith.mulf %gather3A, %gather3A_258 : vector<16xf32>
          %mul3A_262 = arith.mulf %gather3A_256, %gather3A_259 : vector<16xf32>
          %add3A_263 = arith.addf %mul3A_261, %mul3A_262 : vector<16xf32>
          %mul3A_264 = arith.mulf %gather3A_257, %gather3A_260 : vector<16xf32>
          %add3A_265 = arith.addf %add3A_263, %mul3A_264 : vector<16xf32>
          %mul3A_266 = arith.mulf %gather3A, %gather3A : vector<16xf32>
          %mul3A_267 = arith.mulf %gather3A_256, %gather3A_256 : vector<16xf32>
          %add3A_268 = arith.addf %mul3A_266, %mul3A_267 : vector<16xf32>
          %mul3A_269 = arith.mulf %gather3A_257, %gather3A_257 : vector<16xf32>
          %add3A_270 = arith.addf %add3A_268, %mul3A_269 : vector<16xf32>
          %mul3A_271 = arith.mulf %gather3A_258, %gather3A_258 : vector<16xf32>
          %mul3A_272 = arith.mulf %gather3A_259, %gather3A_259 : vector<16xf32>
          %add3A_273 = arith.addf %mul3A_271, %mul3A_272 : vector<16xf32>
          %mul3A_274 = arith.mulf %gather3A_260, %gather3A_260 : vector<16xf32>
          %add3A_275 = arith.addf %add3A_273, %mul3A_274 : vector<16xf32>
          %mul3A_276 = arith.mulf %add3A_270, %add3A_275 : vector<16xf32>
          %sub3A_277 = arith.constant 0.000000e+00 : f32
          %sub3A_278 = vector.broadcast %sub3A_277 : f32 to vector<16xf32>
          %sub3A_279 = arith.subf %sub3A_278, %add3A_265 : vector<16xf32>
          %bitcast3A = vector.bitcast %mul3A_276 : vector<16xf32> to vector<16xi32>
          %shift_right_logical3A = arith.constant 1 : i32
          %shift_right_logical3A_280 = vector.broadcast %shift_right_logical3A : i32 to vector<16xi32>
          %shift_right_logical3A_281 = arith.shrui %bitcast3A, %shift_right_logical3A_280 : vector<16xi32>
          %sub3A_282 = arith.constant 1597463007 : i32
          %sub3A_283 = vector.broadcast %sub3A_282 : i32 to vector<16xi32>
          %sub3A_284 = arith.subi %sub3A_283, %shift_right_logical3A_281 : vector<16xi32>
          %bitcast3A_285 = vector.bitcast %sub3A_284 : vector<16xi32> to vector<16xf32>
          %mul3A_286 = arith.constant 5.000000e-01 : f32
          %mul3A_287 = vector.broadcast %mul3A_286 : f32 to vector<16xf32>
          %mul3A_288 = arith.mulf %mul3A_287, %mul3A_276 : vector<16xf32>
          %mul3A_289 = arith.mulf %mul3A_288, %bitcast3A_285 : vector<16xf32>
          %mul3A_290 = arith.mulf %mul3A_289, %bitcast3A_285 : vector<16xf32>
          %sub3A_291 = arith.constant 1.500000e+00 : f32
          %sub3A_292 = vector.broadcast %sub3A_291 : f32 to vector<16xf32>
          %sub3A_293 = arith.subf %sub3A_292, %mul3A_290 : vector<16xf32>
          %mul3A_294 = arith.mulf %bitcast3A_285, %sub3A_293 : vector<16xf32>
          %mul3A_295 = arith.constant 5.000000e-01 : f32
          %mul3A_296 = vector.broadcast %mul3A_295 : f32 to vector<16xf32>
          %mul3A_297 = arith.mulf %mul3A_296, %mul3A_276 : vector<16xf32>
          %mul3A_298 = arith.mulf %mul3A_297, %mul3A_294 : vector<16xf32>
          %mul3A_299 = arith.mulf %mul3A_298, %mul3A_294 : vector<16xf32>
          %sub3A_300 = arith.constant 1.500000e+00 : f32
          %sub3A_301 = vector.broadcast %sub3A_300 : f32 to vector<16xf32>
          %sub3A_302 = arith.subf %sub3A_301, %mul3A_299 : vector<16xf32>
          %mul3A_303 = arith.mulf %mul3A_294, %sub3A_302 : vector<16xf32>
          %mul3A_304 = arith.mulf %sub3A_279, %mul3A_303 : vector<16xf32>
          %jit3A_305 = arith.constant -1.000000e+00 : f32
          %jit3A_306 = arith.constant 1.000000e+00 : f32
          %max3A = vector.broadcast %jit3A_305 : f32 to vector<16xf32>
          %max3A_307 = arith.maximumf %max3A, %mul3A_304 : vector<16xf32>
          %min3A_308 = vector.broadcast %jit3A_306 : f32 to vector<16xf32>
          %min3A_309 = arith.minimumf %min3A_308, %max3A_307 : vector<16xf32>
          %mul3A_310 = arith.constant 16 : i32
          %mul3A_311 = arith.muli %scan3A_254, %mul3A_310 : i32
          %swap3A = arith.index_cast %mul3A_311 : i32 to index
          %swap3A_312 = tpu.vector_load %arg18[%swap3A] {strides = array<i32>} : memref<2048xf32, #tpu.memory_space<vmem>>, vector<16xf32>,
          tpu.vector_store %arg18[%swap3A], %min3A_309 {strides = array<i32>} : memref<2048xf32, #tpu.memory_space<vmem>>, vector<16xf32>,
          %add3A_313 = arith.constant 16 : i32
          %add3A_314 = vector.broadcast %add3A_313 : i32 to vector<16xi32>
          %add3A_315 = arith.addi %scan3A_255, %add3A_314 : vector<16xi32>
          scf.yield %add3A_315 : vector<16xi32>
        }
        %scan3A_246 = arith.constant 128 : i32
        %mul3A_247 = arith.constant 32 : i32
        %mul3A_248 = arith.muli %add3A_201, %mul3A_247 : i32
        %add3A_249 = arith.addi %add3A, %mul3A_248 : i32
        %mul3A_250 = arith.constant 2048 : i32
        %mul3A_251 = arith.muli %add3A_249, %mul3A_250 : i32
        %min3A = arith.constant 3197952 : i32
        %min3A_252 = arith.minsi %mul3A_251, %min3A : i32
        %dma_start3A = tpu.memref_slice %arg5[%min3A_252] : memref<3200000xf32, #tpu.memory_space<hbm>> -> memref<2048xf32, #tpu.memory_space<hbm>>
        %dma_start3A_253 = tpu.memref_slice %arg5[%min3A_252] : memref<3200000xf32, #tpu.memory_space<hbm>> -> memref<2048xf32, #tpu.memory_space<hbm>>
        tpu.enqueue_dma source(%arg18 : memref<2048xf32, #tpu.memory_space<vmem>>) target(%dma_start3A_253 : memref<2048xf32, #tpu.memory_space<hbm>>) target_semaphore(%arg21 : memref<!tpu.dma_semaphore, #tpu.memory_space<semaphore_mem>>)
      } else {
      }
      %mul3A_206 = arith.constant 3 : i32
      %mul3A_207 = arith.muli %while3A_190, %mul3A_206 : i32
      %add3A_208 = arith.constant 2 : i32
      %add3A_209 = arith.addi %mul3A_207, %add3A_208 : i32
      %lt3A_210 = arith.cmpi slt, %add3A_209, %add3A_20 : i32
      %convert_element_type3A_211 = arith.extui %lt3A_210 : i1 to i32
      %cond3A_212 = arith.constant 0 : i32
      %cond3A_213 = arith.cmpi ne, %convert_element_type3A_211, %cond3A_212 : i32
      scf.if %cond3A_213 {
        %dma_wait3A = arith.constant 0 : i32
        %dma_wait3A_214 = arith.constant 0 : i32
        %dma_wait3A_215 = tpu.memref_slice %arg2[%dma_wait3A, %dma_wait3A_214] : memref<800000x8xf32, #tpu.memory_space<hbm>> -> memref<2048x8xf32, #tpu.memory_space<hbm>>
        %dma_wait3A_216 = arith.constant 0 : i32
        %dma_wait3A_217 = arith.constant 0 : i32
        %dma_wait3A_218 = tpu.memref_slice %arg2[%dma_wait3A_216, %dma_wait3A_217] : memref<800000x8xf32, #tpu.memory_space<hbm>> -> memref<2048x8xf32, #tpu.memory_space<hbm>>
        tpu.wait_dma2 semaphore(%arg28 : memref<!tpu.dma_semaphore, #tpu.memory_space<semaphore_mem>>) src(%dma_wait3A_218 : memref<2048x8xf32, #tpu.memory_space<hbm>>) dst(%arg24 : memref<2048x8xf32, #tpu.memory_space<vmem>>)
        %dma_wait3A_219 = arith.constant 0 : i32
        %dma_wait3A_220 = arith.constant 0 : i32
        %dma_wait3A_221 = tpu.memref_slice %arg2[%dma_wait3A_219, %dma_wait3A_220] : memref<800000x8xf32, #tpu.memory_space<hbm>> -> memref<2048x8xf32, #tpu.memory_space<hbm>>
        %dma_wait3A_222 = arith.constant 0 : i32
        %dma_wait3A_223 = arith.constant 0 : i32
        %dma_wait3A_224 = tpu.memref_slice %arg2[%dma_wait3A_222, %dma_wait3A_223] : memref<800000x8xf32, #tpu.memory_space<hbm>> -> memref<2048x8xf32, #tpu.memory_space<hbm>>
        tpu.wait_dma2 semaphore(%arg28 : memref<!tpu.dma_semaphore, #tpu.memory_space<semaphore_mem>>) src(%dma_wait3A_224 : memref<2048x8xf32, #tpu.memory_space<hbm>>) dst(%arg25 : memref<2048x8xf32, #tpu.memory_space<vmem>>)
        %add3A_225 = arith.constant 3 : i32
        %add3A_226 = arith.addi %add3A_209, %add3A_225 : i32
        %lt3A_227 = arith.cmpi slt, %add3A_226, %add3A_20 : i32
        %convert_element_type3A_228 = arith.extui %lt3A_227 : i1 to i32
        %cond3A_229 = arith.constant 0 : i32
        %cond3A_230 = arith.cmpi ne, %convert_element_type3A_228, %cond3A_229 : i32
        scf.if %cond3A_230 {
          %add3A_254 = arith.constant 3 : i32
          %add3A_255 = arith.addi %add3A_209, %add3A_254 : i32
          %mul3A_256 = arith.constant 32 : i32
          %mul3A_257 = arith.muli %add3A_255, %mul3A_256 : i32
          %add3A_258 = arith.addi %add3A, %mul3A_257 : i32
          %mul3A_259 = arith.constant 2048 : i32
          %mul3A_260 = arith.muli %add3A_258, %mul3A_259 : i32
          %min3A_261 = arith.constant 3197952 : i32
          %min3A_262 = arith.minsi %mul3A_260, %min3A_261 : i32
          %dma_start3A_263 = tpu.memref_slice %arg3[%min3A_262] : memref<3200000xi32, #tpu.memory_space<hbm>> -> memref<2048xi32, #tpu.memory_space<hbm>>
          %dma_start3A_264 = tpu.memref_slice %arg3[%min3A_262] : memref<3200000xi32, #tpu.memory_space<hbm>> -> memref<2048xi32, #tpu.memory_space<hbm>>
          tpu.enqueue_dma source(%dma_start3A_264 : memref<2048xi32, #tpu.memory_space<hbm>>) target(%arg22 : memref<2048xi32, #tpu.memory_space<vmem>>) target_semaphore(%arg27 : memref<!tpu.dma_semaphore, #tpu.memory_space<semaphore_mem>>)
          %dma_start3A_265 = tpu.memref_slice %arg4[%min3A_262] : memref<3200000xi32, #tpu.memory_space<hbm>> -> memref<2048xi32, #tpu.memory_space<hbm>>
          %dma_start3A_266 = tpu.memref_slice %arg4[%min3A_262] : memref<3200000xi32, #tpu.memory_space<hbm>> -> memref<2048xi32, #tpu.memory_space<hbm>>
          tpu.enqueue_dma source(%dma_start3A_266 : memref<2048xi32, #tpu.memory_space<hbm>>) target(%arg23 : memref<2048xi32, #tpu.memory_space<vmem>>) target_semaphore(%arg27 : memref<!tpu.dma_semaphore, #tpu.memory_space<semaphore_mem>>)
        } else {
        }
        %add3A_231 = arith.constant 2 : i32
        %add3A_232 = arith.addi %add3A_209, %add3A_231 : i32
        %lt3A_233 = arith.cmpi slt, %add3A_232, %add3A_20 : i32
        %convert_element_type3A_234 = arith.extui %lt3A_233 : i1 to i32
        %cond3A_235 = arith.constant 0 : i32
        %cond3A_236 = arith.cmpi ne, %convert_element_type3A_234, %cond3A_235 : i32
        scf.if %cond3A_236 {
          %dma_wait3A_254 = arith.constant 0 : i32
          %dma_wait3A_255 = tpu.memref_slice %arg3[%dma_wait3A_254] : memref<3200000xi32, #tpu.memory_space<hbm>> -> memref<2048xi32, #tpu.memory_space<hbm>>
          %dma_wait3A_256 = arith.constant 0 : i32
          %dma_wait3A_257 = tpu.memref_slice %arg3[%dma_wait3A_256] : memref<3200000xi32, #tpu.memory_space<hbm>> -> memref<2048xi32, #tpu.memory_space<hbm>>
          tpu.wait_dma2 semaphore(%arg19 : memref<!tpu.dma_semaphore, #tpu.memory_space<semaphore_mem>>) src(%dma_wait3A_257 : memref<2048xi32, #tpu.memory_space<hbm>>) dst(%arg14 : memref<2048xi32, #tpu.memory_space<vmem>>)
          %dma_wait3A_258 = arith.constant 0 : i32
          %dma_wait3A_259 = tpu.memref_slice %arg4[%dma_wait3A_258] : memref<3200000xi32, #tpu.memory_space<hbm>> -> memref<2048xi32, #tpu.memory_space<hbm>>
          %dma_wait3A_260 = arith.constant 0 : i32
          %dma_wait3A_261 = tpu.memref_slice %arg4[%dma_wait3A_260] : memref<3200000xi32, #tpu.memory_space<hbm>> -> memref<2048xi32, #tpu.memory_space<hbm>>
          tpu.wait_dma2 semaphore(%arg19 : memref<!tpu.dma_semaphore, #tpu.memory_space<semaphore_mem>>) src(%dma_wait3A_261 : memref<2048xi32, #tpu.memory_space<hbm>>) dst(%arg15 : memref<2048xi32, #tpu.memory_space<vmem>>)
          %dma_start3A_262 = arith.constant 0 : i32
          %dma_start3A_263 = arith.constant 0 : i32
          %dma_start3A_264 = tpu.memref_slice %arg2[%dma_start3A_262, %dma_start3A_263] : memref<800000x8xf32, #tpu.memory_space<hbm>> -> memref<800000x8xf32, #tpu.memory_space<hbm>>
          tpu.enqueue_indirect_dma source(%dma_start3A_264 : memref<800000x8xf32, #tpu.memory_space<hbm>>) target(%arg16 : memref<2048x8xf32, #tpu.memory_space<vmem>>) offsets(%arg14 : memref<2048xi32, #tpu.memory_space<vmem>>) semaphore(%arg20 : memref<!tpu.dma_semaphore, #tpu.memory_space<semaphore_mem>>)
          %dma_start3A_265 = arith.constant 0 : i32
          %dma_start3A_266 = arith.constant 0 : i32
          %dma_start3A_267 = tpu.memref_slice %arg2[%dma_start3A_265, %dma_start3A_266] : memref<800000x8xf32, #tpu.memory_space<hbm>> -> memref<800000x8xf32, #tpu.memory_space<hbm>>
          tpu.enqueue_indirect_dma source(%dma_start3A_267 : memref<800000x8xf32, #tpu.memory_space<hbm>>) target(%arg17 : memref<2048x8xf32, #tpu.memory_space<vmem>>) offsets(%arg15 : memref<2048xi32, #tpu.memory_space<vmem>>) semaphore(%arg20 : memref<!tpu.dma_semaphore, #tpu.memory_space<semaphore_mem>>)
        } else {
        }
        %ge3A_237 = arith.constant 3 : i32
        %ge3A_238 = arith.cmpi sge, %add3A_209, %ge3A_237 : i32
        %convert_element_type3A_239 = arith.extui %ge3A_238 : i1 to i32
        %cond3A_240 = arith.constant 0 : i32
        %cond3A_241 = arith.cmpi ne, %convert_element_type3A_239, %cond3A_240 : i32
        scf.if %cond3A_241 {
          %dma_wait3A_254 = arith.constant 0 : i32
          %dma_wait3A_255 = tpu.memref_slice %arg5[%dma_wait3A_254] : memref<3200000xf32, #tpu.memory_space<hbm>> -> memref<2048xf32, #tpu.memory_space<hbm>>
          %dma_wait3A_256 = arith.constant 0 : i32
          %dma_wait3A_257 = tpu.memref_slice %arg5[%dma_wait3A_256] : memref<3200000xf32, #tpu.memory_space<hbm>> -> memref<2048xf32, #tpu.memory_space<hbm>>
          tpu.wait_dma2 semaphore(%arg29 : memref<!tpu.dma_semaphore, #tpu.memory_space<semaphore_mem>>) src(%arg26 : memref<2048xf32, #tpu.memory_space<vmem>>) dst(%dma_wait3A_257 : memref<2048xf32, #tpu.memory_space<hbm>>)
        } else {
        }
        %scan3A = arith.constant 0 : i32
        %scan3A_242 = arith.constant 128 : i32
        %scan3A_243 = arith.addi %scan3A, %scan3A_242 : i32
        %scan3A_244 = arith.constant 1 : i32
        %scan3A_245 = scf.for %scan3A_254 = %scan3A to %scan3A_243 step %scan3A_244 iter_args(%scan3A_255 = %iota3A) -> (vector<16xi32>)  : i32 {
          %gather3A = tpu.vector_load_idx %arg24[%scan3A_255, %broadcast_in_dim3A_21] : memref<2048x8xf32, #tpu.memory_space<vmem>>[vector<16xi32>, vector<16xi32>], vector<16xf32>,
          %gather3A_256 = tpu.vector_load_idx %arg24[%scan3A_255, %broadcast_in_dim3A_23] : memref<2048x8xf32, #tpu.memory_space<vmem>>[vector<16xi32>, vector<16xi32>], vector<16xf32>,
          %gather3A_257 = tpu.vector_load_idx %arg24[%scan3A_255, %broadcast_in_dim3A_25] : memref<2048x8xf32, #tpu.memory_space<vmem>>[vector<16xi32>, vector<16xi32>], vector<16xf32>,
          %gather3A_258 = tpu.vector_load_idx %arg25[%scan3A_255, %broadcast_in_dim3A_21] : memref<2048x8xf32, #tpu.memory_space<vmem>>[vector<16xi32>, vector<16xi32>], vector<16xf32>,
          %gather3A_259 = tpu.vector_load_idx %arg25[%scan3A_255, %broadcast_in_dim3A_23] : memref<2048x8xf32, #tpu.memory_space<vmem>>[vector<16xi32>, vector<16xi32>], vector<16xf32>,
          %gather3A_260 = tpu.vector_load_idx %arg25[%scan3A_255, %broadcast_in_dim3A_25] : memref<2048x8xf32, #tpu.memory_space<vmem>>[vector<16xi32>, vector<16xi32>], vector<16xf32>,
          %mul3A_261 = arith.mulf %gather3A, %gather3A_258 : vector<16xf32>
          %mul3A_262 = arith.mulf %gather3A_256, %gather3A_259 : vector<16xf32>
          %add3A_263 = arith.addf %mul3A_261, %mul3A_262 : vector<16xf32>
          %mul3A_264 = arith.mulf %gather3A_257, %gather3A_260 : vector<16xf32>
          %add3A_265 = arith.addf %add3A_263, %mul3A_264 : vector<16xf32>
          %mul3A_266 = arith.mulf %gather3A, %gather3A : vector<16xf32>
          %mul3A_267 = arith.mulf %gather3A_256, %gather3A_256 : vector<16xf32>
          %add3A_268 = arith.addf %mul3A_266, %mul3A_267 : vector<16xf32>
          %mul3A_269 = arith.mulf %gather3A_257, %gather3A_257 : vector<16xf32>
          %add3A_270 = arith.addf %add3A_268, %mul3A_269 : vector<16xf32>
          %mul3A_271 = arith.mulf %gather3A_258, %gather3A_258 : vector<16xf32>
          %mul3A_272 = arith.mulf %gather3A_259, %gather3A_259 : vector<16xf32>
          %add3A_273 = arith.addf %mul3A_271, %mul3A_272 : vector<16xf32>
          %mul3A_274 = arith.mulf %gather3A_260, %gather3A_260 : vector<16xf32>
          %add3A_275 = arith.addf %add3A_273, %mul3A_274 : vector<16xf32>
          %mul3A_276 = arith.mulf %add3A_270, %add3A_275 : vector<16xf32>
          %sub3A_277 = arith.constant 0.000000e+00 : f32
          %sub3A_278 = vector.broadcast %sub3A_277 : f32 to vector<16xf32>
          %sub3A_279 = arith.subf %sub3A_278, %add3A_265 : vector<16xf32>
          %bitcast3A = vector.bitcast %mul3A_276 : vector<16xf32> to vector<16xi32>
          %shift_right_logical3A = arith.constant 1 : i32
          %shift_right_logical3A_280 = vector.broadcast %shift_right_logical3A : i32 to vector<16xi32>
          %shift_right_logical3A_281 = arith.shrui %bitcast3A, %shift_right_logical3A_280 : vector<16xi32>
          %sub3A_282 = arith.constant 1597463007 : i32
          %sub3A_283 = vector.broadcast %sub3A_282 : i32 to vector<16xi32>
          %sub3A_284 = arith.subi %sub3A_283, %shift_right_logical3A_281 : vector<16xi32>
          %bitcast3A_285 = vector.bitcast %sub3A_284 : vector<16xi32> to vector<16xf32>
          %mul3A_286 = arith.constant 5.000000e-01 : f32
          %mul3A_287 = vector.broadcast %mul3A_286 : f32 to vector<16xf32>
          %mul3A_288 = arith.mulf %mul3A_287, %mul3A_276 : vector<16xf32>
          %mul3A_289 = arith.mulf %mul3A_288, %bitcast3A_285 : vector<16xf32>
          %mul3A_290 = arith.mulf %mul3A_289, %bitcast3A_285 : vector<16xf32>
          %sub3A_291 = arith.constant 1.500000e+00 : f32
          %sub3A_292 = vector.broadcast %sub3A_291 : f32 to vector<16xf32>
          %sub3A_293 = arith.subf %sub3A_292, %mul3A_290 : vector<16xf32>
          %mul3A_294 = arith.mulf %bitcast3A_285, %sub3A_293 : vector<16xf32>
          %mul3A_295 = arith.constant 5.000000e-01 : f32
          %mul3A_296 = vector.broadcast %mul3A_295 : f32 to vector<16xf32>
          %mul3A_297 = arith.mulf %mul3A_296, %mul3A_276 : vector<16xf32>
          %mul3A_298 = arith.mulf %mul3A_297, %mul3A_294 : vector<16xf32>
          %mul3A_299 = arith.mulf %mul3A_298, %mul3A_294 : vector<16xf32>
          %sub3A_300 = arith.constant 1.500000e+00 : f32
          %sub3A_301 = vector.broadcast %sub3A_300 : f32 to vector<16xf32>
          %sub3A_302 = arith.subf %sub3A_301, %mul3A_299 : vector<16xf32>
          %mul3A_303 = arith.mulf %mul3A_294, %sub3A_302 : vector<16xf32>
          %mul3A_304 = arith.mulf %sub3A_279, %mul3A_303 : vector<16xf32>
          %jit3A_305 = arith.constant -1.000000e+00 : f32
          %jit3A_306 = arith.constant 1.000000e+00 : f32
          %max3A = vector.broadcast %jit3A_305 : f32 to vector<16xf32>
          %max3A_307 = arith.maximumf %max3A, %mul3A_304 : vector<16xf32>
          %min3A_308 = vector.broadcast %jit3A_306 : f32 to vector<16xf32>
          %min3A_309 = arith.minimumf %min3A_308, %max3A_307 : vector<16xf32>
          %mul3A_310 = arith.constant 16 : i32
          %mul3A_311 = arith.muli %scan3A_254, %mul3A_310 : i32
          %swap3A = arith.index_cast %mul3A_311 : i32 to index
          %swap3A_312 = tpu.vector_load %arg26[%swap3A] {strides = array<i32>} : memref<2048xf32, #tpu.memory_space<vmem>>, vector<16xf32>,
          tpu.vector_store %arg26[%swap3A], %min3A_309 {strides = array<i32>} : memref<2048xf32, #tpu.memory_space<vmem>>, vector<16xf32>,
          %add3A_313 = arith.constant 16 : i32
          %add3A_314 = vector.broadcast %add3A_313 : i32 to vector<16xi32>
          %add3A_315 = arith.addi %scan3A_255, %add3A_314 : vector<16xi32>
          scf.yield %add3A_315 : vector<16xi32>
        }
        %scan3A_246 = arith.constant 128 : i32
        %mul3A_247 = arith.constant 32 : i32
        %mul3A_248 = arith.muli %add3A_209, %mul3A_247 : i32
        %add3A_249 = arith.addi %add3A, %mul3A_248 : i32
        %mul3A_250 = arith.constant 2048 : i32
        %mul3A_251 = arith.muli %add3A_249, %mul3A_250 : i32
        %min3A = arith.constant 3197952 : i32
        %min3A_252 = arith.minsi %mul3A_251, %min3A : i32
        %dma_start3A = tpu.memref_slice %arg5[%min3A_252] : memref<3200000xf32, #tpu.memory_space<hbm>> -> memref<2048xf32, #tpu.memory_space<hbm>>
        %dma_start3A_253 = tpu.memref_slice %arg5[%min3A_252] : memref<3200000xf32, #tpu.memory_space<hbm>> -> memref<2048xf32, #tpu.memory_space<hbm>>
        tpu.enqueue_dma source(%arg26 : memref<2048xf32, #tpu.memory_space<vmem>>) target(%dma_start3A_253 : memref<2048xf32, #tpu.memory_space<hbm>>) target_semaphore(%arg29 : memref<!tpu.dma_semaphore, #tpu.memory_space<semaphore_mem>>)
      } else {
      }
    }
    %while3A_82 = arith.constant 1 : i32
    scf.for %while3A_190 = %while3A_80 to %while3A_76 step %while3A_82  : i32 {
      %mul3A_191 = arith.constant 3 : i32
      %mul3A_192 = arith.muli %while3A_190, %mul3A_191 : i32
      %add3A_193 = arith.constant 0 : i32
      %add3A_194 = arith.addi %mul3A_192, %add3A_193 : i32
      %lt3A = arith.cmpi slt, %add3A_194, %add3A_20 : i32
      %convert_element_type3A_195 = arith.extui %lt3A : i1 to i32
      %cond3A_196 = arith.constant 0 : i32
      %cond3A_197 = arith.cmpi ne, %convert_element_type3A_195, %cond3A_196 : i32
      scf.if %cond3A_197 {
        %dma_wait3A = arith.constant 0 : i32
        %dma_wait3A_214 = arith.constant 0 : i32
        %dma_wait3A_215 = tpu.memref_slice %arg2[%dma_wait3A, %dma_wait3A_214] : memref<800000x8xf32, #tpu.memory_space<hbm>> -> memref<2048x8xf32, #tpu.memory_space<hbm>>
        %dma_wait3A_216 = arith.constant 0 : i32
        %dma_wait3A_217 = arith.constant 0 : i32
        %dma_wait3A_218 = tpu.memref_slice %arg2[%dma_wait3A_216, %dma_wait3A_217] : memref<800000x8xf32, #tpu.memory_space<hbm>> -> memref<2048x8xf32, #tpu.memory_space<hbm>>
        tpu.wait_dma2 semaphore(%arg12 : memref<!tpu.dma_semaphore, #tpu.memory_space<semaphore_mem>>) src(%dma_wait3A_218 : memref<2048x8xf32, #tpu.memory_space<hbm>>) dst(%arg8 : memref<2048x8xf32, #tpu.memory_space<vmem>>)
        %dma_wait3A_219 = arith.constant 0 : i32
        %dma_wait3A_220 = arith.constant 0 : i32
        %dma_wait3A_221 = tpu.memref_slice %arg2[%dma_wait3A_219, %dma_wait3A_220] : memref<800000x8xf32, #tpu.memory_space<hbm>> -> memref<2048x8xf32, #tpu.memory_space<hbm>>
        %dma_wait3A_222 = arith.constant 0 : i32
        %dma_wait3A_223 = arith.constant 0 : i32
        %dma_wait3A_224 = tpu.memref_slice %arg2[%dma_wait3A_222, %dma_wait3A_223] : memref<800000x8xf32, #tpu.memory_space<hbm>> -> memref<2048x8xf32, #tpu.memory_space<hbm>>
        tpu.wait_dma2 semaphore(%arg12 : memref<!tpu.dma_semaphore, #tpu.memory_space<semaphore_mem>>) src(%dma_wait3A_224 : memref<2048x8xf32, #tpu.memory_space<hbm>>) dst(%arg9 : memref<2048x8xf32, #tpu.memory_space<vmem>>)
        %add3A_225 = arith.constant 3 : i32
        %add3A_226 = arith.addi %add3A_194, %add3A_225 : i32
        %lt3A_227 = arith.cmpi slt, %add3A_226, %add3A_20 : i32
        %convert_element_type3A_228 = arith.extui %lt3A_227 : i1 to i32
        %cond3A_229 = arith.constant 0 : i32
        %cond3A_230 = arith.cmpi ne, %convert_element_type3A_228, %cond3A_229 : i32
        scf.if %cond3A_230 {
          %add3A_254 = arith.constant 3 : i32
          %add3A_255 = arith.addi %add3A_194, %add3A_254 : i32
          %mul3A_256 = arith.constant 32 : i32
          %mul3A_257 = arith.muli %add3A_255, %mul3A_256 : i32
          %add3A_258 = arith.addi %add3A, %mul3A_257 : i32
          %mul3A_259 = arith.constant 2048 : i32
          %mul3A_260 = arith.muli %add3A_258, %mul3A_259 : i32
          %min3A_261 = arith.constant 3197952 : i32
          %min3A_262 = arith.minsi %mul3A_260, %min3A_261 : i32
          %dma_start3A_263 = tpu.memref_slice %arg3[%min3A_262] : memref<3200000xi32, #tpu.memory_space<hbm>> -> memref<2048xi32, #tpu.memory_space<hbm>>
          %dma_start3A_264 = tpu.memref_slice %arg3[%min3A_262] : memref<3200000xi32, #tpu.memory_space<hbm>> -> memref<2048xi32, #tpu.memory_space<hbm>>
          tpu.enqueue_dma source(%dma_start3A_264 : memref<2048xi32, #tpu.memory_space<hbm>>) target(%arg6 : memref<2048xi32, #tpu.memory_space<vmem>>) target_semaphore(%arg11 : memref<!tpu.dma_semaphore, #tpu.memory_space<semaphore_mem>>)
          %dma_start3A_265 = tpu.memref_slice %arg4[%min3A_262] : memref<3200000xi32, #tpu.memory_space<hbm>> -> memref<2048xi32, #tpu.memory_space<hbm>>
          %dma_start3A_266 = tpu.memref_slice %arg4[%min3A_262] : memref<3200000xi32, #tpu.memory_space<hbm>> -> memref<2048xi32, #tpu.memory_space<hbm>>
          tpu.enqueue_dma source(%dma_start3A_266 : memref<2048xi32, #tpu.memory_space<hbm>>) target(%arg7 : memref<2048xi32, #tpu.memory_space<vmem>>) target_semaphore(%arg11 : memref<!tpu.dma_semaphore, #tpu.memory_space<semaphore_mem>>)
        } else {
        }
        %add3A_231 = arith.constant 2 : i32
        %add3A_232 = arith.addi %add3A_194, %add3A_231 : i32
        %lt3A_233 = arith.cmpi slt, %add3A_232, %add3A_20 : i32
        %convert_element_type3A_234 = arith.extui %lt3A_233 : i1 to i32
        %cond3A_235 = arith.constant 0 : i32
        %cond3A_236 = arith.cmpi ne, %convert_element_type3A_234, %cond3A_235 : i32
        scf.if %cond3A_236 {
          %dma_wait3A_254 = arith.constant 0 : i32
          %dma_wait3A_255 = tpu.memref_slice %arg3[%dma_wait3A_254] : memref<3200000xi32, #tpu.memory_space<hbm>> -> memref<2048xi32, #tpu.memory_space<hbm>>
          %dma_wait3A_256 = arith.constant 0 : i32
          %dma_wait3A_257 = tpu.memref_slice %arg3[%dma_wait3A_256] : memref<3200000xi32, #tpu.memory_space<hbm>> -> memref<2048xi32, #tpu.memory_space<hbm>>
          tpu.wait_dma2 semaphore(%arg27 : memref<!tpu.dma_semaphore, #tpu.memory_space<semaphore_mem>>) src(%dma_wait3A_257 : memref<2048xi32, #tpu.memory_space<hbm>>) dst(%arg22 : memref<2048xi32, #tpu.memory_space<vmem>>)
          %dma_wait3A_258 = arith.constant 0 : i32
          %dma_wait3A_259 = tpu.memref_slice %arg4[%dma_wait3A_258] : memref<3200000xi32, #tpu.memory_space<hbm>> -> memref<2048xi32, #tpu.memory_space<hbm>>
          %dma_wait3A_260 = arith.constant 0 : i32
          %dma_wait3A_261 = tpu.memref_slice %arg4[%dma_wait3A_260] : memref<3200000xi32, #tpu.memory_space<hbm>> -> memref<2048xi32, #tpu.memory_space<hbm>>
          tpu.wait_dma2 semaphore(%arg27 : memref<!tpu.dma_semaphore, #tpu.memory_space<semaphore_mem>>) src(%dma_wait3A_261 : memref<2048xi32, #tpu.memory_space<hbm>>) dst(%arg23 : memref<2048xi32, #tpu.memory_space<vmem>>)
          %dma_start3A_262 = arith.constant 0 : i32
          %dma_start3A_263 = arith.constant 0 : i32
          %dma_start3A_264 = tpu.memref_slice %arg2[%dma_start3A_262, %dma_start3A_263] : memref<800000x8xf32, #tpu.memory_space<hbm>> -> memref<800000x8xf32, #tpu.memory_space<hbm>>
          tpu.enqueue_indirect_dma source(%dma_start3A_264 : memref<800000x8xf32, #tpu.memory_space<hbm>>) target(%arg24 : memref<2048x8xf32, #tpu.memory_space<vmem>>) offsets(%arg22 : memref<2048xi32, #tpu.memory_space<vmem>>) semaphore(%arg28 : memref<!tpu.dma_semaphore, #tpu.memory_space<semaphore_mem>>)
          %dma_start3A_265 = arith.constant 0 : i32
          %dma_start3A_266 = arith.constant 0 : i32
          %dma_start3A_267 = tpu.memref_slice %arg2[%dma_start3A_265, %dma_start3A_266] : memref<800000x8xf32, #tpu.memory_space<hbm>> -> memref<800000x8xf32, #tpu.memory_space<hbm>>
          tpu.enqueue_indirect_dma source(%dma_start3A_267 : memref<800000x8xf32, #tpu.memory_space<hbm>>) target(%arg25 : memref<2048x8xf32, #tpu.memory_space<vmem>>) offsets(%arg23 : memref<2048xi32, #tpu.memory_space<vmem>>) semaphore(%arg28 : memref<!tpu.dma_semaphore, #tpu.memory_space<semaphore_mem>>)
        } else {
        }
        %ge3A_237 = arith.constant 3 : i32
        %ge3A_238 = arith.cmpi sge, %add3A_194, %ge3A_237 : i32
        %convert_element_type3A_239 = arith.extui %ge3A_238 : i1 to i32
        %cond3A_240 = arith.constant 0 : i32
        %cond3A_241 = arith.cmpi ne, %convert_element_type3A_239, %cond3A_240 : i32
        scf.if %cond3A_241 {
          %dma_wait3A_254 = arith.constant 0 : i32
          %dma_wait3A_255 = tpu.memref_slice %arg5[%dma_wait3A_254] : memref<3200000xf32, #tpu.memory_space<hbm>> -> memref<2048xf32, #tpu.memory_space<hbm>>
          %dma_wait3A_256 = arith.constant 0 : i32
          %dma_wait3A_257 = tpu.memref_slice %arg5[%dma_wait3A_256] : memref<3200000xf32, #tpu.memory_space<hbm>> -> memref<2048xf32, #tpu.memory_space<hbm>>
          tpu.wait_dma2 semaphore(%arg13 : memref<!tpu.dma_semaphore, #tpu.memory_space<semaphore_mem>>) src(%arg10 : memref<2048xf32, #tpu.memory_space<vmem>>) dst(%dma_wait3A_257 : memref<2048xf32, #tpu.memory_space<hbm>>)
        } else {
        }
        %scan3A = arith.constant 0 : i32
        %scan3A_242 = arith.constant 128 : i32
        %scan3A_243 = arith.addi %scan3A, %scan3A_242 : i32
        %scan3A_244 = arith.constant 1 : i32
        %scan3A_245 = scf.for %scan3A_254 = %scan3A to %scan3A_243 step %scan3A_244 iter_args(%scan3A_255 = %iota3A) -> (vector<16xi32>)  : i32 {
          %gather3A = tpu.vector_load_idx %arg8[%scan3A_255, %broadcast_in_dim3A_21] : memref<2048x8xf32, #tpu.memory_space<vmem>>[vector<16xi32>, vector<16xi32>], vector<16xf32>,
          %gather3A_256 = tpu.vector_load_idx %arg8[%scan3A_255, %broadcast_in_dim3A_23] : memref<2048x8xf32, #tpu.memory_space<vmem>>[vector<16xi32>, vector<16xi32>], vector<16xf32>,
          %gather3A_257 = tpu.vector_load_idx %arg8[%scan3A_255, %broadcast_in_dim3A_25] : memref<2048x8xf32, #tpu.memory_space<vmem>>[vector<16xi32>, vector<16xi32>], vector<16xf32>,
          %gather3A_258 = tpu.vector_load_idx %arg9[%scan3A_255, %broadcast_in_dim3A_21] : memref<2048x8xf32, #tpu.memory_space<vmem>>[vector<16xi32>, vector<16xi32>], vector<16xf32>,
          %gather3A_259 = tpu.vector_load_idx %arg9[%scan3A_255, %broadcast_in_dim3A_23] : memref<2048x8xf32, #tpu.memory_space<vmem>>[vector<16xi32>, vector<16xi32>], vector<16xf32>,
          %gather3A_260 = tpu.vector_load_idx %arg9[%scan3A_255, %broadcast_in_dim3A_25] : memref<2048x8xf32, #tpu.memory_space<vmem>>[vector<16xi32>, vector<16xi32>], vector<16xf32>,
          %mul3A_261 = arith.mulf %gather3A, %gather3A_258 : vector<16xf32>
          %mul3A_262 = arith.mulf %gather3A_256, %gather3A_259 : vector<16xf32>
          %add3A_263 = arith.addf %mul3A_261, %mul3A_262 : vector<16xf32>
          %mul3A_264 = arith.mulf %gather3A_257, %gather3A_260 : vector<16xf32>
          %add3A_265 = arith.addf %add3A_263, %mul3A_264 : vector<16xf32>
          %mul3A_266 = arith.mulf %gather3A, %gather3A : vector<16xf32>
          %mul3A_267 = arith.mulf %gather3A_256, %gather3A_256 : vector<16xf32>
          %add3A_268 = arith.addf %mul3A_266, %mul3A_267 : vector<16xf32>
          %mul3A_269 = arith.mulf %gather3A_257, %gather3A_257 : vector<16xf32>
          %add3A_270 = arith.addf %add3A_268, %mul3A_269 : vector<16xf32>
          %mul3A_271 = arith.mulf %gather3A_258, %gather3A_258 : vector<16xf32>
          %mul3A_272 = arith.mulf %gather3A_259, %gather3A_259 : vector<16xf32>
          %add3A_273 = arith.addf %mul3A_271, %mul3A_272 : vector<16xf32>
          %mul3A_274 = arith.mulf %gather3A_260, %gather3A_260 : vector<16xf32>
          %add3A_275 = arith.addf %add3A_273, %mul3A_274 : vector<16xf32>
          %mul3A_276 = arith.mulf %add3A_270, %add3A_275 : vector<16xf32>
          %sub3A_277 = arith.constant 0.000000e+00 : f32
          %sub3A_278 = vector.broadcast %sub3A_277 : f32 to vector<16xf32>
          %sub3A_279 = arith.subf %sub3A_278, %add3A_265 : vector<16xf32>
          %bitcast3A = vector.bitcast %mul3A_276 : vector<16xf32> to vector<16xi32>
          %shift_right_logical3A = arith.constant 1 : i32
          %shift_right_logical3A_280 = vector.broadcast %shift_right_logical3A : i32 to vector<16xi32>
          %shift_right_logical3A_281 = arith.shrui %bitcast3A, %shift_right_logical3A_280 : vector<16xi32>
          %sub3A_282 = arith.constant 1597463007 : i32
          %sub3A_283 = vector.broadcast %sub3A_282 : i32 to vector<16xi32>
          %sub3A_284 = arith.subi %sub3A_283, %shift_right_logical3A_281 : vector<16xi32>
          %bitcast3A_285 = vector.bitcast %sub3A_284 : vector<16xi32> to vector<16xf32>
          %mul3A_286 = arith.constant 5.000000e-01 : f32
          %mul3A_287 = vector.broadcast %mul3A_286 : f32 to vector<16xf32>
          %mul3A_288 = arith.mulf %mul3A_287, %mul3A_276 : vector<16xf32>
          %mul3A_289 = arith.mulf %mul3A_288, %bitcast3A_285 : vector<16xf32>
          %mul3A_290 = arith.mulf %mul3A_289, %bitcast3A_285 : vector<16xf32>
          %sub3A_291 = arith.constant 1.500000e+00 : f32
          %sub3A_292 = vector.broadcast %sub3A_291 : f32 to vector<16xf32>
          %sub3A_293 = arith.subf %sub3A_292, %mul3A_290 : vector<16xf32>
          %mul3A_294 = arith.mulf %bitcast3A_285, %sub3A_293 : vector<16xf32>
          %mul3A_295 = arith.constant 5.000000e-01 : f32
          %mul3A_296 = vector.broadcast %mul3A_295 : f32 to vector<16xf32>
          %mul3A_297 = arith.mulf %mul3A_296, %mul3A_276 : vector<16xf32>
          %mul3A_298 = arith.mulf %mul3A_297, %mul3A_294 : vector<16xf32>
          %mul3A_299 = arith.mulf %mul3A_298, %mul3A_294 : vector<16xf32>
          %sub3A_300 = arith.constant 1.500000e+00 : f32
          %sub3A_301 = vector.broadcast %sub3A_300 : f32 to vector<16xf32>
          %sub3A_302 = arith.subf %sub3A_301, %mul3A_299 : vector<16xf32>
          %mul3A_303 = arith.mulf %mul3A_294, %sub3A_302 : vector<16xf32>
          %mul3A_304 = arith.mulf %sub3A_279, %mul3A_303 : vector<16xf32>
          %jit3A_305 = arith.constant -1.000000e+00 : f32
          %jit3A_306 = arith.constant 1.000000e+00 : f32
          %max3A = vector.broadcast %jit3A_305 : f32 to vector<16xf32>
          %max3A_307 = arith.maximumf %max3A, %mul3A_304 : vector<16xf32>
          %min3A_308 = vector.broadcast %jit3A_306 : f32 to vector<16xf32>
          %min3A_309 = arith.minimumf %min3A_308, %max3A_307 : vector<16xf32>
          %mul3A_310 = arith.constant 16 : i32
          %mul3A_311 = arith.muli %scan3A_254, %mul3A_310 : i32
          %swap3A = arith.index_cast %mul3A_311 : i32 to index
          %swap3A_312 = tpu.vector_load %arg10[%swap3A] {strides = array<i32>} : memref<2048xf32, #tpu.memory_space<vmem>>, vector<16xf32>,
          tpu.vector_store %arg10[%swap3A], %min3A_309 {strides = array<i32>} : memref<2048xf32, #tpu.memory_space<vmem>>, vector<16xf32>,
          %add3A_313 = arith.constant 16 : i32
          %add3A_314 = vector.broadcast %add3A_313 : i32 to vector<16xi32>
          %add3A_315 = arith.addi %scan3A_255, %add3A_314 : vector<16xi32>
          scf.yield %add3A_315 : vector<16xi32>
        }
        %scan3A_246 = arith.constant 128 : i32
        %mul3A_247 = arith.constant 32 : i32
        %mul3A_248 = arith.muli %add3A_194, %mul3A_247 : i32
        %add3A_249 = arith.addi %add3A, %mul3A_248 : i32
        %mul3A_250 = arith.constant 2048 : i32
        %mul3A_251 = arith.muli %add3A_249, %mul3A_250 : i32
        %min3A = arith.constant 3197952 : i32
        %min3A_252 = arith.minsi %mul3A_251, %min3A : i32
        %dma_start3A = tpu.memref_slice %arg5[%min3A_252] : memref<3200000xf32, #tpu.memory_space<hbm>> -> memref<2048xf32, #tpu.memory_space<hbm>>
        %dma_start3A_253 = tpu.memref_slice %arg5[%min3A_252] : memref<3200000xf32, #tpu.memory_space<hbm>> -> memref<2048xf32, #tpu.memory_space<hbm>>
        tpu.enqueue_dma source(%arg10 : memref<2048xf32, #tpu.memory_space<vmem>>) target(%dma_start3A_253 : memref<2048xf32, #tpu.memory_space<hbm>>) target_semaphore(%arg13 : memref<!tpu.dma_semaphore, #tpu.memory_space<semaphore_mem>>)
      } else {
      }
      %mul3A_198 = arith.constant 3 : i32
      %mul3A_199 = arith.muli %while3A_190, %mul3A_198 : i32
      %add3A_200 = arith.constant 1 : i32
      %add3A_201 = arith.addi %mul3A_199, %add3A_200 : i32
      %lt3A_202 = arith.cmpi slt, %add3A_201, %add3A_20 : i32
      %convert_element_type3A_203 = arith.extui %lt3A_202 : i1 to i32
      %cond3A_204 = arith.constant 0 : i32
      %cond3A_205 = arith.cmpi ne, %convert_element_type3A_203, %cond3A_204 : i32
      scf.if %cond3A_205 {
        %dma_wait3A = arith.constant 0 : i32
        %dma_wait3A_214 = arith.constant 0 : i32
        %dma_wait3A_215 = tpu.memref_slice %arg2[%dma_wait3A, %dma_wait3A_214] : memref<800000x8xf32, #tpu.memory_space<hbm>> -> memref<2048x8xf32, #tpu.memory_space<hbm>>
        %dma_wait3A_216 = arith.constant 0 : i32
        %dma_wait3A_217 = arith.constant 0 : i32
        %dma_wait3A_218 = tpu.memref_slice %arg2[%dma_wait3A_216, %dma_wait3A_217] : memref<800000x8xf32, #tpu.memory_space<hbm>> -> memref<2048x8xf32, #tpu.memory_space<hbm>>
        tpu.wait_dma2 semaphore(%arg20 : memref<!tpu.dma_semaphore, #tpu.memory_space<semaphore_mem>>) src(%dma_wait3A_218 : memref<2048x8xf32, #tpu.memory_space<hbm>>) dst(%arg16 : memref<2048x8xf32, #tpu.memory_space<vmem>>)
        %dma_wait3A_219 = arith.constant 0 : i32
        %dma_wait3A_220 = arith.constant 0 : i32
        %dma_wait3A_221 = tpu.memref_slice %arg2[%dma_wait3A_219, %dma_wait3A_220] : memref<800000x8xf32, #tpu.memory_space<hbm>> -> memref<2048x8xf32, #tpu.memory_space<hbm>>
        %dma_wait3A_222 = arith.constant 0 : i32
        %dma_wait3A_223 = arith.constant 0 : i32
        %dma_wait3A_224 = tpu.memref_slice %arg2[%dma_wait3A_222, %dma_wait3A_223] : memref<800000x8xf32, #tpu.memory_space<hbm>> -> memref<2048x8xf32, #tpu.memory_space<hbm>>
        tpu.wait_dma2 semaphore(%arg20 : memref<!tpu.dma_semaphore, #tpu.memory_space<semaphore_mem>>) src(%dma_wait3A_224 : memref<2048x8xf32, #tpu.memory_space<hbm>>) dst(%arg17 : memref<2048x8xf32, #tpu.memory_space<vmem>>)
        %add3A_225 = arith.constant 3 : i32
        %add3A_226 = arith.addi %add3A_201, %add3A_225 : i32
        %lt3A_227 = arith.cmpi slt, %add3A_226, %add3A_20 : i32
        %convert_element_type3A_228 = arith.extui %lt3A_227 : i1 to i32
        %cond3A_229 = arith.constant 0 : i32
        %cond3A_230 = arith.cmpi ne, %convert_element_type3A_228, %cond3A_229 : i32
        scf.if %cond3A_230 {
          %add3A_254 = arith.constant 3 : i32
          %add3A_255 = arith.addi %add3A_201, %add3A_254 : i32
          %mul3A_256 = arith.constant 32 : i32
          %mul3A_257 = arith.muli %add3A_255, %mul3A_256 : i32
          %add3A_258 = arith.addi %add3A, %mul3A_257 : i32
          %mul3A_259 = arith.constant 2048 : i32
          %mul3A_260 = arith.muli %add3A_258, %mul3A_259 : i32
          %min3A_261 = arith.constant 3197952 : i32
          %min3A_262 = arith.minsi %mul3A_260, %min3A_261 : i32
          %dma_start3A_263 = tpu.memref_slice %arg3[%min3A_262] : memref<3200000xi32, #tpu.memory_space<hbm>> -> memref<2048xi32, #tpu.memory_space<hbm>>
          %dma_start3A_264 = tpu.memref_slice %arg3[%min3A_262] : memref<3200000xi32, #tpu.memory_space<hbm>> -> memref<2048xi32, #tpu.memory_space<hbm>>
          tpu.enqueue_dma source(%dma_start3A_264 : memref<2048xi32, #tpu.memory_space<hbm>>) target(%arg14 : memref<2048xi32, #tpu.memory_space<vmem>>) target_semaphore(%arg19 : memref<!tpu.dma_semaphore, #tpu.memory_space<semaphore_mem>>)
          %dma_start3A_265 = tpu.memref_slice %arg4[%min3A_262] : memref<3200000xi32, #tpu.memory_space<hbm>> -> memref<2048xi32, #tpu.memory_space<hbm>>
          %dma_start3A_266 = tpu.memref_slice %arg4[%min3A_262] : memref<3200000xi32, #tpu.memory_space<hbm>> -> memref<2048xi32, #tpu.memory_space<hbm>>
          tpu.enqueue_dma source(%dma_start3A_266 : memref<2048xi32, #tpu.memory_space<hbm>>) target(%arg15 : memref<2048xi32, #tpu.memory_space<vmem>>) target_semaphore(%arg19 : memref<!tpu.dma_semaphore, #tpu.memory_space<semaphore_mem>>)
        } else {
        }
        %add3A_231 = arith.constant 2 : i32
        %add3A_232 = arith.addi %add3A_201, %add3A_231 : i32
        %lt3A_233 = arith.cmpi slt, %add3A_232, %add3A_20 : i32
        %convert_element_type3A_234 = arith.extui %lt3A_233 : i1 to i32
        %cond3A_235 = arith.constant 0 : i32
        %cond3A_236 = arith.cmpi ne, %convert_element_type3A_234, %cond3A_235 : i32
        scf.if %cond3A_236 {
          %dma_wait3A_254 = arith.constant 0 : i32
          %dma_wait3A_255 = tpu.memref_slice %arg3[%dma_wait3A_254] : memref<3200000xi32, #tpu.memory_space<hbm>> -> memref<2048xi32, #tpu.memory_space<hbm>>
          %dma_wait3A_256 = arith.constant 0 : i32
          %dma_wait3A_257 = tpu.memref_slice %arg3[%dma_wait3A_256] : memref<3200000xi32, #tpu.memory_space<hbm>> -> memref<2048xi32, #tpu.memory_space<hbm>>
          tpu.wait_dma2 semaphore(%arg11 : memref<!tpu.dma_semaphore, #tpu.memory_space<semaphore_mem>>) src(%dma_wait3A_257 : memref<2048xi32, #tpu.memory_space<hbm>>) dst(%arg6 : memref<2048xi32, #tpu.memory_space<vmem>>)
          %dma_wait3A_258 = arith.constant 0 : i32
          %dma_wait3A_259 = tpu.memref_slice %arg4[%dma_wait3A_258] : memref<3200000xi32, #tpu.memory_space<hbm>> -> memref<2048xi32, #tpu.memory_space<hbm>>
          %dma_wait3A_260 = arith.constant 0 : i32
          %dma_wait3A_261 = tpu.memref_slice %arg4[%dma_wait3A_260] : memref<3200000xi32, #tpu.memory_space<hbm>> -> memref<2048xi32, #tpu.memory_space<hbm>>
          tpu.wait_dma2 semaphore(%arg11 : memref<!tpu.dma_semaphore, #tpu.memory_space<semaphore_mem>>) src(%dma_wait3A_261 : memref<2048xi32, #tpu.memory_space<hbm>>) dst(%arg7 : memref<2048xi32, #tpu.memory_space<vmem>>)
          %dma_start3A_262 = arith.constant 0 : i32
          %dma_start3A_263 = arith.constant 0 : i32
          %dma_start3A_264 = tpu.memref_slice %arg2[%dma_start3A_262, %dma_start3A_263] : memref<800000x8xf32, #tpu.memory_space<hbm>> -> memref<800000x8xf32, #tpu.memory_space<hbm>>
          tpu.enqueue_indirect_dma source(%dma_start3A_264 : memref<800000x8xf32, #tpu.memory_space<hbm>>) target(%arg8 : memref<2048x8xf32, #tpu.memory_space<vmem>>) offsets(%arg6 : memref<2048xi32, #tpu.memory_space<vmem>>) semaphore(%arg12 : memref<!tpu.dma_semaphore, #tpu.memory_space<semaphore_mem>>)
          %dma_start3A_265 = arith.constant 0 : i32
          %dma_start3A_266 = arith.constant 0 : i32
          %dma_start3A_267 = tpu.memref_slice %arg2[%dma_start3A_265, %dma_start3A_266] : memref<800000x8xf32, #tpu.memory_space<hbm>> -> memref<800000x8xf32, #tpu.memory_space<hbm>>
          tpu.enqueue_indirect_dma source(%dma_start3A_267 : memref<800000x8xf32, #tpu.memory_space<hbm>>) target(%arg9 : memref<2048x8xf32, #tpu.memory_space<vmem>>) offsets(%arg7 : memref<2048xi32, #tpu.memory_space<vmem>>) semaphore(%arg12 : memref<!tpu.dma_semaphore, #tpu.memory_space<semaphore_mem>>)
        } else {
        }
        %ge3A_237 = arith.constant 3 : i32
        %ge3A_238 = arith.cmpi sge, %add3A_201, %ge3A_237 : i32
        %convert_element_type3A_239 = arith.extui %ge3A_238 : i1 to i32
        %cond3A_240 = arith.constant 0 : i32
        %cond3A_241 = arith.cmpi ne, %convert_element_type3A_239, %cond3A_240 : i32
        scf.if %cond3A_241 {
          %dma_wait3A_254 = arith.constant 0 : i32
          %dma_wait3A_255 = tpu.memref_slice %arg5[%dma_wait3A_254] : memref<3200000xf32, #tpu.memory_space<hbm>> -> memref<2048xf32, #tpu.memory_space<hbm>>
          %dma_wait3A_256 = arith.constant 0 : i32
          %dma_wait3A_257 = tpu.memref_slice %arg5[%dma_wait3A_256] : memref<3200000xf32, #tpu.memory_space<hbm>> -> memref<2048xf32, #tpu.memory_space<hbm>>
          tpu.wait_dma2 semaphore(%arg21 : memref<!tpu.dma_semaphore, #tpu.memory_space<semaphore_mem>>) src(%arg18 : memref<2048xf32, #tpu.memory_space<vmem>>) dst(%dma_wait3A_257 : memref<2048xf32, #tpu.memory_space<hbm>>)
        } else {
        }
        %scan3A = arith.constant 0 : i32
        %scan3A_242 = arith.constant 128 : i32
        %scan3A_243 = arith.addi %scan3A, %scan3A_242 : i32
        %scan3A_244 = arith.constant 1 : i32
        %scan3A_245 = scf.for %scan3A_254 = %scan3A to %scan3A_243 step %scan3A_244 iter_args(%scan3A_255 = %iota3A) -> (vector<16xi32>)  : i32 {
          %gather3A = tpu.vector_load_idx %arg16[%scan3A_255, %broadcast_in_dim3A_21] : memref<2048x8xf32, #tpu.memory_space<vmem>>[vector<16xi32>, vector<16xi32>], vector<16xf32>,
          %gather3A_256 = tpu.vector_load_idx %arg16[%scan3A_255, %broadcast_in_dim3A_23] : memref<2048x8xf32, #tpu.memory_space<vmem>>[vector<16xi32>, vector<16xi32>], vector<16xf32>,
          %gather3A_257 = tpu.vector_load_idx %arg16[%scan3A_255, %broadcast_in_dim3A_25] : memref<2048x8xf32, #tpu.memory_space<vmem>>[vector<16xi32>, vector<16xi32>], vector<16xf32>,
          %gather3A_258 = tpu.vector_load_idx %arg17[%scan3A_255, %broadcast_in_dim3A_21] : memref<2048x8xf32, #tpu.memory_space<vmem>>[vector<16xi32>, vector<16xi32>], vector<16xf32>,
          %gather3A_259 = tpu.vector_load_idx %arg17[%scan3A_255, %broadcast_in_dim3A_23] : memref<2048x8xf32, #tpu.memory_space<vmem>>[vector<16xi32>, vector<16xi32>], vector<16xf32>,
          %gather3A_260 = tpu.vector_load_idx %arg17[%scan3A_255, %broadcast_in_dim3A_25] : memref<2048x8xf32, #tpu.memory_space<vmem>>[vector<16xi32>, vector<16xi32>], vector<16xf32>,
          %mul3A_261 = arith.mulf %gather3A, %gather3A_258 : vector<16xf32>
          %mul3A_262 = arith.mulf %gather3A_256, %gather3A_259 : vector<16xf32>
          %add3A_263 = arith.addf %mul3A_261, %mul3A_262 : vector<16xf32>
          %mul3A_264 = arith.mulf %gather3A_257, %gather3A_260 : vector<16xf32>
          %add3A_265 = arith.addf %add3A_263, %mul3A_264 : vector<16xf32>
          %mul3A_266 = arith.mulf %gather3A, %gather3A : vector<16xf32>
          %mul3A_267 = arith.mulf %gather3A_256, %gather3A_256 : vector<16xf32>
          %add3A_268 = arith.addf %mul3A_266, %mul3A_267 : vector<16xf32>
          %mul3A_269 = arith.mulf %gather3A_257, %gather3A_257 : vector<16xf32>
          %add3A_270 = arith.addf %add3A_268, %mul3A_269 : vector<16xf32>
          %mul3A_271 = arith.mulf %gather3A_258, %gather3A_258 : vector<16xf32>
          %mul3A_272 = arith.mulf %gather3A_259, %gather3A_259 : vector<16xf32>
          %add3A_273 = arith.addf %mul3A_271, %mul3A_272 : vector<16xf32>
          %mul3A_274 = arith.mulf %gather3A_260, %gather3A_260 : vector<16xf32>
          %add3A_275 = arith.addf %add3A_273, %mul3A_274 : vector<16xf32>
          %mul3A_276 = arith.mulf %add3A_270, %add3A_275 : vector<16xf32>
          %sub3A_277 = arith.constant 0.000000e+00 : f32
          %sub3A_278 = vector.broadcast %sub3A_277 : f32 to vector<16xf32>
          %sub3A_279 = arith.subf %sub3A_278, %add3A_265 : vector<16xf32>
          %bitcast3A = vector.bitcast %mul3A_276 : vector<16xf32> to vector<16xi32>
          %shift_right_logical3A = arith.constant 1 : i32
          %shift_right_logical3A_280 = vector.broadcast %shift_right_logical3A : i32 to vector<16xi32>
          %shift_right_logical3A_281 = arith.shrui %bitcast3A, %shift_right_logical3A_280 : vector<16xi32>
          %sub3A_282 = arith.constant 1597463007 : i32
          %sub3A_283 = vector.broadcast %sub3A_282 : i32 to vector<16xi32>
          %sub3A_284 = arith.subi %sub3A_283, %shift_right_logical3A_281 : vector<16xi32>
          %bitcast3A_285 = vector.bitcast %sub3A_284 : vector<16xi32> to vector<16xf32>
          %mul3A_286 = arith.constant 5.000000e-01 : f32
          %mul3A_287 = vector.broadcast %mul3A_286 : f32 to vector<16xf32>
          %mul3A_288 = arith.mulf %mul3A_287, %mul3A_276 : vector<16xf32>
          %mul3A_289 = arith.mulf %mul3A_288, %bitcast3A_285 : vector<16xf32>
          %mul3A_290 = arith.mulf %mul3A_289, %bitcast3A_285 : vector<16xf32>
          %sub3A_291 = arith.constant 1.500000e+00 : f32
          %sub3A_292 = vector.broadcast %sub3A_291 : f32 to vector<16xf32>
          %sub3A_293 = arith.subf %sub3A_292, %mul3A_290 : vector<16xf32>
          %mul3A_294 = arith.mulf %bitcast3A_285, %sub3A_293 : vector<16xf32>
          %mul3A_295 = arith.constant 5.000000e-01 : f32
          %mul3A_296 = vector.broadcast %mul3A_295 : f32 to vector<16xf32>
          %mul3A_297 = arith.mulf %mul3A_296, %mul3A_276 : vector<16xf32>
          %mul3A_298 = arith.mulf %mul3A_297, %mul3A_294 : vector<16xf32>
          %mul3A_299 = arith.mulf %mul3A_298, %mul3A_294 : vector<16xf32>
          %sub3A_300 = arith.constant 1.500000e+00 : f32
          %sub3A_301 = vector.broadcast %sub3A_300 : f32 to vector<16xf32>
          %sub3A_302 = arith.subf %sub3A_301, %mul3A_299 : vector<16xf32>
          %mul3A_303 = arith.mulf %mul3A_294, %sub3A_302 : vector<16xf32>
          %mul3A_304 = arith.mulf %sub3A_279, %mul3A_303 : vector<16xf32>
          %jit3A_305 = arith.constant -1.000000e+00 : f32
          %jit3A_306 = arith.constant 1.000000e+00 : f32
          %max3A = vector.broadcast %jit3A_305 : f32 to vector<16xf32>
          %max3A_307 = arith.maximumf %max3A, %mul3A_304 : vector<16xf32>
          %min3A_308 = vector.broadcast %jit3A_306 : f32 to vector<16xf32>
          %min3A_309 = arith.minimumf %min3A_308, %max3A_307 : vector<16xf32>
          %mul3A_310 = arith.constant 16 : i32
          %mul3A_311 = arith.muli %scan3A_254, %mul3A_310 : i32
          %swap3A = arith.index_cast %mul3A_311 : i32 to index
          %swap3A_312 = tpu.vector_load %arg18[%swap3A] {strides = array<i32>} : memref<2048xf32, #tpu.memory_space<vmem>>, vector<16xf32>,
          tpu.vector_store %arg18[%swap3A], %min3A_309 {strides = array<i32>} : memref<2048xf32, #tpu.memory_space<vmem>>, vector<16xf32>,
          %add3A_313 = arith.constant 16 : i32
          %add3A_314 = vector.broadcast %add3A_313 : i32 to vector<16xi32>
          %add3A_315 = arith.addi %scan3A_255, %add3A_314 : vector<16xi32>
          scf.yield %add3A_315 : vector<16xi32>
        }
        %scan3A_246 = arith.constant 128 : i32
        %mul3A_247 = arith.constant 32 : i32
        %mul3A_248 = arith.muli %add3A_201, %mul3A_247 : i32
        %add3A_249 = arith.addi %add3A, %mul3A_248 : i32
        %mul3A_250 = arith.constant 2048 : i32
        %mul3A_251 = arith.muli %add3A_249, %mul3A_250 : i32
        %min3A = arith.constant 3197952 : i32
        %min3A_252 = arith.minsi %mul3A_251, %min3A : i32
        %dma_start3A = tpu.memref_slice %arg5[%min3A_252] : memref<3200000xf32, #tpu.memory_space<hbm>> -> memref<2048xf32, #tpu.memory_space<hbm>>
        %dma_start3A_253 = tpu.memref_slice %arg5[%min3A_252] : memref<3200000xf32, #tpu.memory_space<hbm>> -> memref<2048xf32, #tpu.memory_space<hbm>>
        tpu.enqueue_dma source(%arg18 : memref<2048xf32, #tpu.memory_space<vmem>>) target(%dma_start3A_253 : memref<2048xf32, #tpu.memory_space<hbm>>) target_semaphore(%arg21 : memref<!tpu.dma_semaphore, #tpu.memory_space<semaphore_mem>>)
      } else {
      }
      %mul3A_206 = arith.constant 3 : i32
      %mul3A_207 = arith.muli %while3A_190, %mul3A_206 : i32
      %add3A_208 = arith.constant 2 : i32
      %add3A_209 = arith.addi %mul3A_207, %add3A_208 : i32
      %lt3A_210 = arith.cmpi slt, %add3A_209, %add3A_20 : i32
      %convert_element_type3A_211 = arith.extui %lt3A_210 : i1 to i32
      %cond3A_212 = arith.constant 0 : i32
      %cond3A_213 = arith.cmpi ne, %convert_element_type3A_211, %cond3A_212 : i32
      scf.if %cond3A_213 {
        %dma_wait3A = arith.constant 0 : i32
        %dma_wait3A_214 = arith.constant 0 : i32
        %dma_wait3A_215 = tpu.memref_slice %arg2[%dma_wait3A, %dma_wait3A_214] : memref<800000x8xf32, #tpu.memory_space<hbm>> -> memref<2048x8xf32, #tpu.memory_space<hbm>>
        %dma_wait3A_216 = arith.constant 0 : i32
        %dma_wait3A_217 = arith.constant 0 : i32
        %dma_wait3A_218 = tpu.memref_slice %arg2[%dma_wait3A_216, %dma_wait3A_217] : memref<800000x8xf32, #tpu.memory_space<hbm>> -> memref<2048x8xf32, #tpu.memory_space<hbm>>
        tpu.wait_dma2 semaphore(%arg28 : memref<!tpu.dma_semaphore, #tpu.memory_space<semaphore_mem>>) src(%dma_wait3A_218 : memref<2048x8xf32, #tpu.memory_space<hbm>>) dst(%arg24 : memref<2048x8xf32, #tpu.memory_space<vmem>>)
        %dma_wait3A_219 = arith.constant 0 : i32
        %dma_wait3A_220 = arith.constant 0 : i32
        %dma_wait3A_221 = tpu.memref_slice %arg2[%dma_wait3A_219, %dma_wait3A_220] : memref<800000x8xf32, #tpu.memory_space<hbm>> -> memref<2048x8xf32, #tpu.memory_space<hbm>>
        %dma_wait3A_222 = arith.constant 0 : i32
        %dma_wait3A_223 = arith.constant 0 : i32
        %dma_wait3A_224 = tpu.memref_slice %arg2[%dma_wait3A_222, %dma_wait3A_223] : memref<800000x8xf32, #tpu.memory_space<hbm>> -> memref<2048x8xf32, #tpu.memory_space<hbm>>
        tpu.wait_dma2 semaphore(%arg28 : memref<!tpu.dma_semaphore, #tpu.memory_space<semaphore_mem>>) src(%dma_wait3A_224 : memref<2048x8xf32, #tpu.memory_space<hbm>>) dst(%arg25 : memref<2048x8xf32, #tpu.memory_space<vmem>>)
        %add3A_225 = arith.constant 3 : i32
        %add3A_226 = arith.addi %add3A_209, %add3A_225 : i32
        %lt3A_227 = arith.cmpi slt, %add3A_226, %add3A_20 : i32
        %convert_element_type3A_228 = arith.extui %lt3A_227 : i1 to i32
        %cond3A_229 = arith.constant 0 : i32
        %cond3A_230 = arith.cmpi ne, %convert_element_type3A_228, %cond3A_229 : i32
        scf.if %cond3A_230 {
          %add3A_254 = arith.constant 3 : i32
          %add3A_255 = arith.addi %add3A_209, %add3A_254 : i32
          %mul3A_256 = arith.constant 32 : i32
          %mul3A_257 = arith.muli %add3A_255, %mul3A_256 : i32
          %add3A_258 = arith.addi %add3A, %mul3A_257 : i32
          %mul3A_259 = arith.constant 2048 : i32
          %mul3A_260 = arith.muli %add3A_258, %mul3A_259 : i32
          %min3A_261 = arith.constant 3197952 : i32
          %min3A_262 = arith.minsi %mul3A_260, %min3A_261 : i32
          %dma_start3A_263 = tpu.memref_slice %arg3[%min3A_262] : memref<3200000xi32, #tpu.memory_space<hbm>> -> memref<2048xi32, #tpu.memory_space<hbm>>
          %dma_start3A_264 = tpu.memref_slice %arg3[%min3A_262] : memref<3200000xi32, #tpu.memory_space<hbm>> -> memref<2048xi32, #tpu.memory_space<hbm>>
          tpu.enqueue_dma source(%dma_start3A_264 : memref<2048xi32, #tpu.memory_space<hbm>>) target(%arg22 : memref<2048xi32, #tpu.memory_space<vmem>>) target_semaphore(%arg27 : memref<!tpu.dma_semaphore, #tpu.memory_space<semaphore_mem>>)
          %dma_start3A_265 = tpu.memref_slice %arg4[%min3A_262] : memref<3200000xi32, #tpu.memory_space<hbm>> -> memref<2048xi32, #tpu.memory_space<hbm>>
          %dma_start3A_266 = tpu.memref_slice %arg4[%min3A_262] : memref<3200000xi32, #tpu.memory_space<hbm>> -> memref<2048xi32, #tpu.memory_space<hbm>>
          tpu.enqueue_dma source(%dma_start3A_266 : memref<2048xi32, #tpu.memory_space<hbm>>) target(%arg23 : memref<2048xi32, #tpu.memory_space<vmem>>) target_semaphore(%arg27 : memref<!tpu.dma_semaphore, #tpu.memory_space<semaphore_mem>>)
        } else {
        }
        %add3A_231 = arith.constant 2 : i32
        %add3A_232 = arith.addi %add3A_209, %add3A_231 : i32
        %lt3A_233 = arith.cmpi slt, %add3A_232, %add3A_20 : i32
        %convert_element_type3A_234 = arith.extui %lt3A_233 : i1 to i32
        %cond3A_235 = arith.constant 0 : i32
        %cond3A_236 = arith.cmpi ne, %convert_element_type3A_234, %cond3A_235 : i32
        scf.if %cond3A_236 {
          %dma_wait3A_254 = arith.constant 0 : i32
          %dma_wait3A_255 = tpu.memref_slice %arg3[%dma_wait3A_254] : memref<3200000xi32, #tpu.memory_space<hbm>> -> memref<2048xi32, #tpu.memory_space<hbm>>
          %dma_wait3A_256 = arith.constant 0 : i32
          %dma_wait3A_257 = tpu.memref_slice %arg3[%dma_wait3A_256] : memref<3200000xi32, #tpu.memory_space<hbm>> -> memref<2048xi32, #tpu.memory_space<hbm>>
          tpu.wait_dma2 semaphore(%arg19 : memref<!tpu.dma_semaphore, #tpu.memory_space<semaphore_mem>>) src(%dma_wait3A_257 : memref<2048xi32, #tpu.memory_space<hbm>>) dst(%arg14 : memref<2048xi32, #tpu.memory_space<vmem>>)
          %dma_wait3A_258 = arith.constant 0 : i32
          %dma_wait3A_259 = tpu.memref_slice %arg4[%dma_wait3A_258] : memref<3200000xi32, #tpu.memory_space<hbm>> -> memref<2048xi32, #tpu.memory_space<hbm>>
          %dma_wait3A_260 = arith.constant 0 : i32
          %dma_wait3A_261 = tpu.memref_slice %arg4[%dma_wait3A_260] : memref<3200000xi32, #tpu.memory_space<hbm>> -> memref<2048xi32, #tpu.memory_space<hbm>>
          tpu.wait_dma2 semaphore(%arg19 : memref<!tpu.dma_semaphore, #tpu.memory_space<semaphore_mem>>) src(%dma_wait3A_261 : memref<2048xi32, #tpu.memory_space<hbm>>) dst(%arg15 : memref<2048xi32, #tpu.memory_space<vmem>>)
          %dma_start3A_262 = arith.constant 0 : i32
          %dma_start3A_263 = arith.constant 0 : i32
          %dma_start3A_264 = tpu.memref_slice %arg2[%dma_start3A_262, %dma_start3A_263] : memref<800000x8xf32, #tpu.memory_space<hbm>> -> memref<800000x8xf32, #tpu.memory_space<hbm>>
          tpu.enqueue_indirect_dma source(%dma_start3A_264 : memref<800000x8xf32, #tpu.memory_space<hbm>>) target(%arg16 : memref<2048x8xf32, #tpu.memory_space<vmem>>) offsets(%arg14 : memref<2048xi32, #tpu.memory_space<vmem>>) semaphore(%arg20 : memref<!tpu.dma_semaphore, #tpu.memory_space<semaphore_mem>>)
          %dma_start3A_265 = arith.constant 0 : i32
          %dma_start3A_266 = arith.constant 0 : i32
          %dma_start3A_267 = tpu.memref_slice %arg2[%dma_start3A_265, %dma_start3A_266] : memref<800000x8xf32, #tpu.memory_space<hbm>> -> memref<800000x8xf32, #tpu.memory_space<hbm>>
          tpu.enqueue_indirect_dma source(%dma_start3A_267 : memref<800000x8xf32, #tpu.memory_space<hbm>>) target(%arg17 : memref<2048x8xf32, #tpu.memory_space<vmem>>) offsets(%arg15 : memref<2048xi32, #tpu.memory_space<vmem>>) semaphore(%arg20 : memref<!tpu.dma_semaphore, #tpu.memory_space<semaphore_mem>>)
        } else {
        }
        %ge3A_237 = arith.constant 3 : i32
        %ge3A_238 = arith.cmpi sge, %add3A_209, %ge3A_237 : i32
        %convert_element_type3A_239 = arith.extui %ge3A_238 : i1 to i32
        %cond3A_240 = arith.constant 0 : i32
        %cond3A_241 = arith.cmpi ne, %convert_element_type3A_239, %cond3A_240 : i32
        scf.if %cond3A_241 {
          %dma_wait3A_254 = arith.constant 0 : i32
          %dma_wait3A_255 = tpu.memref_slice %arg5[%dma_wait3A_254] : memref<3200000xf32, #tpu.memory_space<hbm>> -> memref<2048xf32, #tpu.memory_space<hbm>>
          %dma_wait3A_256 = arith.constant 0 : i32
          %dma_wait3A_257 = tpu.memref_slice %arg5[%dma_wait3A_256] : memref<3200000xf32, #tpu.memory_space<hbm>> -> memref<2048xf32, #tpu.memory_space<hbm>>
          tpu.wait_dma2 semaphore(%arg29 : memref<!tpu.dma_semaphore, #tpu.memory_space<semaphore_mem>>) src(%arg26 : memref<2048xf32, #tpu.memory_space<vmem>>) dst(%dma_wait3A_257 : memref<2048xf32, #tpu.memory_space<hbm>>)
        } else {
        }
        %scan3A = arith.constant 0 : i32
        %scan3A_242 = arith.constant 128 : i32
        %scan3A_243 = arith.addi %scan3A, %scan3A_242 : i32
        %scan3A_244 = arith.constant 1 : i32
        %scan3A_245 = scf.for %scan3A_254 = %scan3A to %scan3A_243 step %scan3A_244 iter_args(%scan3A_255 = %iota3A) -> (vector<16xi32>)  : i32 {
          %gather3A = tpu.vector_load_idx %arg24[%scan3A_255, %broadcast_in_dim3A_21] : memref<2048x8xf32, #tpu.memory_space<vmem>>[vector<16xi32>, vector<16xi32>], vector<16xf32>,
          %gather3A_256 = tpu.vector_load_idx %arg24[%scan3A_255, %broadcast_in_dim3A_23] : memref<2048x8xf32, #tpu.memory_space<vmem>>[vector<16xi32>, vector<16xi32>], vector<16xf32>,
          %gather3A_257 = tpu.vector_load_idx %arg24[%scan3A_255, %broadcast_in_dim3A_25] : memref<2048x8xf32, #tpu.memory_space<vmem>>[vector<16xi32>, vector<16xi32>], vector<16xf32>,
          %gather3A_258 = tpu.vector_load_idx %arg25[%scan3A_255, %broadcast_in_dim3A_21] : memref<2048x8xf32, #tpu.memory_space<vmem>>[vector<16xi32>, vector<16xi32>], vector<16xf32>,
          %gather3A_259 = tpu.vector_load_idx %arg25[%scan3A_255, %broadcast_in_dim3A_23] : memref<2048x8xf32, #tpu.memory_space<vmem>>[vector<16xi32>, vector<16xi32>], vector<16xf32>,
          %gather3A_260 = tpu.vector_load_idx %arg25[%scan3A_255, %broadcast_in_dim3A_25] : memref<2048x8xf32, #tpu.memory_space<vmem>>[vector<16xi32>, vector<16xi32>], vector<16xf32>,
          %mul3A_261 = arith.mulf %gather3A, %gather3A_258 : vector<16xf32>
          %mul3A_262 = arith.mulf %gather3A_256, %gather3A_259 : vector<16xf32>
          %add3A_263 = arith.addf %mul3A_261, %mul3A_262 : vector<16xf32>
          %mul3A_264 = arith.mulf %gather3A_257, %gather3A_260 : vector<16xf32>
          %add3A_265 = arith.addf %add3A_263, %mul3A_264 : vector<16xf32>
          %mul3A_266 = arith.mulf %gather3A, %gather3A : vector<16xf32>
          %mul3A_267 = arith.mulf %gather3A_256, %gather3A_256 : vector<16xf32>
          %add3A_268 = arith.addf %mul3A_266, %mul3A_267 : vector<16xf32>
          %mul3A_269 = arith.mulf %gather3A_257, %gather3A_257 : vector<16xf32>
          %add3A_270 = arith.addf %add3A_268, %mul3A_269 : vector<16xf32>
          %mul3A_271 = arith.mulf %gather3A_258, %gather3A_258 : vector<16xf32>
          %mul3A_272 = arith.mulf %gather3A_259, %gather3A_259 : vector<16xf32>
          %add3A_273 = arith.addf %mul3A_271, %mul3A_272 : vector<16xf32>
          %mul3A_274 = arith.mulf %gather3A_260, %gather3A_260 : vector<16xf32>
          %add3A_275 = arith.addf %add3A_273, %mul3A_274 : vector<16xf32>
          %mul3A_276 = arith.mulf %add3A_270, %add3A_275 : vector<16xf32>
          %sub3A_277 = arith.constant 0.000000e+00 : f32
          %sub3A_278 = vector.broadcast %sub3A_277 : f32 to vector<16xf32>
          %sub3A_279 = arith.subf %sub3A_278, %add3A_265 : vector<16xf32>
          %bitcast3A = vector.bitcast %mul3A_276 : vector<16xf32> to vector<16xi32>
          %shift_right_logical3A = arith.constant 1 : i32
          %shift_right_logical3A_280 = vector.broadcast %shift_right_logical3A : i32 to vector<16xi32>
          %shift_right_logical3A_281 = arith.shrui %bitcast3A, %shift_right_logical3A_280 : vector<16xi32>
          %sub3A_282 = arith.constant 1597463007 : i32
          %sub3A_283 = vector.broadcast %sub3A_282 : i32 to vector<16xi32>
          %sub3A_284 = arith.subi %sub3A_283, %shift_right_logical3A_281 : vector<16xi32>
          %bitcast3A_285 = vector.bitcast %sub3A_284 : vector<16xi32> to vector<16xf32>
          %mul3A_286 = arith.constant 5.000000e-01 : f32
          %mul3A_287 = vector.broadcast %mul3A_286 : f32 to vector<16xf32>
          %mul3A_288 = arith.mulf %mul3A_287, %mul3A_276 : vector<16xf32>
          %mul3A_289 = arith.mulf %mul3A_288, %bitcast3A_285 : vector<16xf32>
          %mul3A_290 = arith.mulf %mul3A_289, %bitcast3A_285 : vector<16xf32>
          %sub3A_291 = arith.constant 1.500000e+00 : f32
          %sub3A_292 = vector.broadcast %sub3A_291 : f32 to vector<16xf32>
          %sub3A_293 = arith.subf %sub3A_292, %mul3A_290 : vector<16xf32>
          %mul3A_294 = arith.mulf %bitcast3A_285, %sub3A_293 : vector<16xf32>
          %mul3A_295 = arith.constant 5.000000e-01 : f32
          %mul3A_296 = vector.broadcast %mul3A_295 : f32 to vector<16xf32>
          %mul3A_297 = arith.mulf %mul3A_296, %mul3A_276 : vector<16xf32>
          %mul3A_298 = arith.mulf %mul3A_297, %mul3A_294 : vector<16xf32>
          %mul3A_299 = arith.mulf %mul3A_298, %mul3A_294 : vector<16xf32>
          %sub3A_300 = arith.constant 1.500000e+00 : f32
          %sub3A_301 = vector.broadcast %sub3A_300 : f32 to vector<16xf32>
          %sub3A_302 = arith.subf %sub3A_301, %mul3A_299 : vector<16xf32>
          %mul3A_303 = arith.mulf %mul3A_294, %sub3A_302 : vector<16xf32>
          %mul3A_304 = arith.mulf %sub3A_279, %mul3A_303 : vector<16xf32>
          %jit3A_305 = arith.constant -1.000000e+00 : f32
          %jit3A_306 = arith.constant 1.000000e+00 : f32
          %max3A = vector.broadcast %jit3A_305 : f32 to vector<16xf32>
          %max3A_307 = arith.maximumf %max3A, %mul3A_304 : vector<16xf32>
          %min3A_308 = vector.broadcast %jit3A_306 : f32 to vector<16xf32>
          %min3A_309 = arith.minimumf %min3A_308, %max3A_307 : vector<16xf32>
          %mul3A_310 = arith.constant 16 : i32
          %mul3A_311 = arith.muli %scan3A_254, %mul3A_310 : i32
          %swap3A = arith.index_cast %mul3A_311 : i32 to index
          %swap3A_312 = tpu.vector_load %arg26[%swap3A] {strides = array<i32>} : memref<2048xf32, #tpu.memory_space<vmem>>, vector<16xf32>,
          tpu.vector_store %arg26[%swap3A], %min3A_309 {strides = array<i32>} : memref<2048xf32, #tpu.memory_space<vmem>>, vector<16xf32>,
          %add3A_313 = arith.constant 16 : i32
          %add3A_314 = vector.broadcast %add3A_313 : i32 to vector<16xi32>
          %add3A_315 = arith.addi %scan3A_255, %add3A_314 : vector<16xi32>
          scf.yield %add3A_315 : vector<16xi32>
        }
        %scan3A_246 = arith.constant 128 : i32
        %mul3A_247 = arith.constant 32 : i32
        %mul3A_248 = arith.muli %add3A_209, %mul3A_247 : i32
        %add3A_249 = arith.addi %add3A, %mul3A_248 : i32
        %mul3A_250 = arith.constant 2048 : i32
        %mul3A_251 = arith.muli %add3A_249, %mul3A_250 : i32
        %min3A = arith.constant 3197952 : i32
        %min3A_252 = arith.minsi %mul3A_251, %min3A : i32
        %dma_start3A = tpu.memref_slice %arg5[%min3A_252] : memref<3200000xf32, #tpu.memory_space<hbm>> -> memref<2048xf32, #tpu.memory_space<hbm>>
        %dma_start3A_253 = tpu.memref_slice %arg5[%min3A_252] : memref<3200000xf32, #tpu.memory_space<hbm>> -> memref<2048xf32, #tpu.memory_space<hbm>>
        tpu.enqueue_dma source(%arg26 : memref<2048xf32, #tpu.memory_space<vmem>>) target(%dma_start3A_253 : memref<2048xf32, #tpu.memory_space<hbm>>) target_semaphore(%arg29 : memref<!tpu.dma_semaphore, #tpu.memory_space<semaphore_mem>>)
      } else {
      }
    }
    %ge3A_83 = arith.constant 1 : i32
    %ge3A_84 = arith.cmpi sge, %add3A_20, %ge3A_83 : i32
    %sub3A_85 = arith.constant 1 : i32
    %sub3A_86 = arith.subi %add3A_20, %sub3A_85 : i32
    %rem3A_87 = arith.constant 3 : i32
    %rem3A_88 = arith.remsi %sub3A_86, %rem3A_87 : i32
    %eq3A = arith.constant 0 : i32
    %eq3A_89 = arith.cmpi eq, %rem3A_88, %eq3A : i32
    %and3A_90 = arith.andi %ge3A_84, %eq3A_89 : i1
    %convert_element_type3A_91 = arith.extui %and3A_90 : i1 to i32
    %cond3A_92 = arith.constant 0 : i32
    %cond3A_93 = arith.cmpi ne, %convert_element_type3A_91, %cond3A_92 : i32
    scf.if %cond3A_93 {
      %dma_wait3A = arith.constant 0 : i32
      %dma_wait3A_190 = tpu.memref_slice %arg5[%dma_wait3A] : memref<3200000xf32, #tpu.memory_space<hbm>> -> memref<2048xf32, #tpu.memory_space<hbm>>
      %dma_wait3A_191 = arith.constant 0 : i32
      %dma_wait3A_192 = tpu.memref_slice %arg5[%dma_wait3A_191] : memref<3200000xf32, #tpu.memory_space<hbm>> -> memref<2048xf32, #tpu.memory_space<hbm>>
      tpu.wait_dma2 semaphore(%arg13 : memref<!tpu.dma_semaphore, #tpu.memory_space<semaphore_mem>>) src(%arg10 : memref<2048xf32, #tpu.memory_space<vmem>>) dst(%dma_wait3A_192 : memref<2048xf32, #tpu.memory_space<hbm>>)
    } else {
    }
    %ge3A_94 = arith.constant 1 : i32
    %ge3A_95 = arith.cmpi sge, %add3A_20, %ge3A_94 : i32
    %sub3A_96 = arith.constant 1 : i32
    %sub3A_97 = arith.subi %add3A_20, %sub3A_96 : i32
    %rem3A_98 = arith.constant 3 : i32
    %rem3A_99 = arith.remsi %sub3A_97, %rem3A_98 : i32
    %eq3A_100 = arith.constant 1 : i32
    %eq3A_101 = arith.cmpi eq, %rem3A_99, %eq3A_100 : i32
    %and3A_102 = arith.andi %ge3A_95, %eq3A_101 : i1
    %convert_element_type3A_103 = arith.extui %and3A_102 : i1 to i32
    %cond3A_104 = arith.constant 0 : i32
    %cond3A_105 = arith.cmpi ne, %convert_element_type3A_103, %cond3A_104 : i32
    scf.if %cond3A_105 {
      %dma_wait3A = arith.constant 0 : i32
      %dma_wait3A_190 = tpu.memref_slice %arg5[%dma_wait3A] : memref<3200000xf32, #tpu.memory_space<hbm>> -> memref<2048xf32, #tpu.memory_space<hbm>>
      %dma_wait3A_191 = arith.constant 0 : i32
      %dma_wait3A_192 = tpu.memref_slice %arg5[%dma_wait3A_191] : memref<3200000xf32, #tpu.memory_space<hbm>> -> memref<2048xf32, #tpu.memory_space<hbm>>
      tpu.wait_dma2 semaphore(%arg21 : memref<!tpu.dma_semaphore, #tpu.memory_space<semaphore_mem>>) src(%arg18 : memref<2048xf32, #tpu.memory_space<vmem>>) dst(%dma_wait3A_192 : memref<2048xf32, #tpu.memory_space<hbm>>)
    } else {
    }
    %ge3A_106 = arith.constant 1 : i32
    %ge3A_107 = arith.cmpi sge, %add3A_20, %ge3A_106 : i32
    %sub3A_108 = arith.constant 1 : i32
    %sub3A_109 = arith.subi %add3A_20, %sub3A_108 : i32
    %rem3A_110 = arith.constant 3 : i32
    %rem3A_111 = arith.remsi %sub3A_109, %rem3A_110 : i32
    %eq3A_112 = arith.constant 2 : i32
    %eq3A_113 = arith.cmpi eq, %rem3A_111, %eq3A_112 : i32
    %and3A_114 = arith.andi %ge3A_107, %eq3A_113 : i1
    %convert_element_type3A_115 = arith.extui %and3A_114 : i1 to i32
    %cond3A_116 = arith.constant 0 : i32
    %cond3A_117 = arith.cmpi ne, %convert_element_type3A_115, %cond3A_116 : i32
    scf.if %cond3A_117 {
      %dma_wait3A = arith.constant 0 : i32
      %dma_wait3A_190 = tpu.memref_slice %arg5[%dma_wait3A] : memref<3200000xf32, #tpu.memory_space<hbm>> -> memref<2048xf32, #tpu.memory_space<hbm>>
      %dma_wait3A_191 = arith.constant 0 : i32
      %dma_wait3A_192 = tpu.memref_slice %arg5[%dma_wait3A_191] : memref<3200000xf32, #tpu.memory_space<hbm>> -> memref<2048xf32, #tpu.memory_space<hbm>>
      tpu.wait_dma2 semaphore(%arg29 : memref<!tpu.dma_semaphore, #tpu.memory_space<semaphore_mem>>) src(%arg26 : memref<2048xf32, #tpu.memory_space<vmem>>) dst(%dma_wait3A_192 : memref<2048xf32, #tpu.memory_space<hbm>>)
    } else {
    }
    %ge3A_118 = arith.constant 2 : i32
    %ge3A_119 = arith.cmpi sge, %add3A_20, %ge3A_118 : i32
    %sub3A_120 = arith.constant 2 : i32
    %sub3A_121 = arith.subi %add3A_20, %sub3A_120 : i32
    %rem3A_122 = arith.constant 3 : i32
    %rem3A_123 = arith.remsi %sub3A_121, %rem3A_122 : i32
    %eq3A_124 = arith.constant 0 : i32
    %eq3A_125 = arith.cmpi eq, %rem3A_123, %eq3A_124 : i32
    %and3A_126 = arith.andi %ge3A_119, %eq3A_125 : i1
    %convert_element_type3A_127 = arith.extui %and3A_126 : i1 to i32
    %cond3A_128 = arith.constant 0 : i32
    %cond3A_129 = arith.cmpi ne, %convert_element_type3A_127, %cond3A_128 : i32
    scf.if %cond3A_129 {
      %dma_wait3A = arith.constant 0 : i32
      %dma_wait3A_190 = tpu.memref_slice %arg5[%dma_wait3A] : memref<3200000xf32, #tpu.memory_space<hbm>> -> memref<2048xf32, #tpu.memory_space<hbm>>
      %dma_wait3A_191 = arith.constant 0 : i32
      %dma_wait3A_192 = tpu.memref_slice %arg5[%dma_wait3A_191] : memref<3200000xf32, #tpu.memory_space<hbm>> -> memref<2048xf32, #tpu.memory_space<hbm>>
      tpu.wait_dma2 semaphore(%arg13 : memref<!tpu.dma_semaphore, #tpu.memory_space<semaphore_mem>>) src(%arg10 : memref<2048xf32, #tpu.memory_space<vmem>>) dst(%dma_wait3A_192 : memref<2048xf32, #tpu.memory_space<hbm>>)
    } else {
    }
    %ge3A_130 = arith.constant 2 : i32
    %ge3A_131 = arith.cmpi sge, %add3A_20, %ge3A_130 : i32
    %sub3A_132 = arith.constant 2 : i32
    %sub3A_133 = arith.subi %add3A_20, %sub3A_132 : i32
    %rem3A_134 = arith.constant 3 : i32
    %rem3A_135 = arith.remsi %sub3A_133, %rem3A_134 : i32
    %eq3A_136 = arith.constant 1 : i32
    %eq3A_137 = arith.cmpi eq, %rem3A_135, %eq3A_136 : i32
    %and3A_138 = arith.andi %ge3A_131, %eq3A_137 : i1
    %convert_element_type3A_139 = arith.extui %and3A_138 : i1 to i32
    %cond3A_140 = arith.constant 0 : i32
    %cond3A_141 = arith.cmpi ne, %convert_element_type3A_139, %cond3A_140 : i32
    scf.if %cond3A_141 {
      %dma_wait3A = arith.constant 0 : i32
      %dma_wait3A_190 = tpu.memref_slice %arg5[%dma_wait3A] : memref<3200000xf32, #tpu.memory_space<hbm>> -> memref<2048xf32, #tpu.memory_space<hbm>>
      %dma_wait3A_191 = arith.constant 0 : i32
      %dma_wait3A_192 = tpu.memref_slice %arg5[%dma_wait3A_191] : memref<3200000xf32, #tpu.memory_space<hbm>> -> memref<2048xf32, #tpu.memory_space<hbm>>
      tpu.wait_dma2 semaphore(%arg21 : memref<!tpu.dma_semaphore, #tpu.memory_space<semaphore_mem>>) src(%arg18 : memref<2048xf32, #tpu.memory_space<vmem>>) dst(%dma_wait3A_192 : memref<2048xf32, #tpu.memory_space<hbm>>)
    } else {
    }
    %ge3A_142 = arith.constant 2 : i32
    %ge3A_143 = arith.cmpi sge, %add3A_20, %ge3A_142 : i32
    %sub3A_144 = arith.constant 2 : i32
    %sub3A_145 = arith.subi %add3A_20, %sub3A_144 : i32
    %rem3A_146 = arith.constant 3 : i32
    %rem3A_147 = arith.remsi %sub3A_145, %rem3A_146 : i32
    %eq3A_148 = arith.constant 2 : i32
    %eq3A_149 = arith.cmpi eq, %rem3A_147, %eq3A_148 : i32
    %and3A_150 = arith.andi %ge3A_143, %eq3A_149 : i1
    %convert_element_type3A_151 = arith.extui %and3A_150 : i1 to i32
    %cond3A_152 = arith.constant 0 : i32
    %cond3A_153 = arith.cmpi ne, %convert_element_type3A_151, %cond3A_152 : i32
    scf.if %cond3A_153 {
      %dma_wait3A = arith.constant 0 : i32
      %dma_wait3A_190 = tpu.memref_slice %arg5[%dma_wait3A] : memref<3200000xf32, #tpu.memory_space<hbm>> -> memref<2048xf32, #tpu.memory_space<hbm>>
      %dma_wait3A_191 = arith.constant 0 : i32
      %dma_wait3A_192 = tpu.memref_slice %arg5[%dma_wait3A_191] : memref<3200000xf32, #tpu.memory_space<hbm>> -> memref<2048xf32, #tpu.memory_space<hbm>>
      tpu.wait_dma2 semaphore(%arg29 : memref<!tpu.dma_semaphore, #tpu.memory_space<semaphore_mem>>) src(%arg26 : memref<2048xf32, #tpu.memory_space<vmem>>) dst(%dma_wait3A_192 : memref<2048xf32, #tpu.memory_space<hbm>>)
    } else {
    }
    %ge3A_154 = arith.constant 3 : i32
    %ge3A_155 = arith.cmpi sge, %add3A_20, %ge3A_154 : i32
    %sub3A_156 = arith.constant 3 : i32
    %sub3A_157 = arith.subi %add3A_20, %sub3A_156 : i32
    %rem3A_158 = arith.constant 3 : i32
    %rem3A_159 = arith.remsi %sub3A_157, %rem3A_158 : i32
    %eq3A_160 = arith.constant 0 : i32
    %eq3A_161 = arith.cmpi eq, %rem3A_159, %eq3A_160 : i32
    %and3A_162 = arith.andi %ge3A_155, %eq3A_161 : i1
    %convert_element_type3A_163 = arith.extui %and3A_162 : i1 to i32
    %cond3A_164 = arith.constant 0 : i32
    %cond3A_165 = arith.cmpi ne, %convert_element_type3A_163, %cond3A_164 : i32
    scf.if %cond3A_165 {
      %dma_wait3A = arith.constant 0 : i32
      %dma_wait3A_190 = tpu.memref_slice %arg5[%dma_wait3A] : memref<3200000xf32, #tpu.memory_space<hbm>> -> memref<2048xf32, #tpu.memory_space<hbm>>
      %dma_wait3A_191 = arith.constant 0 : i32
      %dma_wait3A_192 = tpu.memref_slice %arg5[%dma_wait3A_191] : memref<3200000xf32, #tpu.memory_space<hbm>> -> memref<2048xf32, #tpu.memory_space<hbm>>
      tpu.wait_dma2 semaphore(%arg13 : memref<!tpu.dma_semaphore, #tpu.memory_space<semaphore_mem>>) src(%arg10 : memref<2048xf32, #tpu.memory_space<vmem>>) dst(%dma_wait3A_192 : memref<2048xf32, #tpu.memory_space<hbm>>)
    } else {
    }
    %ge3A_166 = arith.constant 3 : i32
    %ge3A_167 = arith.cmpi sge, %add3A_20, %ge3A_166 : i32
    %sub3A_168 = arith.constant 3 : i32
    %sub3A_169 = arith.subi %add3A_20, %sub3A_168 : i32
    %rem3A_170 = arith.constant 3 : i32
    %rem3A_171 = arith.remsi %sub3A_169, %rem3A_170 : i32
    %eq3A_172 = arith.constant 1 : i32
    %eq3A_173 = arith.cmpi eq, %rem3A_171, %eq3A_172 : i32
    %and3A_174 = arith.andi %ge3A_167, %eq3A_173 : i1
    %convert_element_type3A_175 = arith.extui %and3A_174 : i1 to i32
    %cond3A_176 = arith.constant 0 : i32
    %cond3A_177 = arith.cmpi ne, %convert_element_type3A_175, %cond3A_176 : i32
    scf.if %cond3A_177 {
      %dma_wait3A = arith.constant 0 : i32
      %dma_wait3A_190 = tpu.memref_slice %arg5[%dma_wait3A] : memref<3200000xf32, #tpu.memory_space<hbm>> -> memref<2048xf32, #tpu.memory_space<hbm>>
      %dma_wait3A_191 = arith.constant 0 : i32
      %dma_wait3A_192 = tpu.memref_slice %arg5[%dma_wait3A_191] : memref<3200000xf32, #tpu.memory_space<hbm>> -> memref<2048xf32, #tpu.memory_space<hbm>>
      tpu.wait_dma2 semaphore(%arg21 : memref<!tpu.dma_semaphore, #tpu.memory_space<semaphore_mem>>) src(%arg18 : memref<2048xf32, #tpu.memory_space<vmem>>) dst(%dma_wait3A_192 : memref<2048xf32, #tpu.memory_space<hbm>>)
    } else {
    }
    %ge3A_178 = arith.constant 3 : i32
    %ge3A_179 = arith.cmpi sge, %add3A_20, %ge3A_178 : i32
    %sub3A_180 = arith.constant 3 : i32
    %sub3A_181 = arith.subi %add3A_20, %sub3A_180 : i32
    %rem3A_182 = arith.constant 3 : i32
    %rem3A_183 = arith.remsi %sub3A_181, %rem3A_182 : i32
    %eq3A_184 = arith.constant 2 : i32
    %eq3A_185 = arith.cmpi eq, %rem3A_183, %eq3A_184 : i32
    %and3A_186 = arith.andi %ge3A_179, %eq3A_185 : i1
    %convert_element_type3A_187 = arith.extui %and3A_186 : i1 to i32
    %cond3A_188 = arith.constant 0 : i32
    %cond3A_189 = arith.cmpi ne, %convert_element_type3A_187, %cond3A_188 : i32
    scf.if %cond3A_189 {
      %dma_wait3A = arith.constant 0 : i32
      %dma_wait3A_190 = tpu.memref_slice %arg5[%dma_wait3A] : memref<3200000xf32, #tpu.memory_space<hbm>> -> memref<2048xf32, #tpu.memory_space<hbm>>
      %dma_wait3A_191 = arith.constant 0 : i32
      %dma_wait3A_192 = tpu.memref_slice %arg5[%dma_wait3A_191] : memref<3200000xf32, #tpu.memory_space<hbm>> -> memref<2048xf32, #tpu.memory_space<hbm>>
      tpu.wait_dma2 semaphore(%arg29 : memref<!tpu.dma_semaphore, #tpu.memory_space<semaphore_mem>>) src(%arg26 : memref<2048xf32, #tpu.memory_space<vmem>>) dst(%dma_wait3A_192 : memref<2048xf32, #tpu.memory_space<hbm>>)
    } else {
    }
    return
  }
}

module attributes {stable_mosaic.version = 14 : i64} {
  func.func @_prep_tc(%arg0: i32, %arg1: memref<2x32768xi32, #tpu.memory_space<vmem>>, %arg2: memref<2x131072xi32, #tpu.memory_space<vmem>>, %arg3: memref<32768xi32, #tpu.memory_space<vmem>>, %arg4: memref<32768xi32, #tpu.memory_space<vmem>>, %arg5: memref<131072xi32, #tpu.memory_space<vmem>>, %arg6: memref<131072xi32, #tpu.memory_space<vmem>>) attributes {dimension_semantics = [#tpu.dimension_semantics<arbitrary>], iteration_bounds = array<i64: 25>, scalar_prefetch = 0 : i64, scratch_operands = 0 : i64, tpu.core_type = #tpu.core_type<tc>, window_params = [{transform_indices = @transform_0, window_bounds = array<i64: 2, 32768>}, {transform_indices = @transform_1, window_bounds = array<i64: 2, 131072>}, {transform_indices = @transform_2, window_bounds = array<i64: 32768>}, {transform_indices = @transform_3, window_bounds = array<i64: 32768>}, {transform_indices = @transform_4, window_bounds = array<i64: 131072>}, {transform_indices = @transform_5, window_bounds = array<i64: 131072>}]} {
    %get3A = arith.constant 0 : index
    %get3A_0 = arith.constant 0 : index
    %get3A_1 = vector.load %arg1[%get3A, %get3A_0] : memref<2x32768xi32, #tpu.memory_space<vmem>>, vector<1x32768xi32>
    %get3A_2 = vector.shape_cast %get3A_1 : vector<1x32768xi32> to vector<32768xi32>
    %swap3A = arith.constant 0 : index
    %swap3A_3 = vector.load %arg3[%swap3A] : memref<32768xi32, #tpu.memory_space<vmem>>, vector<32768xi32>
    tpu.vector_store %arg3[%swap3A], %get3A_2 {strides = array<i32>} : memref<32768xi32, #tpu.memory_space<vmem>>, vector<32768xi32>,
    %get3A_4 = arith.constant 1 : index
    %get3A_5 = arith.constant 0 : index
    %get3A_6 = vector.load %arg1[%get3A_4, %get3A_5] : memref<2x32768xi32, #tpu.memory_space<vmem>>, vector<1x32768xi32>
    %get3A_7 = vector.shape_cast %get3A_6 : vector<1x32768xi32> to vector<32768xi32>
    %swap3A_8 = arith.constant 0 : index
    %swap3A_9 = vector.load %arg4[%swap3A_8] : memref<32768xi32, #tpu.memory_space<vmem>>, vector<32768xi32>
    tpu.vector_store %arg4[%swap3A_8], %get3A_7 {strides = array<i32>} : memref<32768xi32, #tpu.memory_space<vmem>>, vector<32768xi32>,
    %get3A_10 = arith.constant 0 : index
    %get3A_11 = arith.constant 0 : index
    %get3A_12 = vector.load %arg2[%get3A_10, %get3A_11] : memref<2x131072xi32, #tpu.memory_space<vmem>>, vector<1x131072xi32>
    %get3A_13 = vector.shape_cast %get3A_12 : vector<1x131072xi32> to vector<131072xi32>
    %swap3A_14 = arith.constant 0 : index
    %swap3A_15 = vector.load %arg5[%swap3A_14] : memref<131072xi32, #tpu.memory_space<vmem>>, vector<131072xi32>
    tpu.vector_store %arg5[%swap3A_14], %get3A_13 {strides = array<i32>} : memref<131072xi32, #tpu.memory_space<vmem>>, vector<131072xi32>,
    %get3A_16 = arith.constant 1 : index
    %get3A_17 = arith.constant 0 : index
    %get3A_18 = vector.load %arg2[%get3A_16, %get3A_17] : memref<2x131072xi32, #tpu.memory_space<vmem>>, vector<1x131072xi32>
    %get3A_19 = vector.shape_cast %get3A_18 : vector<1x131072xi32> to vector<131072xi32>
    %swap3A_20 = arith.constant 0 : index
    %swap3A_21 = vector.load %arg6[%swap3A_20] : memref<131072xi32, #tpu.memory_space<vmem>>, vector<131072xi32>
    tpu.vector_store %arg6[%swap3A_20], %get3A_19 {strides = array<i32>} : memref<131072xi32, #tpu.memory_space<vmem>>, vector<131072xi32>,
    return
  }
  func.func @transform_0(%arg0: i32) -> (i32, i32) {
    %c0_i32 = arith.constant 0 : i32
    %c0_i32_0 = arith.constant 0 : i32
    return %c0_i32, %arg0 : i32, i32
  }
  func.func @transform_1(%arg0: i32) -> (i32, i32) {
    %c0_i32 = arith.constant 0 : i32
    %c0_i32_0 = arith.constant 0 : i32
    return %c0_i32, %arg0 : i32, i32
  }
  func.func @transform_2(%arg0: i32) -> i32 {
    %c0_i32 = arith.constant 0 : i32
    return %arg0 : i32
  }
  func.func @transform_3(%arg0: i32) -> i32 {
    %c0_i32 = arith.constant 0 : i32
    return %arg0 : i32
  }
  func.func @transform_4(%arg0: i32) -> i32 {
    %c0_i32 = arith.constant 0 : i32
    return %arg0 : i32
  }
  func.func @transform_5(%arg0: i32) -> i32 {
    %c0_i32 = arith.constant 0 : i32
    return %arg0 : i32
  }
}

module attributes {stable_mosaic.version = 14 : i64} {
  func.func @_depad_feat_tc(%arg0: i32, %arg1: memref<2000x96xf32, #tpu.memory_space<vmem>>, %arg2: memref<2000x92xf32, #tpu.memory_space<vmem>>) attributes {dimension_semantics = [#tpu.dimension_semantics<arbitrary>], iteration_bounds = array<i64: 25>, scalar_prefetch = 0 : i64, scratch_operands = 0 : i64, tpu.core_type = #tpu.core_type<tc>, window_params = [{transform_indices = @transform_0, window_bounds = array<i64: 2000, 96>}, {transform_indices = @transform_1, window_bounds = array<i64: 2000, 92>}]} {
    %get3A = arith.constant 0 : index
    %get3A_0 = arith.constant 0 : index
    %get3A_1 = vector.load %arg1[%get3A, %get3A_0] : memref<2000x96xf32, #tpu.memory_space<vmem>>, vector<2000x92xf32>
    %swap3A = arith.constant 0 : index
    %swap3A_2 = arith.constant 0 : index
    %swap3A_3 = vector.load %arg2[%swap3A, %swap3A_2] : memref<2000x92xf32, #tpu.memory_space<vmem>>, vector<2000x92xf32>
    tpu.vector_store %arg2[%swap3A, %swap3A_2], %get3A_1 {strides = array<i32>} : memref<2000x92xf32, #tpu.memory_space<vmem>>, vector<2000x92xf32>,
    return
  }
  func.func @transform_0(%arg0: i32) -> (i32, i32) {
    %c0_i32 = arith.constant 0 : i32
    %c0_i32_0 = arith.constant 0 : i32
    return %arg0, %c0_i32 : i32, i32
  }
  func.func @transform_1(%arg0: i32) -> (i32, i32) {
    %c0_i32 = arith.constant 0 : i32
    %c0_i32_0 = arith.constant 0 : i32
    return %arg0, %c0_i32 : i32, i32
  }
}

</mosaic_0001>

<sc_bundles>
// kernel: kernel.6.cloned.1.call-start
scs
__scs_entry_jumppad:
0x0: {  	(pc) =	sbr.rel $0x88, $3  }
0x1: {  	(tag) =	ssettag $0x0;
	lr =	simm.s32 $0x1  }
0x2: {  	[smem:$0x3F9C] =	sst lr;
	_ =	strace $0xD0000000  }
0x3: {  	_ = 	snop  }
0x4: {  	_ = 	snop  }
0x5: {  	_ = 	snop  }
0x6: {  	_ = 	snop  }
0x7: {  	_ = 	snop  }
__scs_overlays_trampoline_lowered:
0x8: {  	[smem:$0x3FAB] =	sst s0  }
0x9: {  	[smem:$0x3FAC] =	sst s1  }
0xa: {  	[smem:$0x3FAD] =	sst s2  }
0xb: {  	[smem:$0x3FAE] =	sst s3  }
0xc: {  	[smem:$0x3FAF] =	sst s4  }
0xd: {  	[smem:$0x3FB0] =	sst s5  }
0xe: {  	[smem:$0x3FB1] =	sst s6  }
0xf: {  	[smem:$0x3FB2] =	sst s7  }
0x10: {  	[smem:$0x3FB3] =	sst s8  }
0x11: {  	[smem:$0x3FB4] =	sst s9;
	s0 =	simm.s32 @!p0 $0x0  }
0x12: {  	s1 =	sld [smem:$0x3F9A];
	s0 =	simm.s32 @p0 $0x1  }
0x13: {  	[smem:$0x3FB5] =	sst s0;
	s0 =	simm.s32 @!p1 $0x0  }
0x14: {  	s2 =	sld [smem:$0x3F99];
	s0 =	simm.s32 @p1 $0x1  }
0x15: {  	[smem:$0x3FB6] =	sst s0;
	s0 =	simm.s32 @!p2 $0x0  }
0x16: {  	s3 =	sld [smem:$0x3FDB];
	s0 =	simm.s32 @p2 $0x1  }
0x17: {  	s4 =	simm.s32 $0x1BF5;
	[smem:$0x3FB8] =	sst s0  }
0x18: {  	s0 =	sld [smem:$0x3F9B];
	_ =	swait.ge [sflag:s4], $0x0  }
0x19: {  	s7 =	sld [smem:$0x3F9C]  }
0x1a: {  	s8 =	sadd.s32 $0xFFFFE003, lr  }
0x1b: {  	s9 =	sadd.s32 $0xFFFFFEF7, lr;
	s5 =	simm.s32 $0xFFFFFFFF;
	p2 =	slt.u32 s8, $0xFFFFF086  }
0x1c: {  	p1 =	slt.u32 s9, $0xF7A;
	s5 =	simm.s32 @!p2 $0x0  }
0x1d: {  	s5 =	simm.s32 @p1 $0x1;
	p0 =	seq.s32 s7, s2  }
0x1e: {  	s7 =	smul.u32 @!p0 $0xF7A, s2;
	p2 =	seq.s32 @!p0 s5, $0x0  }
0x1f: {  	s9 =	smul.u32 $0xF7A, s1;
	s8 =	simm.s32 @!p0 $0x1BF5;
	p2 =	por !p2, p0  }
0x20: {  	[sflag:s8] =	ssyncset.s32 @!p0 $0xFFFFF086;
	s6 =	sadd.s32 @!p0 s3, s7;
	s7 =	simm.s32 @!p0 $0x108  }
0x21: {  	s3 =	sadd.s32 s3, s9;
	s6 =	sadd.s32 @!p0 $0x88, s6;
	s7 =	simm.s32 @p2 $0x1082  }
0x22: {  	[simem:s7], [sflag:s8] =	dma.local @!p0 [hbm:s6], $0xF7A  }
0x23: {  	s9 =	sor.u32 $0xD0000000, s2;
	s6 =	simm.s32 $0x108;
	_ =	swait.ge @!p0 [sflag:s8], $0x0  }
0x24: {  	s3 =	sadd.s32 $0x88, s3;
	s6 =	simm.s32 @!p1 $0x1082;
	[sflag:s4] =	ssyncset.s32 $0xFFFFF086  }
0x25: {  	[simem:s6], [sflag:s4] =	dma.local [hbm:s3], $0xF7A  }
0x26: {  	[smem:$0x3F9C] =	sst s1;
	(tag) =	ssettag s2;
	_ =	strace s9  }
0x27: {  	s1 =	sld [smem:$0x3FAC]  }
0x28: {  	s2 =	sld [smem:$0x3FAD]  }
0x29: {  	s4 =	sld [smem:$0x3FAF]  }
0x2a: {  	p0 =	seq.s32 s5, $0x0;
	s5 =	sld [smem:$0x3FB0]  }
0x2b: {  	s6 =	sld [smem:$0x3FB1]  }
0x2c: {  	s7 =	sld [smem:$0x3FB2]  }
0x2d: {  	s3 =	simm.s32 $0x108;
	s8 =	sld [smem:$0x3FB3]  }
0x2e: {  	s3 =	simm.s32 @!p0 $0x1082;
	s9 =	sld [smem:$0x3FB4]  }
0x2f: {  	lr =	sadd.s32 s0, s3;
	s0 =	sld [smem:$0x3FAB]  }
0x30: {  	s3 =	sld [smem:$0x3FAE]  }
0x31: {  	[smem:$0x3FB7] =	sst s10  }
0x32: {  	s10 =	sld [smem:$0x3FB5];
	_ =	sdelay $0x3  }
0x33: {  	p0 =	seq.s32 s10, $0x1;
	s10 =	sld [smem:$0x3FB7];
	_ =	sdelay $0x3  }
0x34: {  	[smem:$0x3FB7] =	sst s10  }
0x35: {  	s10 =	sld [smem:$0x3FB6];
	_ =	sdelay $0x3  }
0x36: {  	p1 =	seq.s32 s10, $0x1;
	s10 =	sld [smem:$0x3FB7];
	_ =	sdelay $0x3  }
0x37: {  	[smem:$0x3FB7] =	sst s10  }
0x38: {  	s10 =	sld [smem:$0x3FB8]  }
0x39: {  	_ = 	snop;
	(pc) =	sbr.ind lr, $3  }
0x3a: {  	_ = 	snop  }
0x3b: {  	_ = 	snop  }
0x3c: {  	p2 =	seq.s32 s10, $0x1;
	s10 =	sld [smem:$0x3FB7]  }
0x3d: {  	_ =	shalt  }
0x3e: {  	_ =	shalt  }
0x3f: {  	_ =	shalt  }
0x40: {  	_ =	shalt  }
0x41: {  	_ =	shalt  }
0x42: {  	_ =	shalt  }
0x43: {  	_ =	shalt  }
0x44: {  	_ =	shalt  }
0x45: {  	_ =	shalt  }
0x46: {  	_ =	shalt  }
0x47: {  	_ =	shalt  }
0x48: {  	_ =	shalt  }
0x49: {  	_ =	shalt  }
0x4a: {  	_ =	shalt  }
0x4b: {  	_ =	shalt  }
0x4c: {  	_ =	shalt  }
0x4d: {  	_ =	shalt  }
0x4e: {  	_ =	shalt  }
0x4f: {  	_ =	shalt  }
0x50: {  	_ =	shalt  }
0x51: {  	_ =	shalt  }
0x52: {  	_ =	shalt  }
0x53: {  	_ =	shalt  }
0x54: {  	_ =	shalt  }
0x55: {  	_ =	shalt  }
0x56: {  	_ =	shalt  }
0x57: {  	_ =	shalt  }
0x58: {  	_ =	shalt  }
0x59: {  	_ =	shalt  }
0x5a: {  	_ =	shalt  }
0x5b: {  	_ =	shalt  }
0x5c: {  	_ =	shalt  }
0x5d: {  	_ =	shalt  }
0x5e: {  	_ =	shalt  }
0x5f: {  	_ =	shalt  }
0x60: {  	_ =	shalt  }
0x61: {  	_ =	shalt  }
0x62: {  	_ =	shalt  }
0x63: {  	_ =	shalt  }
0x64: {  	_ =	shalt  }
0x65: {  	_ =	shalt  }
0x66: {  	_ =	shalt  }
0x67: {  	_ =	shalt  }
0x68: {  	_ =	shalt  }
0x69: {  	_ =	shalt  }
0x6a: {  	_ =	shalt  }
0x6b: {  	_ =	shalt  }
0x6c: {  	_ =	shalt  }
0x6d: {  	_ =	shalt  }
0x6e: {  	_ =	shalt  }
0x6f: {  	_ =	shalt  }
0x70: {  	_ =	shalt  }
0x71: {  	_ =	shalt  }
0x72: {  	_ =	shalt  }
0x73: {  	_ =	shalt  }
0x74: {  	_ =	shalt  }
0x75: {  	_ =	shalt  }
0x76: {  	_ =	shalt  }
0x77: {  	_ =	shalt  }
0x78: {  	_ =	shalt  }
0x79: {  	_ =	shalt  }
0x7a: {  	_ =	shalt  }
0x7b: {  	_ =	shalt  }
0x7c: {  	_ =	shalt  }
0x7d: {  	_ =	shalt  }
0x7e: {  	_ =	shalt  }
0x7f: {  	_ =	shalt  }
0x80: {  	_ =	shalt  }
0x81: {  	_ =	shalt  }
0x82: {  	_ =	shalt  }
0x83: {  	_ =	shalt  }
0x84: {  	_ =	shalt  }
0x85: {  	_ =	shalt  }
0x86: {  	_ =	shalt  }
0x87: {  	_ =	shalt  }
.Lfunc_end0:
.L_simem_size_0:
called_computation_lowered:
.L_overlay_start_0:
0x88: {  	s2 =	sld [smem:$0x3FD9]  }
0x89: {  	s3 =	sld [smem:$0x3FFE];
	_ =	sdelay $0x1  }
0x8a: {  	s1 =	srdreg.scid  }
0x8b: {  	s0 =	sand.u32 $0x1, s1  }
0x8c: {  	s14 =	sshll.u32 s0, $0xA;
	s2 =	sadd.s32 s3, s2  }
0x8d: {  	s2 =	sadd.s32 s2, s14  }
0x8e: {  	[smem:$0x3FC3] =	sst s2  }
0x8f: {  	_ = 	snop  }
0x90: {  	s2 =	sld [smem:$0x3FD0];
	_ =	sdelay $0x2  }
0x91: {  	s4 =	simm.s32 $0xA;
	s5 =	simm.s32 $0x10;
	s15 =	sld [smem:$0x3FC9]  }
0x92: {  	[smem:s5], [sflag:s4] =	dma.local [hbm:s2], $0x1  }
0x93: {  	_ =	swait.eq [sflag:s4], $0x1  }
0x94: {  	s16 =	sld [smem:$0x10];
	[sflag:s4] =	ssyncset.done $0x0  }
0x95: {  	s17 =	sld [smem:$0x11];
	[sflag:s4] =	ssyncadd.s32 $0xFFFFFFFF  }
0x96: {  	s18 =	sld [smem:$0x12];
	(tm) =	ssettm $0x1  }
0x97: {  	s6 =	sld [smem:$0x3FFB];
	_ =	sdelay $0x3  }
0x98: {  	_ =	strace s6  }
0x99: {  	s6 =	sld [smem:$0x3FFC];
	_ =	sdelay $0x3  }
0x9a: {  	_ =	strace s6  }
0x9b: {  	s6 =	sld [smem:$0x3FFD];
	_ =	sdelay $0x3  }
0x9c: {  	_ =	strace s6  }
0x9d: {  	_ =	strace $0x8FFFFFFF  }
0x9e: {  	s19 =	sld [smem:$0x3FDB];
	_ =	sdelay $0x1  }
0x9f: {  	s7 =	simm.s32 $_scs_section_size  }
0xa0: {  	s8 =	simm.s32 $_size__tile_overlayer_lowered;
	s9 =	simm.s32 $_tile_overlayer_lowered  }
0xa1: {  	s22 =	simm.s32 $0x1BFF;
	s21 =	sshll.u32 s9, $0x1;
	s6 =	sadd.s32 s7, s19  }
0xa2: {  	s10 =	simm.s32 $0x0;
	s20 =	sshll.u32 s8, $0x1;
	s8 =	sadd.s32 s21, s6  }
0xa3: {  	[timem:s10], [sflag:s22] =	dma.local [hbm:s8], s20  }
0xa4: {  	_ =	swait.ge [sflag:s22], s20  }
0xa5: {  	s7 =	ssub.s32 $0x0, s20;
	[sflag:s22] =	ssyncset.done $0x0  }
0xa6: {  	[sflag:s22] =	ssyncadd.s32 s7;
	_ =	sdelay $0x1  }
0xa7: {  	s23 =	simm.s32 $0x1B8B  }
0xa8: {  	_ =	swait.ge [sflag:s23], $0x1  }
0xa9: {  	[sflag:s23] =	ssyncset.done $0x0  }
0xaa: {  	s25 =	simm.s32 $0x1B8E;
	s24 =	sld [smem:$0x3FFE];
	[sflag:s23] =	ssyncadd.s32 $0xFFFFFFFF  }
0xab: {  	s26 =	simm.s32 $execute0_lowered;
	[smem:$0x3FD2] =	sst s25  }
0xac: {  	s8 =	sshll.u32 s26, $0x1;
	_ =	strace $0x80000046;
	[dreg:$0x1] =	wrdreg $0xFFFFFFFF  }
0xad: {  	s28 =	simm.s32 $_size_execute0_lowered;
	s6 =	sadd.s32 s6, s8;
	[dreg:$0x0] =	wrdreg $0x0  }
0xae: {  	s8 =	sshll.u32 s28, $0x1;
	[dreg:$0x2] =	wrdreg s6  }
0xaf: {  	[dreg:$0x3] =	wrdreg s8  }
0xb0: {  	[dreg:$0x4] =	wrdreg $0xC0  }
0xb1: {  	_ =	task [dreg:s10], $0x5FFFF  }
0xb2: {  	[dreg:$0x1] =	wrdreg $0xFFFFFFFF  }
0xb3: {  	[dreg:$0x0] =	wrdreg $0x60  }
0xb4: {  	[dreg:$0x2] =	wrdreg s15  }
0xb5: {  	[dreg:$0x3] =	wrdreg s24  }
0xb6: {  	[dreg:$0x4] =	wrdreg s18  }
0xb7: {  	[dreg:$0x5] =	wrdreg s17  }
0xb8: {  	[dreg:$0x6] =	wrdreg s16  }
0xb9: {  	[dreg:$0x7] =	wrdreg $0x9  }
0xba: {  	_ =	task.clear_ibuf [dreg:s10], $0x8FFFF;
	_ =	strace $0x90000046  }
0xbb: {  	s29 =	simm.s32 $0x9;
	_ =	strace $0x80000048  }
0xbc: {  	_ =	swait.ge [sflag:s29], $0x1  }
0xbd: {  	[sflag:s29] =	ssyncadd.s32 $0xFFFFFFFF  }
0xbe: {  	_ =	strace $0x90000048  }
0xbf: {  	_ =	sfence  }
0xc0: {  	s30 =	sld [smem:$0x0];
	_ =	sdelay $0x2  }
0xc1: {  	s31 =	sshll.u32 s1, $0xD;
	s1 =	sshrl.u32 s1, $0x2  }
0xc2: {  	s3 =	sand.u32 $0x4000, s31;
	s1 =	sadd.s32 s1, s30  }
0xc3: {  	s0 =	sor.u32 s3, s0;
	s1 =	sshll.u32 s1, $0x11  }
0xc4: {  	s0 =	sor.u32 s1, s0  }
0xc5: {  	s0 =	sadd.s32 $0x8F2B, s0  }
0xc6: {  	[sflag:s0] =	ssyncadd.remote.s32 $0x1  }
0xc7: {  	_ =	sfence.sel $0xFFFF  }
0xc8: {  	[dreg:$0x0] =	wrdreg $0xFFFFFFFF;
	(pc) =	sbr.abs _section_cstart, $3  }
0xc9: {  	[dreg:$0x1] =	wrdreg $0xFFFFFFFF  }
0xca: {  	_ =	task.clear_ibuf [dreg:s10], $0x2FFFF;
	_ =	strace $0x9FFFFFFF  }
0xcb: {  	(tm) =	ssettm $0x7FFFFFFF  }
tec
execute0_lowered:
.L_overlay_start_1:
0x0: {  	(tag) =	ssettag $0x1  }
0x1: {  	s1 =	rddreg [dreg:$0x0]  }
0x2: {  	s0 =	rddreg [dreg:$0x1]  }
0x3: {  	s2 =	rddreg [dreg:$0x2]  }
0x4: {  	s3 =	rddreg [dreg:$0x3]  }
0x5: {  	s4 =	rddreg [dreg:$0x4];
	s5 =	simm.s32 $0x0;
	s6 =	srdreg.scid  }
0x6: {  	s17 =	stileid.u32;
	s30 =	simm.s32 $0xCA00;
	s31 =	simm.s32 $0xEA00  }
0x7: {  	s28 =	simm.s32 $0x10A00;
	s29 =	simm.s32 $0x0;
	[smem:$0x7FF] =	sst s5  }
0x8: {  	s7 =	sadd.s32 $0xC5600, s0;
	s6 =	sand.u32 $0x1, s6;
	s8 =	sadd.s32 $0x2000, s0  }
0x9: {  	s11 =	sshll.u32 s17, $0x1;
	s9 =	sadd.s32 $0x133600, s0;
	s26 =	sshll.u32 s17, $0xA  }
0xa: {  	s17 =	simm.s32 $0x3;
	_ =	strace $0x80000047;
	s10 =	ssub.s32 $0x2, s6  }
0xb: {  	s12 =	sor.u32 s6, s11;
	s6 =	sshll.u32 s6, $0x9;
	s21 =	sshrl.u32 s10, $0x1  }
0xc: {  	s13 =	ssub.s32 $0x30D, s12;
	s14 =	sshll.u32 s12, $0x7;
	s11 =	sshll.u32 s12, $0xA  }
0xd: {  	s25 =	ssub.s32 $0x61, s12;
	s12 =	simm.s32 $0x6;
	s0 =	ssub.s32 s10, s21  }
0xe: {  	s10 =	sshrl.u32 s13, $0x5;
	s15 =	sor.u32 $0x1000, s14;
	s16 =	sadd.s32 s2, s14  }
0xf: {  	s14 =	sadd.s32 s3, s14;
	s13 =	sand.u32 $0x20, s13;
	[dreg:$0x6] =	wrdreg s16  }
0x10: {  	s19 =	sor.u32 $0x8000, s11;
	[dreg:$0x7] =	wrdreg s14;
	s22 =	sadd.s32 s2, s15  }
0x11: {  	s23 =	sadd.s32 s3, s15;
	s24 =	sadd.s32 $0x2, s10;
	p0 =	seq.s32 s13, $0x0  }
0x12: {  	s0 =	smax.u32 s0, $0x1;
	s18 =	sadd.s32 $0xFFFFFFFE, s10;
	[dreg:$0x8] =	wrdreg s22  }
0x13: {  	s13 =	simm.s32 $0x7;
	s14 =	simm.s32 $0x13200;
	[dreg:$0x9] =	wrdreg s23  }
0x14: {  	s15 =	simm.s32 $0x17200;
	s16 =	sshrl.u32 s24, $0x1;
	[dreg:$0xa] =	wrdreg s0  }
.Ltmp0:
0x15: {  	s0 =	simm.s32 $0x4;
	s13 =	simm.s32 @!p0 $0x4;
	(pc) =	sbr.rel .LBB2_1-.Ltmp0, $4  }
0x16: {  	s22 =	sor.u32 s6, s26;
	s0 =	simm.s32 @!p0 $0x7;
	[dreg:$0xc] =	wrdreg s13  }
0x17: {  	s24 =	simm.s32 $0x8;
	[dreg:$0xb] =	wrdreg s0;
	s0 =	sshrl.u32 s25, $0x5  }
0x18: {  	s26 =	simm.s32 $0x1;
	[dreg:$0xe] =	wrdreg s22;
	s0 =	sxor.u32 $0xFFFFFFFF, s0  }
0x19: {  	s13 =	simm.s32 $0x15200;
	s25 =	simm.s32 $0x200;
	[dreg:$0xd] =	wrdreg s0  }
.LBB2_14:
0x1a: {  	s0 =	rddreg [dreg:$0xb]  }
0x1b: {  	_ =	swait.ge [sflag:s0], $0x2000  }
0x1c: {  	[sflag:s0] =	ssyncset.done $0x0  }
0x1d: {  	s6 =	rddreg [dreg:$0xc];
	[sflag:s0] =	ssyncadd.s32 $0xFFFFE000  }
0x1e: {  	_ =	swait.ge [sflag:s6], $0x2000  }
0x1f: {  	s29 =	sadd.s32 $0x1, s29;
	s23 =	rddreg [dreg:$0xa]  }
0x20: {  	p0 =	sne.s32 s29, s23  }
.Ltmp1:
0x21: {  	_ = 	snop;
	(pc) =	sbr.rel @!p0 .LBB2_15-.Ltmp1, $3  }
0x22: {  	_ =	sdelay $0x1  }
0x23: {  	[sflag:s6] =	ssyncset.done $0x0  }
0x24: {  	s22 =	rddreg [dreg:$0xe];
	[sflag:s6] =	ssyncadd.s32 $0xFFFFE000  }
.LBB2_1:
0x25: {  	s0 =	rddreg [dreg:$0xd]  }
0x26: {  	s6 =	sadd.s32 $0x1, s0  }
0x27: {  	p1 =	seq.s32 s6, $0x0  }
.Ltmp2:
0x28: {  	_ = 	snop;
	(pc) =	sbr.rel @p1 .LBB2_4-.Ltmp2, $4  }
0x29: {  	_ = 	snop  }
0x2a: {  	p0 =	slt.s32 s22, $0xC150;
	s20 =	smov.u32 s22  }
0x2b: {  	s20 =	simm.s32 @!p0 $0xC150  }
0x2c: {  	p0 =	por $0x0, $0x0;
	s21 =	sshrl.u32 s20, $0x3  }
0x2d: {  	s21 =	sadd.s32 s1, s21  }
0x2e: {  	[tilespmem:s5], [sflag:$0x8] =	stream.linear.gather [hbm4b:s21+s5], $0x200, $0x38;
	[tilespmem:$0x19200] =	vst v63  }
0x2f: {  	_ =	swait.ge [sflag:s24], $0x200  }
0x30: {  	[sflag:s24] =	ssyncset.done $0x0  }
0x31: {  	s20 =	smul.u32 $0x60, s20;
	[sflag:s24] =	ssyncadd.s32 $0xFFFFFE00  }
0x32: {  	[tilespmem:s25], [sflag:$0x1] =	stream.indirect.gather [hbm4b:s8+s25], $0x60, s5, s25, $0xb8;
	[tilespmem:$0x19200] =	vst v63  }
0x33: {  	s6 =	sadd.s32 $0x1, s6;
	s22 =	sadd.s32 $0x4000, s22;
	_ =	swait.ge [sflag:s26], $0xC000  }
0x34: {  	p1 =	seq.s32 s6, $0x0;
	s20 =	sshrl.u32 s20, $0x3;
	[sflag:s26] =	ssyncset.done $0x0  }
.Ltmp3:
0x35: {  	s20 =	sadd.s32 s4, s20;
	[sflag:s26] =	ssyncadd.s32 $0xFFFF4000;
	(pc) =	sbr.rel @p1 .LBB2_4-.Ltmp3, $4  }
0x36: {  	[hbm4b:s20+s5] =	stream.linear.scatter [tilespmem:s25], [sflag:$0x8], $0xC000, $0x38;
	[tilespmem:$0x19200] =	vst v63  }
0x37: {  	p0 =	slt.s32 s22, $0xC150;
	s20 =	smov.u32 s22  }
0x38: {  	s20 =	simm.s32 @!p0 $0xC150;
	_ =	swait.ge [sflag:s24], $0xC000  }
0x39: {  	p0 =	por $0x1, $0x1;
	s21 =	sshrl.u32 s20, $0x3;
	[sflag:s24] =	ssyncset.done $0x0  }
.LBB2_3:
0x3a: {  	s6 =	sadd.s32 $0x1, s6;
	s21 =	sadd.s32 s1, s21;
	[sflag:s24] =	ssyncadd.s32 $0xFFFF4000  }
0x3b: {  	[tilespmem:s5], [sflag:$0x8] =	stream.linear.gather [hbm4b:s21+s5], $0x200, $0x38;
	[tilespmem:$0x19200] =	vst v63  }
0x3c: {  	p1 =	seq.s32 s6, $0x0;
	_ =	swait.ge [sflag:s24], $0x200  }
0x3d: {  	[sflag:s24] =	ssyncset.done $0x0  }
0x3e: {  	s20 =	smul.u32 $0x60, s20;
	[sflag:s24] =	ssyncadd.s32 $0xFFFFFE00  }
0x3f: {  	[tilespmem:s25], [sflag:$0x1] =	stream.indirect.gather [hbm4b:s8+s25], $0x60, s5, s25, $0xb8;
	[tilespmem:$0x19200] =	vst v63  }
0x40: {  	s22 =	sadd.s32 $0x4000, s22;
	_ =	swait.ge [sflag:s26], $0xC000  }
0x41: {  	p2 =	slt.s32 s22, $0xC150;
	s20 =	sshrl.u32 s20, $0x3;
	[sflag:s26] =	ssyncset.done $0x0  }
.Ltmp4:
0x42: {  	s20 =	sadd.s32 s4, s20;
	[sflag:s26] =	ssyncadd.s32 $0xFFFF4000;
	(pc) =	sbr.rel @!p1 .LBB2_3-.Ltmp4, $4  }
0x43: {  	[hbm4b:s20+s5] =	stream.linear.scatter [tilespmem:s25], [sflag:$0x8], $0xC000, $0x38;
	[tilespmem:$0x19200] =	vst v63  }
0x44: {  	s20 =	smov.u32 s22  }
0x45: {  	s20 =	simm.s32 @!p2 $0xC150;
	_ =	swait.ge [sflag:s24], $0xC000  }
0x46: {  	s21 =	sshrl.u32 s20, $0x3;
	[sflag:s24] =	ssyncset.done $0x0  }
.LBB2_4:
0x47: {  	s6 =	sadd.s32 s1, s21;
	[sflag:s24] =	ssyncadd.s32 @p0 $0xFFFF4000  }
0x48: {  	[tilespmem:s5], [sflag:$0x8] =	stream.linear.gather [hbm4b:s6+s5], $0x200, $0x38;
	[tilespmem:$0x19200] =	vst v63  }
0x49: {  	_ =	swait.ge [sflag:s24], $0x200  }
0x4a: {  	[sflag:s24] =	ssyncset.done $0x0  }
0x4b: {  	s22 =	smul.u32 $0x60, s20;
	[sflag:s24] =	ssyncadd.s32 $0xFFFFFE00  }
0x4c: {  	[tilespmem:s25], [sflag:$0x1] =	stream.indirect.gather [hbm4b:s8+s25], $0x60, s5, s25, $0xb8;
	[tilespmem:$0x19200] =	vst v63  }
0x4d: {  	_ =	swait.ge [sflag:s26], $0xC000  }
0x4e: {  	s6 =	sshrl.u32 s22, $0x3;
	[sflag:s26] =	ssyncset.done $0x0  }
0x4f: {  	s6 =	sadd.s32 s4, s6;
	[sflag:s26] =	ssyncadd.s32 $0xFFFF4000  }
0x50: {  	[hbm4b:s6+s5] =	stream.linear.scatter [tilespmem:s25], [sflag:$0x8], $0xC000, $0x38;
	[tilespmem:$0x19200] =	vst v63  }
0x51: {  	_ =	swait.ge [sflag:s24], $0xC000  }
0x52: {  	s22 =	simm.s32 $0x0;
	[sflag:s24] =	ssyncset.done $0x0  }
0x53: {  	s6 =	simm.s32 $0xC200;
	s0 =	rddreg [dreg:$0x6];
	[sflag:s24] =	ssyncadd.s32 $0xFFFF4000  }
0x54: {  	[tilespmem:s6], [sflag:$0x2] =	stream.linear.gather [hbm4b:s0+s22], $0x400, $0x38;
	[tilespmem:$0x19200] =	vst v63  }
0x55: {  	s20 =	simm.s32 $0xC600;
	s23 =	rddreg [dreg:$0x7]  }
0x56: {  	[tilespmem:s20], [sflag:$0x2] =	stream.linear.gather [hbm4b:s23+s22], $0x400, $0x38;
	[tilespmem:$0x19200] =	vst v63  }
0x57: {  	s21 =	rddreg [dreg:$0x8];
	s23 =	simm.s32 $0x12A00  }
0x58: {  	[tilespmem:s23], [sflag:$0x5] =	stream.linear.gather [hbm4b:s21+s22], $0x400, $0x38;
	[tilespmem:$0x19200] =	vst v63  }
0x59: {  	s21 =	rddreg [dreg:$0x9];
	s23 =	simm.s32 $0x12E00  }
0x5a: {  	[tilespmem:s23], [sflag:$0x5] =	stream.linear.gather [hbm4b:s21+s22], $0x400, $0x38;
	[tilespmem:$0x19200] =	vst v63  }
0x5b: {  	s21 =	simm.s32 $0x2  }
0x5c: {  	_ =	swait.ge [sflag:s21], $0x400  }
0x5d: {  	[sflag:s21] =	ssyncset.done $0x0  }
0x5e: {  	[sflag:s21] =	ssyncadd.s32 $0xFFFFFC00  }
0x5f: {  	_ =	swait.ge [sflag:s21], $0x400  }
.Ltmp5:
0x60: {  	[sflag:s21] =	ssyncset.done $0x0;
	(pc) =	sbr.rel .LBB2_5-.Ltmp5, $4  }
0x61: {  	s23 =	simm.s32 $0x400;
	[sflag:s21] =	ssyncadd.s32 $0xFFFFFC00  }
0x62: {  	[tilespmem:s30], [sflag:$0x3] =	stream.indirect.gather [hbm4b:s7+s23], $0x8, s6, s23, $0xb8;
	[tilespmem:$0x19200] =	vst v63  }
0x63: {  	_ = 	snop  }
0x64: {  	[tilespmem:s31], [sflag:$0x3] =	stream.indirect.gather [hbm4b:s7+s23], $0x8, s20, s23, $0xb8;
	[tilespmem:$0x19200] =	vst v63  }
.LBB2_13:
0x65: {  	s22 =	sadd.s32 $0x1, s22  }
0x66: {  	p0 =	sne.s32 s22, s16  }
.Ltmp6:
0x67: {  	_ = 	snop;
	(pc) =	sbr.rel @!p0 .LBB2_14-.Ltmp6, $1  }
0x68: {  	_ =	sdelay $0x3  }
.LBB2_5:
0x69: {  	s6 =	sshll.u32 s22, $0x1  }
0x6a: {  	p0 =	sgt.u32 s6, s10  }
.Ltmp7:
0x6b: {  	_ = 	snop;
	(pc) =	sbr.rel @p0 .LBB2_9-.Ltmp7, $1  }
0x6c: {  	_ =	sdelay $0x3  }
0x6d: {  	s20 =	sadd.s32 $0x2, s6  }
0x6e: {  	_ =	swait.ge [sflag:s17], $0x2000;
	p0 =	sgt.u32 s20, s10  }
0x6f: {  	[sflag:s17] =	ssyncset.done $0x0;
	s20 =	sshll.u32 @!p0 s20, $0xF  }
0x70: {  	[sflag:s17] =	ssyncadd.s32 $0xFFFFE000;
	s20 =	sor.u32 @!p0 s11, s20  }
0x71: {  	_ =	swait.ge [sflag:s17], $0x2000;
	s20 =	smin.u32 @!p0 s20, $0xC3100  }
0x72: {  	s23 =	simm.s32 @!p0 $0x0;
	[sflag:s17] =	ssyncset.done $0x0;
	s20 =	sshrl.u32 @!p0 s20, $0x3  }
0x73: {  	s0 =	simm.s32 @!p0 $0xC200;
	[sflag:s17] =	ssyncadd.s32 $0xFFFFE000;
	s21 =	sadd.s32 @!p0 s2, s20  }
0x74: {  	[tilespmem:s0], [sflag:$0x2] =	stream.linear.gather @!p0 [hbm4b:s21+s23], $0x400, $0x38;
	[tilespmem:$0x19200] =	vst v63  }
0x75: {  	s0 =	sadd.s32 @!p0 s3, s20;
	s20 =	simm.s32 @!p0 $0xC600  }
0x76: {  	[tilespmem:s20], [sflag:$0x2] =	stream.linear.gather @!p0 [hbm4b:s0+s23], $0x400, $0x38;
	[tilespmem:$0x19200] =	vst v63  }
0x77: {  	p0 =	sge.u32 s6, s10  }
0x78: {  	s0 =	simm.s32 @!p0 $0x5  }
0x79: {  	_ =	swait.ge @!p0 [sflag:s0], $0x400  }
0x7a: {  	[sflag:s0] =	ssyncset.done @!p0 $0x0  }
0x7b: {  	[sflag:s0] =	ssyncadd.s32 @!p0 $0xFFFFFC00  }
0x7c: {  	_ =	swait.ge @!p0 [sflag:s0], $0x400  }
0x7d: {  	s20 =	simm.s32 @!p0 $0x12A00;
	[sflag:s0] =	ssyncset.done @!p0 $0x0  }
0x7e: {  	s21 =	simm.s32 @!p0 $0x13200;
	[sflag:s0] =	ssyncadd.s32 @!p0 $0xFFFFFC00;
	s0 =	simm.s32 @!p0 $0x400  }
0x7f: {  	[tilespmem:s21], [sflag:$0x6] =	stream.indirect.gather @!p0 [hbm4b:s7+s0], $0x8, s20, s0, $0xb8;
	[tilespmem:$0x19200] =	vst v63  }
0x80: {  	s20 =	simm.s32 @!p0 $0x12E00;
	s21 =	simm.s32 @!p0 $0x15200  }
0x81: {  	v0 =	vlaneseq.u32;
	[tilespmem:s21], [sflag:$0x6] =	stream.indirect.gather @!p0 [hbm4b:s7+s0], $0x8, s20, s0, $0xb8;
	[tilespmem:$0x19200] =	vst v63  }
0x82: {  	v1 =	vshll.u32 v0, $0x3;
	p0 =	seq.s32 s22, $0x0  }
0x83: {  	s0 =	simm.s32 @!p0 $0x4  }
0x84: {  	_ =	swait.ge @!p0 [sflag:s0], $0x2000  }
0x85: {  	[sflag:s0] =	ssyncset.done @!p0 $0x0  }
0x86: {  	[sflag:s0] =	ssyncadd.s32 @!p0 $0xFFFFE000  }
0x87: {  	v2 =	vld.idx.msk [tilespmem:v1+s31+$0x0], $0xffff  }
0x88: {  	v3 =	vld.idx.msk [tilespmem:v1+s30+$0x0], $0xffff;
	_ =	sdelay $0x2  }
0x89: {  	v4 =	vor.u32 $0x1, v1;
	_ =	sdelay $0x1  }
0x8a: {  	v2 =	vsub.f32 v2, v3;
	_ =	sdelay $0x1  }
0x8b: {  	[tilespmem:v1+s28+$0x0] =	vst.idx.msk $0xffff, v2  }
0x8c: {  	v3 =	vld.idx.msk [tilespmem:v4+s31+$0x0], $0xffff  }
0x8d: {  	v5 =	vld.idx.msk [tilespmem:v4+s30+$0x0], $0xffff;
	_ =	sdelay $0x2  }
0x8e: {  	v2 =	vor.u32 $0x2, v1;
	_ =	sdelay $0x1  }
0x8f: {  	v1 =	vsub.f32 v3, v5;
	_ =	sdelay $0x1  }
0x90: {  	[tilespmem:v4+s28+$0x0] =	vst.idx.msk $0xffff, v1  }
0x91: {  	v3 =	vld.idx.msk [tilespmem:v2+s31+$0x0], $0xffff  }
0x92: {  	v4 =	vld.idx.msk [tilespmem:v2+s30+$0x0], $0xffff;
	_ =	sdelay $0x1  }
0x93: {  	v0 =	vadd.s32 $0x10, v0  }
0x94: {  	s20 =	simm.s32 $0x3E;
	v1 =	vshll.u32 v0, $0x3  }
.LBB2_7:
0x95: {  	p0 =	sne.s32 s20, $0x1;
	s20 =	sadd.s32 $0xFFFFFFFF, s20  }
0x96: {  	v3 =	vsub.f32 v3, v4;
	_ =	sdelay $0x1  }
0x97: {  	[tilespmem:v2+s28+$0x0] =	vst.idx.msk $0xffff, v3  }
0x98: {  	v2 =	vld.idx.msk [tilespmem:v1+s31+$0x0], $0xffff  }
0x99: {  	v3 =	vld.idx.msk [tilespmem:v1+s30+$0x0], $0xffff;
	_ =	sdelay $0x3  }
0x9a: {  	v4 =	vor.u32 $0x1, v1;
	_ =	sdelay $0x1  }
0x9b: {  	v2 =	vsub.f32 v2, v3;
	_ =	sdelay $0x1  }
0x9c: {  	[tilespmem:v1+s28+$0x0] =	vst.idx.msk $0xffff, v2  }
0x9d: {  	v3 =	vld.idx.msk [tilespmem:v4+s31+$0x0], $0xffff  }
0x9e: {  	v5 =	vld.idx.msk [tilespmem:v4+s30+$0x0], $0xffff;
	_ =	sdelay $0x3  }
0x9f: {  	v2 =	vor.u32 $0x2, v1;
	_ =	sdelay $0x1  }
0xa0: {  	v1 =	vsub.f32 v3, v5;
	_ =	sdelay $0x1  }
0xa1: {  	[tilespmem:v4+s28+$0x0] =	vst.idx.msk $0xffff, v1  }
0xa2: {  	v3 =	vld.idx.msk [tilespmem:v2+s31+$0x0], $0xffff  }
.Ltmp8:
0xa3: {  	v4 =	vld.idx.msk [tilespmem:v2+s30+$0x0], $0xffff;
	(pc) =	sbr.rel @p0 .LBB2_7-.Ltmp8, $3  }
0xa4: {  	_ =	sdelay $0x1  }
0xa5: {  	v0 =	vadd.s32 $0x10, v0  }
0xa6: {  	v1 =	vshll.u32 v0, $0x3  }
0xa7: {  	_ =	sdelay $0x1  }
0xa8: {  	v0 =	vsub.f32 v3, v4;
	_ =	sdelay $0x1  }
0xa9: {  	[tilespmem:v2+s28+$0x0] =	vst.idx.msk $0xffff, v0  }
0xaa: {  	v0 =	vld.idx.msk [tilespmem:v1+s31+$0x0], $0xffff  }
0xab: {  	v2 =	vld.idx.msk [tilespmem:v1+s30+$0x0], $0xffff;
	_ =	sdelay $0x2  }
0xac: {  	v60 =	vor.u32 $0x1, v1;
	_ =	sdelay $0x1  }
0xad: {  	v0 =	vsub.f32 v0, v2;
	_ =	sdelay $0x1  }
0xae: {  	[tilespmem:v1+s28+$0x0] =	vst.idx.msk $0xffff, v0  }
0xaf: {  	v0 =	vld.idx.msk [tilespmem:v60+s31+$0x0], $0xffff  }
0xb0: {  	v61 =	vld.idx.msk [tilespmem:v60+s30+$0x0], $0xffff;
	_ =	sdelay $0x2  }
0xb1: {  	v62 =	vor.u32 $0x2, v1;
	_ =	sdelay $0x1  }
0xb2: {  	v0 =	vsub.f32 v0, v61;
	_ =	sdelay $0x1  }
0xb3: {  	[tilespmem:v60+s28+$0x0] =	vst.idx.msk $0xffff, v0  }
0xb4: {  	v0 =	vld.idx.msk [tilespmem:v62+s31+$0x0], $0xffff  }
0xb5: {  	v63 =	vld.idx.msk [tilespmem:v62+s30+$0x0], $0xffff;
	_ =	sdelay $0x1  }
0xb6: {  	s0 =	sshll.u32 s22, $0x10  }
0xb7: {  	s0 =	sor.u32 s11, s0  }
0xb8: {  	p0 =	slt.s32 s0, $0xC3100  }
0xb9: {  	s0 =	simm.s32 @!p0 $0xC3100;
	v0 =	vsub.f32 v0, v63  }
0xba: {  	s0 =	sand.u32 $0x1FFF7D00, s0  }
0xbb: {  	s0 =	sadd.s32 s9, s0;
	[tilespmem:v62+s28+$0x0] =	vst.idx.msk $0xffff, v0  }
0xbc: {  	[hbm4b:s0+s5] =	stream.linear.scatter [tilespmem:s28], [sflag:$0x4], $0x2000, $0x38;
	[tilespmem:$0x19200] =	vst v63  }
.LBB2_9:
0xbd: {  	p0 =	sge.u32 s6, s10  }
.Ltmp9:
0xbe: {  	_ = 	snop;
	(pc) =	sbr.rel @p0 .LBB2_13-.Ltmp9, $1  }
0xbf: {  	_ =	sdelay $0x3  }
0xc0: {  	s0 =	sadd.s32 $0x3, s6  }
0xc1: {  	_ =	swait.ge [sflag:s12], $0x2000;
	p0 =	sgt.u32 s0, s10  }
0xc2: {  	[sflag:s12] =	ssyncset.done $0x0;
	s0 =	sshll.u32 @!p0 s0, $0xF  }
0xc3: {  	[sflag:s12] =	ssyncadd.s32 $0xFFFFE000;
	s0 =	sor.u32 @!p0 s11, s0  }
0xc4: {  	_ =	swait.ge [sflag:s12], $0x2000;
	s0 =	smin.u32 @!p0 s0, $0xC3100  }
0xc5: {  	s21 =	simm.s32 @!p0 $0x0;
	[sflag:s12] =	ssyncset.done $0x0;
	s0 =	sshrl.u32 @!p0 s0, $0x3  }
0xc6: {  	s23 =	simm.s32 @!p0 $0x12A00;
	[sflag:s12] =	ssyncadd.s32 $0xFFFFE000;
	s20 =	sadd.s32 @!p0 s2, s0  }
0xc7: {  	[tilespmem:s23], [sflag:$0x5] =	stream.linear.gather @!p0 [hbm4b:s20+s21], $0x400, $0x38;
	[tilespmem:$0x19200] =	vst v63  }
0xc8: {  	s0 =	sadd.s32 @!p0 s3, s0;
	s20 =	simm.s32 @!p0 $0x12E00  }
0xc9: {  	[tilespmem:s20], [sflag:$0x5] =	stream.linear.gather @!p0 [hbm4b:s0+s21], $0x400, $0x38;
	[tilespmem:$0x19200] =	vst v63  }
0xca: {  	p0 =	sgt.u32 s6, s18  }
0xcb: {  	s0 =	simm.s32 @!p0 $0x2  }
0xcc: {  	_ =	swait.ge @!p0 [sflag:s0], $0x400  }
0xcd: {  	[sflag:s0] =	ssyncset.done @!p0 $0x0  }
0xce: {  	[sflag:s0] =	ssyncadd.s32 @!p0 $0xFFFFFC00  }
0xcf: {  	_ =	swait.ge @!p0 [sflag:s0], $0x400  }
0xd0: {  	s6 =	simm.s32 @!p0 $0xC200;
	[sflag:s0] =	ssyncset.done @!p0 $0x0  }
0xd1: {  	s20 =	simm.s32 @!p0 $0xCA00;
	[sflag:s0] =	ssyncadd.s32 @!p0 $0xFFFFFC00;
	s0 =	simm.s32 @!p0 $0x400  }
0xd2: {  	[tilespmem:s20], [sflag:$0x3] =	stream.indirect.gather @!p0 [hbm4b:s7+s0], $0x8, s6, s0, $0xb8;
	[tilespmem:$0x19200] =	vst v63  }
0xd3: {  	s6 =	simm.s32 @!p0 $0xC600;
	s20 =	simm.s32 @!p0 $0xEA00  }
0xd4: {  	v0 =	vlaneseq.u32;
	[tilespmem:s20], [sflag:$0x3] =	stream.indirect.gather @!p0 [hbm4b:s7+s0], $0x8, s6, s0, $0xb8;
	[tilespmem:$0x19200] =	vst v63  }
0xd5: {  	v1 =	vshll.u32 v0, $0x3;
	p0 =	seq.s32 s22, $0x0  }
0xd6: {  	s0 =	simm.s32 @!p0 $0x7  }
0xd7: {  	_ =	swait.ge @!p0 [sflag:s0], $0x2000  }
0xd8: {  	[sflag:s0] =	ssyncset.done @!p0 $0x0  }
0xd9: {  	[sflag:s0] =	ssyncadd.s32 @!p0 $0xFFFFE000  }
0xda: {  	v2 =	vld.idx.msk [tilespmem:v1+s13+$0x0], $0xffff  }
0xdb: {  	v3 =	vld.idx.msk [tilespmem:v1+s14+$0x0], $0xffff;
	_ =	sdelay $0x2  }
0xdc: {  	v4 =	vor.u32 $0x1, v1;
	_ =	sdelay $0x1  }
0xdd: {  	v2 =	vsub.f32 v2, v3;
	_ =	sdelay $0x1  }
0xde: {  	[tilespmem:v1+s15+$0x0] =	vst.idx.msk $0xffff, v2  }
0xdf: {  	v3 =	vld.idx.msk [tilespmem:v4+s13+$0x0], $0xffff  }
0xe0: {  	v5 =	vld.idx.msk [tilespmem:v4+s14+$0x0], $0xffff;
	_ =	sdelay $0x2  }
0xe1: {  	v2 =	vor.u32 $0x2, v1;
	_ =	sdelay $0x1  }
0xe2: {  	v1 =	vsub.f32 v3, v5;
	_ =	sdelay $0x1  }
0xe3: {  	[tilespmem:v4+s15+$0x0] =	vst.idx.msk $0xffff, v1  }
0xe4: {  	v3 =	vld.idx.msk [tilespmem:v2+s13+$0x0], $0xffff  }
0xe5: {  	v4 =	vld.idx.msk [tilespmem:v2+s14+$0x0], $0xffff;
	_ =	sdelay $0x1  }
0xe6: {  	v0 =	vadd.s32 $0x10, v0  }
0xe7: {  	s6 =	simm.s32 $0x3E;
	v1 =	vshll.u32 v0, $0x3  }
.LBB2_11:
0xe8: {  	p0 =	sne.s32 s6, $0x1;
	s6 =	sadd.s32 $0xFFFFFFFF, s6  }
0xe9: {  	v3 =	vsub.f32 v3, v4;
	_ =	sdelay $0x1  }
0xea: {  	[tilespmem:v2+s15+$0x0] =	vst.idx.msk $0xffff, v3  }
0xeb: {  	v2 =	vld.idx.msk [tilespmem:v1+s13+$0x0], $0xffff  }
0xec: {  	v3 =	vld.idx.msk [tilespmem:v1+s14+$0x0], $0xffff;
	_ =	sdelay $0x3  }
0xed: {  	v4 =	vor.u32 $0x1, v1;
	_ =	sdelay $0x1  }
0xee: {  	v2 =	vsub.f32 v2, v3;
	_ =	sdelay $0x1  }
0xef: {  	[tilespmem:v1+s15+$0x0] =	vst.idx.msk $0xffff, v2  }
0xf0: {  	v3 =	vld.idx.msk [tilespmem:v4+s13+$0x0], $0xffff  }
0xf1: {  	v5 =	vld.idx.msk [tilespmem:v4+s14+$0x0], $0xffff;
	_ =	sdelay $0x3  }
0xf2: {  	v2 =	vor.u32 $0x2, v1;
	_ =	sdelay $0x1  }
0xf3: {  	v1 =	vsub.f32 v3, v5;
	_ =	sdelay $0x1  }
0xf4: {  	[tilespmem:v4+s15+$0x0] =	vst.idx.msk $0xffff, v1  }
0xf5: {  	v3 =	vld.idx.msk [tilespmem:v2+s13+$0x0], $0xffff  }
.Ltmp10:
0xf6: {  	v4 =	vld.idx.msk [tilespmem:v2+s14+$0x0], $0xffff;
	(pc) =	sbr.rel @p0 .LBB2_11-.Ltmp10, $3  }
0xf7: {  	_ =	sdelay $0x1  }
0xf8: {  	v0 =	vadd.s32 $0x10, v0  }
0xf9: {  	v1 =	vshll.u32 v0, $0x3  }
0xfa: {  	_ =	sdelay $0x1  }
0xfb: {  	v0 =	vsub.f32 v3, v4;
	_ =	sdelay $0x1  }
0xfc: {  	[tilespmem:v2+s15+$0x0] =	vst.idx.msk $0xffff, v0  }
0xfd: {  	v0 =	vld.idx.msk [tilespmem:v1+s13+$0x0], $0xffff  }
0xfe: {  	v2 =	vld.idx.msk [tilespmem:v1+s14+$0x0], $0xffff;
	_ =	sdelay $0x2  }
0xff: {  	v60 =	vor.u32 $0x1, v1;
	_ =	sdelay $0x1  }
0x100: {  	v0 =	vsub.f32 v0, v2;
	_ =	sdelay $0x1  }
0x101: {  	[tilespmem:v1+s15+$0x0] =	vst.idx.msk $0xffff, v0  }
0x102: {  	v0 =	vld.idx.msk [tilespmem:v60+s13+$0x0], $0xffff  }
0x103: {  	v61 =	vld.idx.msk [tilespmem:v60+s14+$0x0], $0xffff;
	_ =	sdelay $0x2  }
0x104: {  	v62 =	vor.u32 $0x2, v1;
	_ =	sdelay $0x1  }
0x105: {  	v0 =	vsub.f32 v0, v61;
	_ =	sdelay $0x1  }
0x106: {  	[tilespmem:v60+s15+$0x0] =	vst.idx.msk $0xffff, v0  }
0x107: {  	v0 =	vld.idx.msk [tilespmem:v62+s13+$0x0], $0xffff  }
0x108: {  	v63 =	vld.idx.msk [tilespmem:v62+s14+$0x0], $0xffff;
	_ =	sdelay $0x1  }
0x109: {  	s0 =	sshll.u32 s22, $0x10  }
0x10a: {  	s0 =	sor.u32 s19, s0  }
.Ltmp11:
0x10b: {  	p0 =	slt.s32 s0, $0xC3100;
	(pc) =	sbr.rel .LBB2_13-.Ltmp11, $4  }
0x10c: {  	s0 =	simm.s32 @!p0 $0xC3100;
	v0 =	vsub.f32 v0, v63  }
0x10d: {  	s0 =	sand.u32 $0x1FFFFD00, s0  }
0x10e: {  	s0 =	sadd.s32 s9, s0;
	[tilespmem:v62+s15+$0x0] =	vst.idx.msk $0xffff, v0  }
0x10f: {  	[hbm4b:s0+s5] =	stream.linear.scatter [tilespmem:s15], [sflag:$0x7], $0x2000, $0x38;
	[tilespmem:$0x19200] =	vst v63  }
.LBB2_15:
0x110: {  	_ =	sfence.sel $0x180000  }
0x111: {  	[bflag:$0x0] =	sbarrier.arrive $0xFFFF  }
0x112: {  	_ =	strace $0x90000047  }
0x113: {  	s0 =	stileid.u32;
	[bflag:$0x2] =	sbarrier.arrive $0xFFFF  }
0x114: {  	p0 =	sne.s32 s0, $0x0;
	s0 =	rddreg [dreg:$0x5]  }
0x115: {  	s0 =	sadd.s32 @!p0 $0x100000, s0  }
0x116: {  	[sflag:s0] =	ssyncadd.tile.s32 @!p0 $0x1;
	_ =	shalt  }
.Lfunc_end2:
_tile_overlayer_lowered:
.L_overlay_start_2:
0x117: {  	(tag) =	ssettag $0x2  }
0x118: {  	s0 =	rddreg [dreg:$0x0];
	s2 =	stileid.u32  }
0x119: {  	s1 =	rddreg [dreg:$0x1];
	p0 =	sne.s32 s2, $0x0  }
0x11a: {  	s3 =	rddreg [dreg:$0x2];
	[bflag:$0x3] =	sbarrier.arrive $0xFFFF;
	s2 =	simm.s32 @!p0 $0x1C08  }
0x11b: {  	[timem:s3], [sflag:s2] =	dma.local @!p0 [hbm:s0], s1  }
0x11c: {  	s0 =	simm.s32 @!p0 $0x8  }
0x11d: {  	_ =	swait.ge @!p0 [sflag:s0], s1  }
0x11e: {  	s1 =	ssub.s32 @!p0 $0x0, s1;
	[sflag:s0] =	ssyncset.done @!p0 $0x0  }
0x11f: {  	[sflag:s0] =	ssyncadd.s32 @!p0 s1  }
0x120: {  	[bflag:$0x3] =	sbarrier.arrive $0xFFFF  }
0x121: {  	_ =	shalt  }

// kernel: kernel.9.cloned.1.call-start
scs
__scs_entry_jumppad:
0x0: {  	(pc) =	sbr.rel $0x88, $3  }
0x1: {  	(tag) =	ssettag $0x0;
	lr =	simm.s32 $0x1  }
0x2: {  	[smem:$0x3F9C] =	sst lr;
	_ =	strace $0xD0000000  }
0x3: {  	_ = 	snop  }
0x4: {  	_ = 	snop  }
0x5: {  	_ = 	snop  }
0x6: {  	_ = 	snop  }
0x7: {  	_ = 	snop  }
__scs_overlays_trampoline_lowered:
0x8: {  	[smem:$0x3FAB] =	sst s0  }
0x9: {  	[smem:$0x3FAC] =	sst s1  }
0xa: {  	[smem:$0x3FAD] =	sst s2  }
0xb: {  	[smem:$0x3FAE] =	sst s3  }
0xc: {  	[smem:$0x3FAF] =	sst s4  }
0xd: {  	[smem:$0x3FB0] =	sst s5  }
0xe: {  	[smem:$0x3FB1] =	sst s6  }
0xf: {  	[smem:$0x3FB2] =	sst s7  }
0x10: {  	[smem:$0x3FB3] =	sst s8  }
0x11: {  	[smem:$0x3FB4] =	sst s9;
	s0 =	simm.s32 @!p0 $0x0  }
0x12: {  	s1 =	sld [smem:$0x3F9A];
	s0 =	simm.s32 @p0 $0x1  }
0x13: {  	[smem:$0x3FB5] =	sst s0;
	s0 =	simm.s32 @!p1 $0x0  }
0x14: {  	s2 =	sld [smem:$0x3F99];
	s0 =	simm.s32 @p1 $0x1  }
0x15: {  	[smem:$0x3FB6] =	sst s0;
	s0 =	simm.s32 @!p2 $0x0  }
0x16: {  	s3 =	sld [smem:$0x3FDB];
	s0 =	simm.s32 @p2 $0x1  }
0x17: {  	s4 =	simm.s32 $0x1BF5;
	[smem:$0x3FB8] =	sst s0  }
0x18: {  	s0 =	sld [smem:$0x3F9B];
	_ =	swait.ge [sflag:s4], $0x0  }
0x19: {  	s7 =	sld [smem:$0x3F9C]  }
0x1a: {  	s8 =	sadd.s32 $0xFFFFE003, lr  }
0x1b: {  	s9 =	sadd.s32 $0xFFFFFEF7, lr;
	s5 =	simm.s32 $0xFFFFFFFF;
	p2 =	slt.u32 s8, $0xFFFFF086  }
0x1c: {  	p1 =	slt.u32 s9, $0xF7A;
	s5 =	simm.s32 @!p2 $0x0  }
0x1d: {  	s5 =	simm.s32 @p1 $0x1;
	p0 =	seq.s32 s7, s2  }
0x1e: {  	s7 =	smul.u32 @!p0 $0xF7A, s2;
	p2 =	seq.s32 @!p0 s5, $0x0  }
0x1f: {  	s9 =	smul.u32 $0xF7A, s1;
	s8 =	simm.s32 @!p0 $0x1BF5;
	p2 =	por !p2, p0  }
0x20: {  	[sflag:s8] =	ssyncset.s32 @!p0 $0xFFFFF086;
	s6 =	sadd.s32 @!p0 s3, s7;
	s7 =	simm.s32 @!p0 $0x108  }
0x21: {  	s3 =	sadd.s32 s3, s9;
	s6 =	sadd.s32 @!p0 $0x88, s6;
	s7 =	simm.s32 @p2 $0x1082  }
0x22: {  	[simem:s7], [sflag:s8] =	dma.local @!p0 [hbm:s6], $0xF7A  }
0x23: {  	s9 =	sor.u32 $0xD0000000, s2;
	s6 =	simm.s32 $0x108;
	_ =	swait.ge @!p0 [sflag:s8], $0x0  }
0x24: {  	s3 =	sadd.s32 $0x88, s3;
	s6 =	simm.s32 @!p1 $0x1082;
	[sflag:s4] =	ssyncset.s32 $0xFFFFF086  }
0x25: {  	[simem:s6], [sflag:s4] =	dma.local [hbm:s3], $0xF7A  }
0x26: {  	[smem:$0x3F9C] =	sst s1;
	(tag) =	ssettag s2;
	_ =	strace s9  }
0x27: {  	s1 =	sld [smem:$0x3FAC]  }
0x28: {  	s2 =	sld [smem:$0x3FAD]  }
0x29: {  	s4 =	sld [smem:$0x3FAF]  }
0x2a: {  	p0 =	seq.s32 s5, $0x0;
	s5 =	sld [smem:$0x3FB0]  }
0x2b: {  	s6 =	sld [smem:$0x3FB1]  }
0x2c: {  	s7 =	sld [smem:$0x3FB2]  }
0x2d: {  	s3 =	simm.s32 $0x108;
	s8 =	sld [smem:$0x3FB3]  }
0x2e: {  	s3 =	simm.s32 @!p0 $0x1082;
	s9 =	sld [smem:$0x3FB4]  }
0x2f: {  	lr =	sadd.s32 s0, s3;
	s0 =	sld [smem:$0x3FAB]  }
0x30: {  	s3 =	sld [smem:$0x3FAE]  }
0x31: {  	[smem:$0x3FB7] =	sst s10  }
0x32: {  	s10 =	sld [smem:$0x3FB5];
	_ =	sdelay $0x3  }
0x33: {  	p0 =	seq.s32 s10, $0x1;
	s10 =	sld [smem:$0x3FB7];
	_ =	sdelay $0x3  }
0x34: {  	[smem:$0x3FB7] =	sst s10  }
0x35: {  	s10 =	sld [smem:$0x3FB6];
	_ =	sdelay $0x3  }
0x36: {  	p1 =	seq.s32 s10, $0x1;
	s10 =	sld [smem:$0x3FB7];
	_ =	sdelay $0x3  }
0x37: {  	[smem:$0x3FB7] =	sst s10  }
0x38: {  	s10 =	sld [smem:$0x3FB8]  }
0x39: {  	_ = 	snop;
	(pc) =	sbr.ind lr, $3  }
0x3a: {  	_ = 	snop  }
0x3b: {  	_ = 	snop  }
0x3c: {  	p2 =	seq.s32 s10, $0x1;
	s10 =	sld [smem:$0x3FB7]  }
0x3d: {  	_ =	shalt  }
0x3e: {  	_ =	shalt  }
0x3f: {  	_ =	shalt  }
0x40: {  	_ =	shalt  }
0x41: {  	_ =	shalt  }
0x42: {  	_ =	shalt  }
0x43: {  	_ =	shalt  }
0x44: {  	_ =	shalt  }
0x45: {  	_ =	shalt  }
0x46: {  	_ =	shalt  }
0x47: {  	_ =	shalt  }
0x48: {  	_ =	shalt  }
0x49: {  	_ =	shalt  }
0x4a: {  	_ =	shalt  }
0x4b: {  	_ =	shalt  }
0x4c: {  	_ =	shalt  }
0x4d: {  	_ =	shalt  }
0x4e: {  	_ =	shalt  }
0x4f: {  	_ =	shalt  }
0x50: {  	_ =	shalt  }
0x51: {  	_ =	shalt  }
0x52: {  	_ =	shalt  }
0x53: {  	_ =	shalt  }
0x54: {  	_ =	shalt  }
0x55: {  	_ =	shalt  }
0x56: {  	_ =	shalt  }
0x57: {  	_ =	shalt  }
0x58: {  	_ =	shalt  }
0x59: {  	_ =	shalt  }
0x5a: {  	_ =	shalt  }
0x5b: {  	_ =	shalt  }
0x5c: {  	_ =	shalt  }
0x5d: {  	_ =	shalt  }
0x5e: {  	_ =	shalt  }
0x5f: {  	_ =	shalt  }
0x60: {  	_ =	shalt  }
0x61: {  	_ =	shalt  }
0x62: {  	_ =	shalt  }
0x63: {  	_ =	shalt  }
0x64: {  	_ =	shalt  }
0x65: {  	_ =	shalt  }
0x66: {  	_ =	shalt  }
0x67: {  	_ =	shalt  }
0x68: {  	_ =	shalt  }
0x69: {  	_ =	shalt  }
0x6a: {  	_ =	shalt  }
0x6b: {  	_ =	shalt  }
0x6c: {  	_ =	shalt  }
0x6d: {  	_ =	shalt  }
0x6e: {  	_ =	shalt  }
0x6f: {  	_ =	shalt  }
0x70: {  	_ =	shalt  }
0x71: {  	_ =	shalt  }
0x72: {  	_ =	shalt  }
0x73: {  	_ =	shalt  }
0x74: {  	_ =	shalt  }
0x75: {  	_ =	shalt  }
0x76: {  	_ =	shalt  }
0x77: {  	_ =	shalt  }
0x78: {  	_ =	shalt  }
0x79: {  	_ =	shalt  }
0x7a: {  	_ =	shalt  }
0x7b: {  	_ =	shalt  }
0x7c: {  	_ =	shalt  }
0x7d: {  	_ =	shalt  }
0x7e: {  	_ =	shalt  }
0x7f: {  	_ =	shalt  }
0x80: {  	_ =	shalt  }
0x81: {  	_ =	shalt  }
0x82: {  	_ =	shalt  }
0x83: {  	_ =	shalt  }
0x84: {  	_ =	shalt  }
0x85: {  	_ =	shalt  }
0x86: {  	_ =	shalt  }
0x87: {  	_ =	shalt  }
.Lfunc_end0:
.L_simem_size_0:
called_computation.1_lowered:
.L_overlay_start_0:
0x88: {  	s2 =	sld [smem:$0x3FD9]  }
0x89: {  	s3 =	sld [smem:$0x3FFE];
	_ =	sdelay $0x1  }
0x8a: {  	s1 =	srdreg.scid  }
0x8b: {  	s0 =	sand.u32 $0x1, s1  }
0x8c: {  	s14 =	sshll.u32 s0, $0xA;
	s2 =	sadd.s32 s3, s2  }
0x8d: {  	s2 =	sadd.s32 s2, s14  }
0x8e: {  	[smem:$0x3FC3] =	sst s2  }
0x8f: {  	_ = 	snop  }
0x90: {  	s2 =	sld [smem:$0x3FD0];
	_ =	sdelay $0x2  }
0x91: {  	s15 =	simm.s32 $0xA;
	s4 =	simm.s32 $0x10  }
0x92: {  	[smem:s4], [sflag:s15] =	dma.local [hbm:s2], $0x1  }
0x93: {  	_ =	swait.eq [sflag:s15], $0x1  }
0x94: {  	[sflag:s15] =	ssyncset.done $0x0  }
0x95: {  	[sflag:s15] =	ssyncadd.s32 $0xFFFFFFFF  }
0x96: {  	s16 =	sld [smem:$0x12];
	(tm) =	ssettm $0x1  }
0x97: {  	s17 =	sld [smem:$0x3FFB];
	_ =	sdelay $0x3  }
0x98: {  	_ =	strace s17  }
0x99: {  	s3 =	sld [smem:$0x3FFC];
	_ =	sdelay $0x3  }
0x9a: {  	_ =	strace s3  }
0x9b: {  	s3 =	sld [smem:$0x3FFD];
	_ =	sdelay $0x3  }
0x9c: {  	_ =	strace s3  }
0x9d: {  	_ =	strace $0x8FFFFFFF  }
0x9e: {  	s18 =	sld [smem:$0x3FDB];
	_ =	sdelay $0x1  }
0x9f: {  	s19 =	simm.s32 $_scs_section_size  }
0xa0: {  	s5 =	simm.s32 $_size__tile_overlayer_lowered;
	s6 =	simm.s32 $_tile_overlayer_lowered  }
0xa1: {  	s22 =	simm.s32 $0x1BFF;
	s21 =	sshll.u32 s6, $0x1;
	s3 =	sadd.s32 s19, s18  }
0xa2: {  	s7 =	simm.s32 $0x0;
	s20 =	sshll.u32 s5, $0x1;
	s5 =	sadd.s32 s21, s3  }
0xa3: {  	[timem:s7], [sflag:s22] =	dma.local [hbm:s5], s20  }
0xa4: {  	_ =	swait.ge [sflag:s22], s20  }
0xa5: {  	s4 =	ssub.s32 $0x0, s20;
	[sflag:s22] =	ssyncset.done $0x0  }
0xa6: {  	[sflag:s22] =	ssyncadd.s32 s4;
	_ =	sdelay $0x1  }
0xa7: {  	s23 =	simm.s32 $0x1B8B  }
0xa8: {  	_ =	swait.ge [sflag:s23], $0x1  }
0xa9: {  	[sflag:s23] =	ssyncset.done $0x0  }
0xaa: {  	s25 =	simm.s32 $0x1B8E;
	s24 =	sld [smem:$0x3FFE];
	[sflag:s23] =	ssyncadd.s32 $0xFFFFFFFF  }
0xab: {  	s26 =	simm.s32 $execute0_lowered;
	[smem:$0x3FD2] =	sst s25  }
0xac: {  	s5 =	sshll.u32 s26, $0x1;
	_ =	strace $0x80000049;
	[dreg:$0x1] =	wrdreg $0xFFFFFFFF  }
0xad: {  	s28 =	simm.s32 $_size_execute0_lowered;
	s3 =	sadd.s32 s3, s5;
	[dreg:$0x0] =	wrdreg $0x0  }
0xae: {  	s5 =	sshll.u32 s28, $0x1;
	[dreg:$0x2] =	wrdreg s3  }
0xaf: {  	[dreg:$0x3] =	wrdreg s5  }
0xb0: {  	[dreg:$0x4] =	wrdreg $0xC0  }
0xb1: {  	_ =	task [dreg:s7], $0x5FFFF  }
0xb2: {  	[dreg:$0x1] =	wrdreg $0xFFFFFFFF  }
0xb3: {  	[dreg:$0x0] =	wrdreg $0x60  }
0xb4: {  	[dreg:$0x2] =	wrdreg s24  }
0xb5: {  	[dreg:$0x3] =	wrdreg s16  }
0xb6: {  	[dreg:$0x4] =	wrdreg $0x9  }
0xb7: {  	_ =	task.clear_ibuf [dreg:s7], $0x5FFFF;
	_ =	strace $0x90000049  }
0xb8: {  	s29 =	simm.s32 $0x9;
	_ =	strace $0x8000004B  }
0xb9: {  	_ =	swait.ge [sflag:s29], $0x1  }
0xba: {  	[sflag:s29] =	ssyncadd.s32 $0xFFFFFFFF  }
0xbb: {  	_ =	strace $0x9000004B  }
0xbc: {  	_ =	sfence  }
0xbd: {  	s30 =	sld [smem:$0x0];
	_ =	sdelay $0x2  }
0xbe: {  	s31 =	sshll.u32 s1, $0xD;
	s1 =	sshrl.u32 s1, $0x2  }
0xbf: {  	s3 =	sand.u32 $0x4000, s31;
	s1 =	sadd.s32 s1, s30  }
0xc0: {  	s0 =	sor.u32 s3, s0;
	s1 =	sshll.u32 s1, $0x11  }
0xc1: {  	s0 =	sor.u32 s1, s0  }
0xc2: {  	s0 =	sadd.s32 $0x8F2B, s0  }
0xc3: {  	[sflag:s0] =	ssyncadd.remote.s32 $0x1  }
0xc4: {  	_ =	sfence.sel $0xFFFF  }
0xc5: {  	[dreg:$0x0] =	wrdreg $0xFFFFFFFF;
	(pc) =	sbr.abs _section_cstart, $3  }
0xc6: {  	[dreg:$0x1] =	wrdreg $0xFFFFFFFF  }
0xc7: {  	_ =	task.clear_ibuf [dreg:s7], $0x2FFFF;
	_ =	strace $0x9FFFFFFF  }
0xc8: {  	(tm) =	ssettm $0x7FFFFFFF  }
0xc9: {  	_ =	shalt  }
tec
execute0_lowered:
.L_overlay_start_1:
0x0: {  	(tag) =	ssettag $0x1  }
0x1: {  	s0 =	rddreg [dreg:$0x0]  }
0x2: {  	s1 =	rddreg [dreg:$0x1];
	s3 =	simm.s32 $0x0;
	s2 =	srdreg.scid  }
0x3: {  	s4 =	stileid.u32;
	s28 =	simm.s32 $0x1000;
	s29 =	simm.s32 $0x5000  }
0x4: {  	s31 =	simm.s32 $0xA800;
	[smem:$0x7FF] =	sst s3;
	s2 =	sand.u32 $0x1, s2  }
0x5: {  	s5 =	sshll.u32 s4, $0x1;
	s4 =	sadd.s32 $0x133600, s0;
	s6 =	sadd.s32 $0x2600, s0  }
0x6: {  	s7 =	sadd.s32 $0xD1A00, s0;
	s8 =	ssub.s32 $0x2, s2;
	s5 =	sor.u32 s2, s5  }
0x7: {  	_ =	strace $0x8000004A;
	s19 =	sshrl.u32 s8, $0x1;
	s9 =	ssub.s32 $0x61A, s5  }
0x8: {  	s21 =	sshll.u32 s5, $0x8;
	s20 =	ssub.s32 s8, s19;
	s8 =	sshrl.u32 s9, $0x5  }
0x9: {  	s9 =	sshll.u32 s5, $0xB;
	s11 =	sadd.s32 s6, s21;
	s22 =	sor.u32 $0x2000, s21  }
0xa: {  	s13 =	sadd.s32 s7, s21;
	s2 =	sor.u32 $0x4000, s21;
	[dreg:$0x3] =	wrdreg s11  }
0xb: {  	s21 =	simm.s32 $0x0;
	[dreg:$0x4] =	wrdreg s13;
	s23 =	sadd.s32 s6, s22  }
0xc: {  	s10 =	smul.u32 $0x56, s8;
	s11 =	sadd.s32 s7, s22;
	[dreg:$0x5] =	wrdreg s23  }
0xd: {  	s12 =	smul.u32 $0xAB, s8;
	s14 =	sadd.s32 s6, s2;
	[dreg:$0x6] =	wrdreg s11  }
0xe: {  	s2 =	sadd.s32 s7, s2;
	s16 =	sadd.s32 $0xFFFFFFFE, s8;
	[dreg:$0x7] =	wrdreg s14  }
0xf: {  	s0 =	smax.u32 s20, $0x1;
	s19 =	sadd.s32 $0xFFFFFFFD, s8;
	[dreg:$0x8] =	wrdreg s2  }
0x10: {  	s20 =	sadd.s32 $0xFFFFFFFC, s8;
	[dreg:$0x9] =	wrdreg s0;
	s14 =	simm.s32 $0x9000  }
0x11: {  	s24 =	sshrl.u32 s10, $0x8;
	s25 =	sadd.s32 $0xFFFFFF55, s12;
	s12 =	sadd.s32 $0xFFFFFEAA, s12  }
0x12: {  	s10 =	sadd.s32 $0x102, s10;
	s11 =	smul.u32 $0x3, s24;
	s13 =	sshrl.u32 s25, $0x9  }
0x13: {  	s12 =	sshrl.u32 s12, $0x9;
	s17 =	sshrl.u32 s10, $0x8;
	s13 =	smul.u32 $0x3, s13  }
0x14: {  	s24 =	simm.s32 $0x12800;
	s25 =	simm.s32 $0x8;
	s12 =	sand.u32 $0x7F, s12  }
0x15: {  	s26 =	smul.u32 $0x3, s12;
	s11 =	ssub.s32 s8, s11;
	s30 =	sxor.u32 $0xFFFFFFFF, s13  }
0x16: {  	s0 =	sand.u32 $0xFF, s11;
	s11 =	simm.s32 $0x18000;
	s13 =	simm.s32 $0x2  }
0x17: {  	s12 =	sadd.s32 s8, s30;
	s2 =	ssub.s32 s16, s26;
	p0 =	seq.s32 s0, $0x0  }
.Ltmp0:
0x18: {  	s10 =	sand.u32 $0xFF, s12;
	p3 =	seq.s32 @!p0 s0, $0x2;
	(pc) =	sbr.rel .LBB2_1-.Ltmp0, $4  }
0x19: {  	s0 =	sand.u32 $0xFF, s2;
	s2 =	simm.s32 $0x5;
	s12 =	simm.s32 $0x1C000  }
0x1a: {  	p1 =	seq.s32 s10, $0x0;
	p2 =	seq.s32 s0, $0x0;
	p3 =	por !p3, p0  }
0x1b: {  	p4 =	seq.s32 @!p1 s10, $0x2;
	p5 =	seq.s32 @!p2 s0, $0x2;
	s0 =	simm.s32 $0xE800  }
0x1c: {  	s10 =	simm.s32 $0x14000;
	p4 =	por !p4, p1;
	p5 =	por !p5, p2  }
.LBB2_15:
0x1d: {  	s18 =	simm.s32 @!p3 $0x9  }
0x1e: {  	s18 =	simm.s32 @p3 $0x6  }
0x1f: {  	s18 =	simm.s32 @p0 $0x3  }
0x20: {  	s21 =	rddreg [dreg:$0xa];
	s15 =	simm.s32 @!p4 $0x9;
	_ =	swait.ge [sflag:s18], $0x800  }
0x21: {  	s15 =	simm.s32 @p4 $0x6;
	[sflag:s18] =	ssyncset.done $0x0  }
0x22: {  	s15 =	simm.s32 @p1 $0x3;
	[sflag:s18] =	ssyncadd.s32 $0xFFFFF800  }
0x23: {  	s18 =	simm.s32 @!p5 $0x9;
	_ =	swait.ge [sflag:s15], $0x800  }
0x24: {  	s18 =	simm.s32 @p5 $0x6;
	[sflag:s15] =	ssyncset.done $0x0  }
0x25: {  	s18 =	simm.s32 @p2 $0x3;
	[sflag:s15] =	ssyncadd.s32 $0xFFFFF800  }
0x26: {  	_ =	swait.ge [sflag:s18], $0x800  }
0x27: {  	s21 =	sadd.s32 $0x1, s21;
	s30 =	rddreg [dreg:$0x9]  }
0x28: {  	p6 =	sne.s32 s21, s30  }
.Ltmp1:
0x29: {  	_ = 	snop;
	(pc) =	sbr.rel @!p6 .LBB2_16-.Ltmp1, $3  }
0x2a: {  	_ =	sdelay $0x1  }
0x2b: {  	[sflag:s18] =	ssyncset.done $0x0  }
0x2c: {  	[sflag:s18] =	ssyncadd.s32 $0xFFFFF800  }
.LBB2_1:
0x2d: {  	[dreg:$0xa] =	wrdreg s21  }
0x2e: {  	s15 =	rddreg [dreg:$0x3]  }
0x2f: {  	[tilespmem:s3], [sflag:$0x1] =	stream.linear.gather [hbm4b:s15+s3], $0x800, $0x38;
	[tilespmem:$0x1C800] =	vst v63  }
0x30: {  	s22 =	rddreg [dreg:$0x4];
	s18 =	simm.s32 $0x800  }
0x31: {  	[tilespmem:s18], [sflag:$0x1] =	stream.linear.gather [hbm4b:s22+s3], $0x800, $0x38;
	[tilespmem:$0x1C800] =	vst v63  }
0x32: {  	s23 =	rddreg [dreg:$0x5];
	s21 =	simm.s32 $0x9800  }
0x33: {  	[tilespmem:s21], [sflag:$0x4] =	stream.linear.gather [hbm4b:s23+s3], $0x800, $0x38;
	[tilespmem:$0x1C800] =	vst v63  }
0x34: {  	s26 =	rddreg [dreg:$0x6];
	s22 =	simm.s32 $0xA000  }
0x35: {  	[tilespmem:s22], [sflag:$0x4] =	stream.linear.gather [hbm4b:s26+s3], $0x800, $0x38;
	[tilespmem:$0x1C800] =	vst v63  }
0x36: {  	s30 =	rddreg [dreg:$0x7];
	s23 =	simm.s32 $0x13000  }
0x37: {  	[tilespmem:s23], [sflag:$0x7] =	stream.linear.gather [hbm4b:s30+s3], $0x800, $0x38;
	[tilespmem:$0x1C800] =	vst v63  }
0x38: {  	s26 =	rddreg [dreg:$0x8];
	s30 =	simm.s32 $0x13800  }
0x39: {  	[tilespmem:s30], [sflag:$0x7] =	stream.linear.gather [hbm4b:s26+s3], $0x800, $0x38;
	[tilespmem:$0x1C800] =	vst v63  }
0x3a: {  	s26 =	simm.s32 $0x1  }
0x3b: {  	_ =	swait.ge [sflag:s26], $0x800  }
0x3c: {  	[sflag:s26] =	ssyncset.done $0x0  }
0x3d: {  	[sflag:s26] =	ssyncadd.s32 $0xFFFFF800  }
0x3e: {  	_ =	swait.ge [sflag:s26], $0x800  }
0x3f: {  	[sflag:s26] =	ssyncset.done $0x0  }
0x40: {  	[sflag:s26] =	ssyncadd.s32 $0xFFFFF800  }
0x41: {  	[tilespmem:s28], [sflag:$0x2] =	stream.indirect.gather [hbm4b:s4+s18], $0x8, s3, s18, $0xb8;
	[tilespmem:$0x1C800] =	vst v63  }
0x42: {  	s30 =	simm.s32 $0x4  }
0x43: {  	[tilespmem:s29], [sflag:$0x2] =	stream.indirect.gather [hbm4b:s4+s18], $0x8, s18, s18, $0xb8;
	[tilespmem:$0x1C800] =	vst v63  }
0x44: {  	_ =	swait.ge [sflag:s30], $0x800  }
0x45: {  	[sflag:s30] =	ssyncset.done $0x0  }
0x46: {  	[sflag:s30] =	ssyncadd.s32 $0xFFFFF800  }
0x47: {  	_ =	swait.ge [sflag:s30], $0x800  }
0x48: {  	[sflag:s30] =	ssyncset.done $0x0  }
.Ltmp2:
0x49: {  	[sflag:s30] =	ssyncadd.s32 $0xFFFFF800;
	(pc) =	sbr.rel .LBB2_2-.Ltmp2, $4  }
0x4a: {  	[tilespmem:s31], [sflag:$0x5] =	stream.indirect.gather [hbm4b:s4+s18], $0x8, s21, s18, $0xb8;
	[tilespmem:$0x1C800] =	vst v63  }
0x4b: {  	_ = 	snop  }
0x4c: {  	[tilespmem:s0], [sflag:$0x5] =	stream.indirect.gather [hbm4b:s4+s18], $0x8, s22, s18, $0xb8;
	[tilespmem:$0x1C800] =	vst v63  }
0x4d: {  	s22 =	simm.s32 $0x0  }
.LBB2_14:
0x4e: {  	s22 =	sadd.s32 $0x1, s22  }
0x4f: {  	p6 =	sne.s32 s22, s17  }
.Ltmp3:
0x50: {  	_ = 	snop;
	(pc) =	sbr.rel @!p6 .LBB2_15-.Ltmp3, $1  }
0x51: {  	_ =	sdelay $0x3  }
.LBB2_2:
0x52: {  	s23 =	smul.u32 $0x3, s22;
	_ =	sdelay $0x1  }
0x53: {  	p6 =	sgt.u32 s23, s8  }
.Ltmp4:
0x54: {  	_ = 	snop;
	(pc) =	sbr.rel @p6 .LBB2_6-.Ltmp4, $1  }
0x55: {  	_ =	sdelay $0x3  }
0x56: {  	s18 =	sadd.s32 $0x3, s23  }
0x57: {  	_ =	swait.ge [sflag:s13], $0x4000;
	p6 =	sgt.u32 s18, s8  }
0x58: {  	[sflag:s13] =	ssyncset.done $0x0;
	s18 =	sshll.u32 @!p6 s18, $0x10  }
0x59: {  	[sflag:s13] =	ssyncadd.s32 $0xFFFFC000;
	s18 =	sor.u32 @!p6 s9, s18  }
0x5a: {  	_ =	swait.ge [sflag:s13], $0x4000;
	s18 =	smin.u32 @!p6 s18, $0x30CC00  }
0x5b: {  	[sflag:s13] =	ssyncset.done $0x0;
	s18 =	sshrl.u32 @!p6 s18, $0x3  }
0x5c: {  	s26 =	simm.s32 @!p6 $0x0;
	[sflag:s13] =	ssyncadd.s32 $0xFFFFC000;
	s21 =	sadd.s32 @!p6 s6, s18  }
0x5d: {  	[tilespmem:s26], [sflag:$0x1] =	stream.linear.gather @!p6 [hbm4b:s21+s26], $0x800, $0x38;
	[tilespmem:$0x1C800] =	vst v63  }
0x5e: {  	s18 =	sadd.s32 @!p6 s7, s18;
	s21 =	simm.s32 @!p6 $0x800  }
0x5f: {  	[tilespmem:s21], [sflag:$0x1] =	stream.linear.gather @!p6 [hbm4b:s18+s26], $0x800, $0x38;
	[tilespmem:$0x1C800] =	vst v63  }
0x60: {  	p6 =	sgt.u32 s23, s16  }
0x61: {  	s18 =	simm.s32 @!p6 $0x7  }
0x62: {  	_ =	swait.ge @!p6 [sflag:s18], $0x800  }
0x63: {  	[sflag:s18] =	ssyncset.done @!p6 $0x0  }
0x64: {  	[sflag:s18] =	ssyncadd.s32 @!p6 $0xFFFFF800  }
0x65: {  	_ =	swait.ge @!p6 [sflag:s18], $0x800  }
0x66: {  	s21 =	simm.s32 @!p6 $0x13000;
	[sflag:s18] =	ssyncset.done @!p6 $0x0  }
0x67: {  	s26 =	simm.s32 @!p6 $0x14000;
	[sflag:s18] =	ssyncadd.s32 @!p6 $0xFFFFF800;
	s18 =	simm.s32 @!p6 $0x800  }
0x68: {  	[tilespmem:s26], [sflag:$0x8] =	stream.indirect.gather @!p6 [hbm4b:s4+s18], $0x8, s21, s18, $0xb8;
	[tilespmem:$0x1C800] =	vst v63  }
0x69: {  	s21 =	simm.s32 @!p6 $0x13800;
	s26 =	simm.s32 @!p6 $0x18000  }
0x6a: {  	v0 =	vlaneseq.u32;
	[tilespmem:s26], [sflag:$0x8] =	stream.indirect.gather @!p6 [hbm4b:s4+s18], $0x8, s21, s18, $0xb8;
	[tilespmem:$0x1C800] =	vst v63  }
0x6b: {  	v1 =	vshll.u32 v0, $0x3;
	p6 =	seq.s32 s22, $0x0  }
0x6c: {  	s18 =	simm.s32 @!p6 $0x3  }
0x6d: {  	v2 =	vor.u32 $0x1, v1;
	_ =	swait.ge @!p6 [sflag:s18], $0x800  }
0x6e: {  	[sflag:s18] =	ssyncset.done @!p6 $0x0  }
0x6f: {  	v3 =	vor.u32 $0x2, v1;
	[sflag:s18] =	ssyncadd.s32 @!p6 $0xFFFFF800  }
0x70: {  	v4 =	vld.idx.msk [tilespmem:v1+s29+$0x0], $0xffff  }
0x71: {  	v1 =	vld.idx.msk [tilespmem:v1+s28+$0x0], $0xffff  }
0x72: {  	v5 =	vld.idx.msk [tilespmem:v2+s29+$0x0], $0xffff  }
0x73: {  	v2 =	vld.idx.msk [tilespmem:v2+s28+$0x0], $0xffff  }
0x74: {  	v6 =	vld.idx.msk [tilespmem:v3+s29+$0x0], $0xffff  }
0x75: {  	v3 =	vld.idx.msk [tilespmem:v3+s28+$0x0], $0xffff;
	_ =	sdelay $0x1  }
0x76: {  	v7 =	vmul.f32 v1, v1;
	v8 =	vmul.f32 v4, v4  }
0x77: {  	v9 =	vmul.f32 v2, v2;
	v10 =	vmul.f32 v5, v5  }
0x78: {  	v11 =	vmul.f32 v6, v6  }
0x79: {  	v62 =	vmul.f32 v3, v3;
	v7 =	vadd.f32 v9, v7;
	v8 =	vadd.f32 v10, v8;
	_ =	sdelay $0x1  }
0x7a: {  	v7 =	vadd.f32 v62, v7;
	v8 =	vadd.f32 v11, v8;
	_ =	sdelay $0x1  }
0x7b: {  	v7 =	vmul.f32 v8, v7;
	_ =	sdelay $0x1  }
0x7c: {  	v8 =	vshrl.u32 v7, $0x1;
	v7 =	vmul.f32 $5.000000000e-01, v7  }
0x7d: {  	v8 =	vsub.s32 $0x5F3759DF, v8  }
0x7e: {  	v63 =	vmul.f32 v8, v7;
	_ =	sdelay $0x1  }
0x7f: {  	v9 =	vmul.f32 v8, v63;
	_ =	sdelay $0x1  }
0x80: {  	v9 =	vsub.f32 $1.500000000e+00, v9;
	_ =	sdelay $0x1  }
0x81: {  	v8 =	vmul.f32 v8, v9  }
0x82: {  	v1 =	vmul.f32 v4, v1  }
0x83: {  	v2 =	vmul.f32 v5, v2;
	v4 =	vmul.f32 v8, v7;
	_ =	sdelay $0x1  }
0x84: {  	v1 =	vadd.f32 v2, v1;
	v2 =	vmul.f32 v6, v3;
	v3 =	vmul.f32 v4, v8;
	_ =	sdelay $0x1  }
0x85: {  	v1 =	vadd.f32 v2, v1;
	v2 =	vsub.f32 $1.500000000e+00, v3;
	_ =	sdelay $0x1  }
0x86: {  	v1 =	vsub.f32 $0.0e+00, v1;
	v2 =	vmul.f32 v2, v8;
	_ =	sdelay $0x1  }
0x87: {  	v0 =	vadd.s32 $0x10, v0;
	v3 =	vmul.f32 v2, v1  }
0x88: {  	v1 =	vshll.u32 v0, $0x3  }
0x89: {  	s21 =	simm.s32 $0x0;
	s26 =	simm.s32 $0x80;
	s18 =	simm.s32 $0x40;
	v2 =	vor.u32 $0x1, v1;
	v3 =	vmax.f32 v3, $-1.000000000e+00  }
.LBB2_4:
0x8a: {  	p6 =	sne.s32 s26, $0x1FC0;
	v3 =	vmin.f32 v3, $1.000000000e+00;
	s30 =	sshra.s32 s21, $0x2;
	s21 =	smov.u32 s18  }
0x8b: {  	v4 =	vor.u32 $0x2, v1;
	s18 =	smov.u32 s26;
	[tilespmem:s30+$0x9000] =	vst v3  }
0x8c: {  	v3 =	vld.idx.msk [tilespmem:v1+s29+$0x0], $0xffff  }
0x8d: {  	v1 =	vld.idx.msk [tilespmem:v1+s28+$0x0], $0xffff  }
0x8e: {  	v5 =	vld.idx.msk [tilespmem:v2+s29+$0x0], $0xffff  }
0x8f: {  	v2 =	vld.idx.msk [tilespmem:v2+s28+$0x0], $0xffff  }
0x90: {  	v6 =	vld.idx.msk [tilespmem:v4+s29+$0x0], $0xffff  }
0x91: {  	v4 =	vld.idx.msk [tilespmem:v4+s28+$0x0], $0xffff;
	_ =	sdelay $0x2  }
0x92: {  	v8 =	vmul.f32 v3, v3;
	v7 =	vmul.f32 v1, v1  }
0x93: {  	v10 =	vmul.f32 v5, v5;
	v9 =	vmul.f32 v2, v2  }
0x94: {  	v11 =	vmul.f32 v6, v6  }
0x95: {  	v8 =	vadd.f32 v10, v8;
	v7 =	vadd.f32 v9, v7;
	v9 =	vmul.f32 v4, v4;
	_ =	sdelay $0x1  }
0x96: {  	v8 =	vadd.f32 v11, v8;
	v7 =	vadd.f32 v9, v7;
	_ =	sdelay $0x1  }
0x97: {  	v7 =	vmul.f32 v8, v7;
	_ =	sdelay $0x1  }
0x98: {  	v8 =	vshrl.u32 v7, $0x1;
	v7 =	vmul.f32 $5.000000000e-01, v7  }
0x99: {  	v8 =	vsub.s32 $0x5F3759DF, v8  }
0x9a: {  	v9 =	vmul.f32 v8, v7;
	_ =	sdelay $0x1  }
0x9b: {  	v9 =	vmul.f32 v8, v9;
	_ =	sdelay $0x1  }
0x9c: {  	v9 =	vsub.f32 $1.500000000e+00, v9;
	_ =	sdelay $0x1  }
0x9d: {  	v8 =	vmul.f32 v8, v9  }
0x9e: {  	v1 =	vmul.f32 v3, v1  }
0x9f: {  	v2 =	vmul.f32 v5, v2;
	v3 =	vmul.f32 v8, v7;
	_ =	sdelay $0x1  }
0xa0: {  	v1 =	vadd.f32 v2, v1;
	v2 =	vmul.f32 v6, v4;
	v3 =	vmul.f32 v3, v8;
	_ =	sdelay $0x1  }
0xa1: {  	v1 =	vadd.f32 v2, v1;
	v2 =	vsub.f32 $1.500000000e+00, v3;
	_ =	sdelay $0x1  }
.Ltmp5:
0xa2: {  	v3 =	vsub.f32 $0.0e+00, v1;
	v2 =	vmul.f32 v2, v8;
	(pc) =	sbr.rel @p6 .LBB2_4-.Ltmp5, $3  }
0xa3: {  	v0 =	vadd.s32 $0x10, v0  }
0xa4: {  	v1 =	vshll.u32 v0, $0x3;
	v3 =	vmul.f32 v2, v3;
	_ =	sdelay $0x1  }
0xa5: {  	s26 =	sadd.s32 $0x40, s26;
	v2 =	vor.u32 $0x1, v1;
	v3 =	vmax.f32 v3, $-1.000000000e+00  }
0xa6: {  	_ =	sdelay $0x1  }
0xa7: {  	v0 =	vmin.f32 v3, $1.000000000e+00;
	s21 =	sshra.s32 s21, $0x2  }
0xa8: {  	v55 =	vor.u32 $0x2, v1;
	[tilespmem:s21+$0x9000] =	vst v0  }
0xa9: {  	v0 =	vld.idx.msk [tilespmem:v1+s29+$0x0], $0xffff  }
0xaa: {  	v56 =	vld.idx.msk [tilespmem:v1+s28+$0x0], $0xffff  }
0xab: {  	v57 =	vld.idx.msk [tilespmem:v2+s28+$0x0], $0xffff  }
0xac: {  	v4 =	vld.idx.msk [tilespmem:v2+s29+$0x0], $0xffff  }
0xad: {  	v5 =	vld.idx.msk [tilespmem:v55+s29+$0x0], $0xffff  }
0xae: {  	v3 =	vld.idx.msk [tilespmem:v55+s28+$0x0], $0xffff;
	_ =	sdelay $0x1  }
0xaf: {  	v6 =	vmul.f32 v56, v56;
	v8 =	vmul.f32 v57, v57  }
0xb0: {  	v7 =	vmul.f32 v0, v0;
	v9 =	vmul.f32 v4, v4  }
0xb1: {  	v6 =	vadd.f32 v8, v6  }
0xb2: {  	v7 =	vadd.f32 v9, v7;
	v10 =	vmul.f32 v5, v5;
	v58 =	vmul.f32 v3, v3;
	_ =	sdelay $0x1  }
0xb3: {  	v6 =	vadd.f32 v58, v6;
	v7 =	vadd.f32 v10, v7;
	_ =	sdelay $0x1  }
0xb4: {  	v6 =	vmul.f32 v7, v6;
	_ =	sdelay $0x1  }
0xb5: {  	v7 =	vshrl.u32 v6, $0x1;
	v6 =	vmul.f32 $5.000000000e-01, v6  }
0xb6: {  	v7 =	vsub.s32 $0x5F3759DF, v7  }
0xb7: {  	v59 =	vmul.f32 v7, v6;
	_ =	sdelay $0x1  }
0xb8: {  	v8 =	vmul.f32 v7, v59;
	_ =	sdelay $0x1  }
0xb9: {  	v8 =	vsub.f32 $1.500000000e+00, v8;
	_ =	sdelay $0x1  }
0xba: {  	v7 =	vmul.f32 v7, v8  }
0xbb: {  	v0 =	vmul.f32 v0, v56  }
0xbc: {  	v60 =	vmul.f32 v4, v57;
	v61 =	vmul.f32 v7, v6;
	_ =	sdelay $0x1  }
0xbd: {  	v0 =	vadd.f32 v60, v0;
	v62 =	vmul.f32 v5, v3;
	v2 =	vmul.f32 v61, v7;
	_ =	sdelay $0x1  }
0xbe: {  	v0 =	vadd.f32 v62, v0;
	v63 =	vsub.f32 $1.500000000e+00, v2  }
0xbf: {  	s26 =	smul.u32 $0x60, s22  }
0xc0: {  	v0 =	vsub.f32 $0.0e+00, v0;
	v1 =	vmul.f32 v63, v7  }
0xc1: {  	s21 =	sor.u32 s5, s26  }
0xc2: {  	s21 =	sshll.u32 s21, $0xB;
	v0 =	vmul.f32 v1, v0  }
0xc3: {  	p6 =	slt.s32 s21, $0x30CC00  }
0xc4: {  	s21 =	simm.s32 @!p6 $0x30CC00;
	v0 =	vmax.f32 v0, $-1.000000000e+00  }
0xc5: {  	s18 =	sshra.s32 s18, $0x2;
	s21 =	sshrl.u32 s21, $0x3;
	v0 =	vmin.f32 v0, $1.000000000e+00  }
0xc6: {  	s30 =	sadd.s32 s1, s21;
	[tilespmem:s18+$0x9000] =	vst v0  }
0xc7: {  	[hbm4b:s30+s3] =	stream.linear.scatter [tilespmem:s14], [sflag:$0x3], $0x800, $0x38;
	[tilespmem:$0x1C800] =	vst v63  }
.LBB2_6:
0xc8: {  	p6 =	sge.u32 s23, s8  }
.Ltmp6:
0xc9: {  	_ = 	snop;
	(pc) =	sbr.rel @p6 .LBB2_10-.Ltmp6, $1  }
0xca: {  	_ =	sdelay $0x3  }
0xcb: {  	s18 =	sadd.s32 $0x4, s23  }
0xcc: {  	_ =	swait.ge [sflag:s2], $0x4000;
	p6 =	sgt.u32 s18, s8  }
0xcd: {  	[sflag:s2] =	ssyncset.done $0x0;
	s18 =	sshll.u32 @!p6 s18, $0x10  }
0xce: {  	[sflag:s2] =	ssyncadd.s32 $0xFFFFC000;
	s18 =	sor.u32 @!p6 s9, s18  }
0xcf: {  	_ =	swait.ge [sflag:s2], $0x4000;
	s18 =	smin.u32 @!p6 s18, $0x30CC00  }
0xd0: {  	s26 =	simm.s32 @!p6 $0x0;
	[sflag:s2] =	ssyncset.done $0x0;
	s18 =	sshrl.u32 @!p6 s18, $0x3  }
0xd1: {  	s30 =	simm.s32 @!p6 $0x9800;
	[sflag:s2] =	ssyncadd.s32 $0xFFFFC000;
	s21 =	sadd.s32 @!p6 s6, s18  }
0xd2: {  	[tilespmem:s30], [sflag:$0x4] =	stream.linear.gather @!p6 [hbm4b:s21+s26], $0x800, $0x38;
	[tilespmem:$0x1C800] =	vst v63  }
0xd3: {  	s18 =	sadd.s32 @!p6 s7, s18;
	s21 =	simm.s32 @!p6 $0xA000  }
0xd4: {  	[tilespmem:s21], [sflag:$0x4] =	stream.linear.gather @!p6 [hbm4b:s18+s26], $0x800, $0x38;
	[tilespmem:$0x1C800] =	vst v63  }
0xd5: {  	p6 =	sgt.u32 s23, s19  }
0xd6: {  	s18 =	simm.s32 @!p6 $0x1  }
0xd7: {  	_ =	swait.ge @!p6 [sflag:s18], $0x800  }
0xd8: {  	[sflag:s18] =	ssyncset.done @!p6 $0x0  }
0xd9: {  	[sflag:s18] =	ssyncadd.s32 @!p6 $0xFFFFF800  }
0xda: {  	_ =	swait.ge @!p6 [sflag:s18], $0x800  }
0xdb: {  	s21 =	simm.s32 @!p6 $0x0;
	[sflag:s18] =	ssyncset.done @!p6 $0x0  }
0xdc: {  	s26 =	simm.s32 @!p6 $0x1000;
	[sflag:s18] =	ssyncadd.s32 @!p6 $0xFFFFF800;
	s18 =	simm.s32 @!p6 $0x800  }
0xdd: {  	[tilespmem:s26], [sflag:$0x2] =	stream.indirect.gather @!p6 [hbm4b:s4+s18], $0x8, s21, s18, $0xb8;
	[tilespmem:$0x1C800] =	vst v63  }
0xde: {  	s21 =	simm.s32 @!p6 $0x5000  }
0xdf: {  	v0 =	vlaneseq.u32;
	[tilespmem:s21], [sflag:$0x2] =	stream.indirect.gather @!p6 [hbm4b:s4+s18], $0x8, s18, s18, $0xb8;
	[tilespmem:$0x1C800] =	vst v63  }
0xe0: {  	v1 =	vshll.u32 v0, $0x3;
	p6 =	seq.s32 s22, $0x0  }
0xe1: {  	s18 =	simm.s32 @!p6 $0x6  }
0xe2: {  	v2 =	vor.u32 $0x1, v1;
	_ =	swait.ge @!p6 [sflag:s18], $0x800  }
0xe3: {  	[sflag:s18] =	ssyncset.done @!p6 $0x0  }
0xe4: {  	v3 =	vor.u32 $0x2, v1;
	[sflag:s18] =	ssyncadd.s32 @!p6 $0xFFFFF800  }
0xe5: {  	v4 =	vld.idx.msk [tilespmem:v1+s0+$0x0], $0xffff  }
0xe6: {  	v1 =	vld.idx.msk [tilespmem:v1+s31+$0x0], $0xffff  }
0xe7: {  	v5 =	vld.idx.msk [tilespmem:v2+s0+$0x0], $0xffff  }
0xe8: {  	v2 =	vld.idx.msk [tilespmem:v2+s31+$0x0], $0xffff  }
0xe9: {  	v6 =	vld.idx.msk [tilespmem:v3+s0+$0x0], $0xffff  }
0xea: {  	v3 =	vld.idx.msk [tilespmem:v3+s31+$0x0], $0xffff;
	_ =	sdelay $0x1  }
0xeb: {  	v7 =	vmul.f32 v1, v1;
	v8 =	vmul.f32 v4, v4  }
0xec: {  	v9 =	vmul.f32 v2, v2;
	v10 =	vmul.f32 v5, v5  }
0xed: {  	v11 =	vmul.f32 v6, v6  }
0xee: {  	v62 =	vmul.f32 v3, v3;
	v7 =	vadd.f32 v9, v7;
	v8 =	vadd.f32 v10, v8;
	_ =	sdelay $0x1  }
0xef: {  	v7 =	vadd.f32 v62, v7;
	v8 =	vadd.f32 v11, v8;
	_ =	sdelay $0x1  }
0xf0: {  	v7 =	vmul.f32 v8, v7;
	_ =	sdelay $0x1  }
0xf1: {  	v8 =	vshrl.u32 v7, $0x1;
	v7 =	vmul.f32 $5.000000000e-01, v7  }
0xf2: {  	v8 =	vsub.s32 $0x5F3759DF, v8  }
0xf3: {  	v63 =	vmul.f32 v8, v7;
	_ =	sdelay $0x1  }
0xf4: {  	v9 =	vmul.f32 v8, v63;
	_ =	sdelay $0x1  }
0xf5: {  	v9 =	vsub.f32 $1.500000000e+00, v9;
	_ =	sdelay $0x1  }
0xf6: {  	v8 =	vmul.f32 v8, v9  }
0xf7: {  	v1 =	vmul.f32 v4, v1  }
0xf8: {  	v2 =	vmul.f32 v5, v2;
	v4 =	vmul.f32 v8, v7;
	_ =	sdelay $0x1  }
0xf9: {  	v1 =	vadd.f32 v2, v1;
	v2 =	vmul.f32 v6, v3;
	v3 =	vmul.f32 v4, v8;
	_ =	sdelay $0x1  }
0xfa: {  	v1 =	vadd.f32 v2, v1;
	v2 =	vsub.f32 $1.500000000e+00, v3;
	_ =	sdelay $0x1  }
0xfb: {  	v1 =	vsub.f32 $0.0e+00, v1;
	v2 =	vmul.f32 v2, v8;
	_ =	sdelay $0x1  }
0xfc: {  	v0 =	vadd.s32 $0x10, v0;
	v3 =	vmul.f32 v2, v1  }
0xfd: {  	v1 =	vshll.u32 v0, $0x3  }
0xfe: {  	s26 =	simm.s32 $0x80;
	s21 =	simm.s32 $0x0;
	s18 =	simm.s32 $0x40;
	v2 =	vor.u32 $0x1, v1;
	v3 =	vmax.f32 v3, $-1.000000000e+00  }
.LBB2_8:
0xff: {  	p6 =	sne.s32 s26, $0x1FC0;
	v3 =	vmin.f32 v3, $1.000000000e+00;
	s30 =	sshra.s32 s21, $0x2;
	s21 =	smov.u32 s18  }
0x100: {  	v4 =	vor.u32 $0x2, v1;
	s18 =	smov.u32 s26;
	[tilespmem:s30+$0x12800] =	vst v3  }
0x101: {  	v3 =	vld.idx.msk [tilespmem:v1+s0+$0x0], $0xffff  }
0x102: {  	v1 =	vld.idx.msk [tilespmem:v1+s31+$0x0], $0xffff  }
0x103: {  	v5 =	vld.idx.msk [tilespmem:v2+s0+$0x0], $0xffff  }
0x104: {  	v2 =	vld.idx.msk [tilespmem:v2+s31+$0x0], $0xffff  }
0x105: {  	v6 =	vld.idx.msk [tilespmem:v4+s0+$0x0], $0xffff  }
0x106: {  	v4 =	vld.idx.msk [tilespmem:v4+s31+$0x0], $0xffff;
	_ =	sdelay $0x2  }
0x107: {  	v8 =	vmul.f32 v3, v3;
	v7 =	vmul.f32 v1, v1  }
0x108: {  	v10 =	vmul.f32 v5, v5;
	v9 =	vmul.f32 v2, v2  }
0x109: {  	v11 =	vmul.f32 v6, v6  }
0x10a: {  	v8 =	vadd.f32 v10, v8;
	v7 =	vadd.f32 v9, v7;
	v9 =	vmul.f32 v4, v4;
	_ =	sdelay $0x1  }
0x10b: {  	v8 =	vadd.f32 v11, v8;
	v7 =	vadd.f32 v9, v7;
	_ =	sdelay $0x1  }
0x10c: {  	v7 =	vmul.f32 v8, v7;
	_ =	sdelay $0x1  }
0x10d: {  	v8 =	vshrl.u32 v7, $0x1;
	v7 =	vmul.f32 $5.000000000e-01, v7  }
0x10e: {  	v8 =	vsub.s32 $0x5F3759DF, v8  }
0x10f: {  	v9 =	vmul.f32 v8, v7;
	_ =	sdelay $0x1  }
0x110: {  	v9 =	vmul.f32 v8, v9;
	_ =	sdelay $0x1  }
0x111: {  	v9 =	vsub.f32 $1.500000000e+00, v9;
	_ =	sdelay $0x1  }
0x112: {  	v8 =	vmul.f32 v8, v9  }
0x113: {  	v1 =	vmul.f32 v3, v1  }
0x114: {  	v2 =	vmul.f32 v5, v2;
	v3 =	vmul.f32 v8, v7;
	_ =	sdelay $0x1  }
0x115: {  	v1 =	vadd.f32 v2, v1;
	v2 =	vmul.f32 v6, v4;
	v3 =	vmul.f32 v3, v8;
	_ =	sdelay $0x1  }
0x116: {  	v1 =	vadd.f32 v2, v1;
	v2 =	vsub.f32 $1.500000000e+00, v3;
	_ =	sdelay $0x1  }
.Ltmp7:
0x117: {  	v3 =	vsub.f32 $0.0e+00, v1;
	v2 =	vmul.f32 v2, v8;
	(pc) =	sbr.rel @p6 .LBB2_8-.Ltmp7, $3  }
0x118: {  	v0 =	vadd.s32 $0x10, v0  }
0x119: {  	v1 =	vshll.u32 v0, $0x3;
	v3 =	vmul.f32 v2, v3;
	_ =	sdelay $0x1  }
0x11a: {  	s26 =	sadd.s32 $0x40, s26;
	v2 =	vor.u32 $0x1, v1;
	v3 =	vmax.f32 v3, $-1.000000000e+00  }
0x11b: {  	_ =	sdelay $0x1  }
0x11c: {  	v0 =	vmin.f32 v3, $1.000000000e+00;
	s21 =	sshra.s32 s21, $0x2  }
0x11d: {  	v55 =	vor.u32 $0x2, v1;
	[tilespmem:s21+$0x12800] =	vst v0  }
0x11e: {  	v0 =	vld.idx.msk [tilespmem:v1+s0+$0x0], $0xffff  }
0x11f: {  	v56 =	vld.idx.msk [tilespmem:v1+s31+$0x0], $0xffff  }
0x120: {  	v57 =	vld.idx.msk [tilespmem:v2+s31+$0x0], $0xffff  }
0x121: {  	v4 =	vld.idx.msk [tilespmem:v2+s0+$0x0], $0xffff  }
0x122: {  	v5 =	vld.idx.msk [tilespmem:v55+s0+$0x0], $0xffff  }
0x123: {  	v3 =	vld.idx.msk [tilespmem:v55+s31+$0x0], $0xffff;
	_ =	sdelay $0x1  }
0x124: {  	v6 =	vmul.f32 v56, v56;
	v8 =	vmul.f32 v57, v57  }
0x125: {  	v7 =	vmul.f32 v0, v0;
	v9 =	vmul.f32 v4, v4  }
0x126: {  	v6 =	vadd.f32 v8, v6  }
0x127: {  	v7 =	vadd.f32 v9, v7;
	v10 =	vmul.f32 v5, v5;
	v58 =	vmul.f32 v3, v3;
	_ =	sdelay $0x1  }
0x128: {  	v6 =	vadd.f32 v58, v6;
	v7 =	vadd.f32 v10, v7;
	_ =	sdelay $0x1  }
0x129: {  	v6 =	vmul.f32 v7, v6;
	_ =	sdelay $0x1  }
0x12a: {  	v7 =	vshrl.u32 v6, $0x1;
	v6 =	vmul.f32 $5.000000000e-01, v6  }
0x12b: {  	v7 =	vsub.s32 $0x5F3759DF, v7  }
0x12c: {  	v59 =	vmul.f32 v7, v6;
	_ =	sdelay $0x1  }
0x12d: {  	v8 =	vmul.f32 v7, v59;
	_ =	sdelay $0x1  }
0x12e: {  	v8 =	vsub.f32 $1.500000000e+00, v8;
	_ =	sdelay $0x1  }
0x12f: {  	v7 =	vmul.f32 v7, v8  }
0x130: {  	v0 =	vmul.f32 v0, v56  }
0x131: {  	v60 =	vmul.f32 v4, v57;
	v61 =	vmul.f32 v7, v6;
	_ =	sdelay $0x1  }
0x132: {  	v0 =	vadd.f32 v60, v0;
	v62 =	vmul.f32 v5, v3;
	v2 =	vmul.f32 v61, v7;
	_ =	sdelay $0x1  }
0x133: {  	v0 =	vadd.f32 v62, v0;
	v63 =	vsub.f32 $1.500000000e+00, v2  }
0x134: {  	s26 =	smul.u32 $0x30000, s22  }
0x135: {  	v0 =	vsub.f32 $0.0e+00, v0;
	v1 =	vmul.f32 v63, v7  }
0x136: {  	s21 =	sor.u32 s9, s26  }
0x137: {  	s21 =	sadd.s32 $0x10000, s21;
	v0 =	vmul.f32 v1, v0  }
0x138: {  	p6 =	slt.s32 s21, $0x30CC00  }
0x139: {  	s21 =	simm.s32 @!p6 $0x30CC00;
	v0 =	vmax.f32 v0, $-1.000000000e+00  }
0x13a: {  	s18 =	sshra.s32 s18, $0x2;
	s21 =	sshrl.u32 s21, $0x3;
	v0 =	vmin.f32 v0, $1.000000000e+00  }
0x13b: {  	s30 =	sadd.s32 s1, s21;
	[tilespmem:s18+$0x12800] =	vst v0  }
0x13c: {  	[hbm4b:s30+s3] =	stream.linear.scatter [tilespmem:s24], [sflag:$0x6], $0x800, $0x38;
	[tilespmem:$0x1C800] =	vst v63  }
.LBB2_10:
0x13d: {  	s18 =	sadd.s32 $0x2, s23  }
0x13e: {  	p6 =	sgt.u32 s18, s8  }
.Ltmp8:
0x13f: {  	_ = 	snop;
	(pc) =	sbr.rel @p6 .LBB2_14-.Ltmp8, $1  }
0x140: {  	_ =	sdelay $0x3  }
0x141: {  	s21 =	sadd.s32 $0x5, s23  }
0x142: {  	_ =	swait.ge [sflag:s25], $0x4000;
	p6 =	sgt.u32 s21, s8  }
0x143: {  	[sflag:s25] =	ssyncset.done $0x0;
	s21 =	sshll.u32 @!p6 s21, $0x10  }
0x144: {  	[sflag:s25] =	ssyncadd.s32 $0xFFFFC000;
	s21 =	sor.u32 @!p6 s9, s21  }
0x145: {  	_ =	swait.ge [sflag:s25], $0x4000;
	s21 =	smin.u32 @!p6 s21, $0x30CC00  }
0x146: {  	s30 =	simm.s32 @!p6 $0x0;
	[sflag:s25] =	ssyncset.done $0x0;
	s21 =	sshrl.u32 @!p6 s21, $0x3  }
0x147: {  	s15 =	simm.s32 @!p6 $0x13000;
	[sflag:s25] =	ssyncadd.s32 $0xFFFFC000;
	s26 =	sadd.s32 @!p6 s6, s21  }
0x148: {  	[tilespmem:s15], [sflag:$0x7] =	stream.linear.gather @!p6 [hbm4b:s26+s30], $0x800, $0x38;
	[tilespmem:$0x1C800] =	vst v63  }
0x149: {  	s15 =	sadd.s32 @!p6 s7, s21;
	s21 =	simm.s32 @!p6 $0x13800  }
0x14a: {  	[tilespmem:s21], [sflag:$0x7] =	stream.linear.gather @!p6 [hbm4b:s15+s30], $0x800, $0x38;
	[tilespmem:$0x1C800] =	vst v63  }
0x14b: {  	p6 =	sgt.u32 s23, s20  }
0x14c: {  	s15 =	simm.s32 @!p6 $0x4  }
0x14d: {  	_ =	swait.ge @!p6 [sflag:s15], $0x800  }
0x14e: {  	[sflag:s15] =	ssyncset.done @!p6 $0x0  }
0x14f: {  	[sflag:s15] =	ssyncadd.s32 @!p6 $0xFFFFF800  }
0x150: {  	_ =	swait.ge @!p6 [sflag:s15], $0x800  }
0x151: {  	s21 =	simm.s32 @!p6 $0x9800;
	[sflag:s15] =	ssyncset.done @!p6 $0x0  }
0x152: {  	s23 =	simm.s32 @!p6 $0xA800;
	[sflag:s15] =	ssyncadd.s32 @!p6 $0xFFFFF800;
	s15 =	simm.s32 @!p6 $0x800  }
0x153: {  	[tilespmem:s23], [sflag:$0x5] =	stream.indirect.gather @!p6 [hbm4b:s4+s15], $0x8, s21, s15, $0xb8;
	[tilespmem:$0x1C800] =	vst v63  }
0x154: {  	s21 =	simm.s32 @!p6 $0xA000;
	s23 =	simm.s32 @!p6 $0xE800  }
0x155: {  	v0 =	vlaneseq.u32;
	[tilespmem:s23], [sflag:$0x5] =	stream.indirect.gather @!p6 [hbm4b:s4+s15], $0x8, s21, s15, $0xb8;
	[tilespmem:$0x1C800] =	vst v63  }
0x156: {  	v1 =	vshll.u32 v0, $0x3;
	p6 =	seq.s32 s22, $0x0  }
0x157: {  	s15 =	simm.s32 @!p6 $0x9  }
0x158: {  	v2 =	vor.u32 $0x1, v1;
	_ =	swait.ge @!p6 [sflag:s15], $0x800  }
0x159: {  	[sflag:s15] =	ssyncset.done @!p6 $0x0  }
0x15a: {  	v3 =	vor.u32 $0x2, v1;
	[sflag:s15] =	ssyncadd.s32 @!p6 $0xFFFFF800  }
0x15b: {  	v4 =	vld.idx.msk [tilespmem:v1+s11+$0x0], $0xffff  }
0x15c: {  	v1 =	vld.idx.msk [tilespmem:v1+s10+$0x0], $0xffff  }
0x15d: {  	v5 =	vld.idx.msk [tilespmem:v2+s11+$0x0], $0xffff  }
0x15e: {  	v2 =	vld.idx.msk [tilespmem:v2+s10+$0x0], $0xffff  }
0x15f: {  	v6 =	vld.idx.msk [tilespmem:v3+s11+$0x0], $0xffff  }
0x160: {  	v3 =	vld.idx.msk [tilespmem:v3+s10+$0x0], $0xffff;
	_ =	sdelay $0x1  }
0x161: {  	v7 =	vmul.f32 v1, v1;
	v8 =	vmul.f32 v4, v4  }
0x162: {  	v9 =	vmul.f32 v2, v2;
	v10 =	vmul.f32 v5, v5  }
0x163: {  	v11 =	vmul.f32 v6, v6  }
0x164: {  	v62 =	vmul.f32 v3, v3;
	v7 =	vadd.f32 v9, v7;
	v8 =	vadd.f32 v10, v8;
	_ =	sdelay $0x1  }
0x165: {  	v7 =	vadd.f32 v62, v7;
	v8 =	vadd.f32 v11, v8;
	_ =	sdelay $0x1  }
0x166: {  	v7 =	vmul.f32 v8, v7;
	_ =	sdelay $0x1  }
0x167: {  	v8 =	vshrl.u32 v7, $0x1;
	v7 =	vmul.f32 $5.000000000e-01, v7  }
0x168: {  	v8 =	vsub.s32 $0x5F3759DF, v8  }
0x169: {  	v63 =	vmul.f32 v8, v7;
	_ =	sdelay $0x1  }
0x16a: {  	v9 =	vmul.f32 v8, v63;
	_ =	sdelay $0x1  }
0x16b: {  	v9 =	vsub.f32 $1.500000000e+00, v9;
	_ =	sdelay $0x1  }
0x16c: {  	v8 =	vmul.f32 v8, v9  }
0x16d: {  	v1 =	vmul.f32 v4, v1  }
0x16e: {  	v2 =	vmul.f32 v5, v2;
	v4 =	vmul.f32 v8, v7;
	_ =	sdelay $0x1  }
0x16f: {  	v1 =	vadd.f32 v2, v1;
	v2 =	vmul.f32 v6, v3;
	v3 =	vmul.f32 v4, v8;
	_ =	sdelay $0x1  }
0x170: {  	v1 =	vadd.f32 v2, v1;
	v2 =	vsub.f32 $1.500000000e+00, v3;
	_ =	sdelay $0x1  }
0x171: {  	v1 =	vsub.f32 $0.0e+00, v1;
	v2 =	vmul.f32 v2, v8;
	_ =	sdelay $0x1  }
0x172: {  	v0 =	vadd.s32 $0x10, v0;
	v3 =	vmul.f32 v2, v1  }
0x173: {  	v1 =	vshll.u32 v0, $0x3  }
0x174: {  	s26 =	simm.s32 $0x80;
	s21 =	simm.s32 $0x0;
	s23 =	simm.s32 $0x40;
	v2 =	vor.u32 $0x1, v1;
	v3 =	vmax.f32 v3, $-1.000000000e+00  }
.LBB2_12:
0x175: {  	p6 =	sne.s32 s26, $0x1FC0;
	v3 =	vmin.f32 v3, $1.000000000e+00;
	s15 =	sshra.s32 s21, $0x2;
	s21 =	smov.u32 s23  }
0x176: {  	v4 =	vor.u32 $0x2, v1;
	s23 =	smov.u32 s26;
	[tilespmem:s15+$0x1C000] =	vst v3  }
0x177: {  	v3 =	vld.idx.msk [tilespmem:v1+s11+$0x0], $0xffff  }
0x178: {  	v1 =	vld.idx.msk [tilespmem:v1+s10+$0x0], $0xffff  }
0x179: {  	v5 =	vld.idx.msk [tilespmem:v2+s11+$0x0], $0xffff  }
0x17a: {  	v2 =	vld.idx.msk [tilespmem:v2+s10+$0x0], $0xffff  }
0x17b: {  	v6 =	vld.idx.msk [tilespmem:v4+s11+$0x0], $0xffff  }
0x17c: {  	v4 =	vld.idx.msk [tilespmem:v4+s10+$0x0], $0xffff;
	_ =	sdelay $0x2  }
0x17d: {  	v8 =	vmul.f32 v3, v3;
	v7 =	vmul.f32 v1, v1  }
0x17e: {  	v10 =	vmul.f32 v5, v5;
	v9 =	vmul.f32 v2, v2  }
0x17f: {  	v11 =	vmul.f32 v6, v6  }
0x180: {  	v8 =	vadd.f32 v10, v8;
	v7 =	vadd.f32 v9, v7;
	v9 =	vmul.f32 v4, v4;
	_ =	sdelay $0x1  }
0x181: {  	v8 =	vadd.f32 v11, v8;
	v7 =	vadd.f32 v9, v7;
	_ =	sdelay $0x1  }
0x182: {  	v7 =	vmul.f32 v8, v7;
	_ =	sdelay $0x1  }
0x183: {  	v8 =	vshrl.u32 v7, $0x1;
	v7 =	vmul.f32 $5.000000000e-01, v7  }
0x184: {  	v8 =	vsub.s32 $0x5F3759DF, v8  }
0x185: {  	v9 =	vmul.f32 v8, v7;
	_ =	sdelay $0x1  }
0x186: {  	v9 =	vmul.f32 v8, v9;
	_ =	sdelay $0x1  }
0x187: {  	v9 =	vsub.f32 $1.500000000e+00, v9;
	_ =	sdelay $0x1  }
0x188: {  	v8 =	vmul.f32 v8, v9  }
0x189: {  	v1 =	vmul.f32 v3, v1  }
0x18a: {  	v2 =	vmul.f32 v5, v2;
	v3 =	vmul.f32 v8, v7;
	_ =	sdelay $0x1  }
0x18b: {  	v1 =	vadd.f32 v2, v1;
	v2 =	vmul.f32 v6, v4;
	v3 =	vmul.f32 v3, v8;
	_ =	sdelay $0x1  }
0x18c: {  	v1 =	vadd.f32 v2, v1;
	v2 =	vsub.f32 $1.500000000e+00, v3;
	_ =	sdelay $0x1  }
.Ltmp9:
0x18d: {  	v3 =	vsub.f32 $0.0e+00, v1;
	v2 =	vmul.f32 v2, v8;
	(pc) =	sbr.rel @p6 .LBB2_12-.Ltmp9, $3  }
0x18e: {  	v0 =	vadd.s32 $0x10, v0  }
0x18f: {  	v1 =	vshll.u32 v0, $0x3;
	v3 =	vmul.f32 v2, v3;
	_ =	sdelay $0x1  }
0x190: {  	s26 =	sadd.s32 $0x40, s26;
	v2 =	vor.u32 $0x1, v1;
	v3 =	vmax.f32 v3, $-1.000000000e+00  }
0x191: {  	_ =	sdelay $0x1  }
0x192: {  	v0 =	vmin.f32 v3, $1.000000000e+00;
	s15 =	sshra.s32 s21, $0x2  }
0x193: {  	v55 =	vor.u32 $0x2, v1;
	[tilespmem:s15+$0x1C000] =	vst v0  }
0x194: {  	v0 =	vld.idx.msk [tilespmem:v1+s11+$0x0], $0xffff  }
0x195: {  	v56 =	vld.idx.msk [tilespmem:v1+s10+$0x0], $0xffff  }
0x196: {  	v57 =	vld.idx.msk [tilespmem:v2+s10+$0x0], $0xffff  }
0x197: {  	v4 =	vld.idx.msk [tilespmem:v2+s11+$0x0], $0xffff  }
0x198: {  	v5 =	vld.idx.msk [tilespmem:v55+s11+$0x0], $0xffff  }
0x199: {  	v3 =	vld.idx.msk [tilespmem:v55+s10+$0x0], $0xffff;
	_ =	sdelay $0x1  }
0x19a: {  	v6 =	vmul.f32 v56, v56;
	v8 =	vmul.f32 v57, v57  }
0x19b: {  	v7 =	vmul.f32 v0, v0;
	v9 =	vmul.f32 v4, v4  }
0x19c: {  	v6 =	vadd.f32 v8, v6  }
0x19d: {  	v7 =	vadd.f32 v9, v7;
	v10 =	vmul.f32 v5, v5;
	v58 =	vmul.f32 v3, v3;
	_ =	sdelay $0x1  }
0x19e: {  	v6 =	vadd.f32 v58, v6;
	v7 =	vadd.f32 v10, v7;
	_ =	sdelay $0x1  }
0x19f: {  	v6 =	vmul.f32 v7, v6;
	_ =	sdelay $0x1  }
0x1a0: {  	v7 =	vshrl.u32 v6, $0x1;
	v6 =	vmul.f32 $5.000000000e-01, v6  }
0x1a1: {  	v7 =	vsub.s32 $0x5F3759DF, v7  }
0x1a2: {  	v59 =	vmul.f32 v7, v6;
	_ =	sdelay $0x1  }
0x1a3: {  	v8 =	vmul.f32 v7, v59;
	_ =	sdelay $0x1  }
0x1a4: {  	v8 =	vsub.f32 $1.500000000e+00, v8;
	_ =	sdelay $0x1  }
0x1a5: {  	v7 =	vmul.f32 v7, v8  }
0x1a6: {  	v0 =	vmul.f32 v0, v56  }
0x1a7: {  	v60 =	vmul.f32 v4, v57;
	v61 =	vmul.f32 v7, v6;
	_ =	sdelay $0x1  }
0x1a8: {  	v0 =	vadd.f32 v60, v0;
	v62 =	vmul.f32 v5, v3;
	v2 =	vmul.f32 v61, v7;
	_ =	sdelay $0x1  }
0x1a9: {  	v0 =	vadd.f32 v62, v0;
	v63 =	vsub.f32 $1.500000000e+00, v2;
	_ =	sdelay $0x1  }
0x1aa: {  	v0 =	vsub.f32 $0.0e+00, v0;
	v1 =	vmul.f32 v63, v7;
	_ =	sdelay $0x1  }
0x1ab: {  	s26 =	sshll.u32 s18, $0x10;
	v0 =	vmul.f32 v1, v0  }
.Ltmp10:
0x1ac: {  	s15 =	sor.u32 s9, s26;
	(pc) =	sbr.rel .LBB2_14-.Ltmp10, $4  }
0x1ad: {  	s15 =	smin.u32 s15, $0x30CC00;
	v0 =	vmax.f32 v0, $-1.000000000e+00  }
0x1ae: {  	s30 =	sshra.s32 s23, $0x2;
	s15 =	sshrl.u32 s15, $0x3;
	v0 =	vmin.f32 v0, $1.000000000e+00  }
0x1af: {  	s15 =	sadd.s32 s1, s15;
	[tilespmem:s30+$0x1C000] =	vst v0  }
0x1b0: {  	[hbm4b:s15+s3] =	stream.linear.scatter [tilespmem:s12], [sflag:$0x9], $0x800, $0x38;
	[tilespmem:$0x1C800] =	vst v63  }
.LBB2_16:
0x1b1: {  	_ =	sfence.sel $0x180000  }
0x1b2: {  	[bflag:$0x0] =	sbarrier.arrive $0xFFFF  }
0x1b3: {  	_ =	strace $0x9000004A  }
0x1b4: {  	s0 =	stileid.u32;
	[bflag:$0x2] =	sbarrier.arrive $0xFFFF  }
0x1b5: {  	p0 =	sne.s32 s0, $0x0;
	s0 =	rddreg [dreg:$0x2]  }
0x1b6: {  	s0 =	sadd.s32 @!p0 $0x100000, s0  }
0x1b7: {  	[sflag:s0] =	ssyncadd.tile.s32 @!p0 $0x1;
	_ =	shalt  }
.Lfunc_end2:
_tile_overlayer_lowered:
.L_overlay_start_2:
0x1b8: {  	(tag) =	ssettag $0x2  }
0x1b9: {  	s0 =	rddreg [dreg:$0x0];
	s2 =	stileid.u32  }
0x1ba: {  	s1 =	rddreg [dreg:$0x1];
	p0 =	sne.s32 s2, $0x0  }
0x1bb: {  	s3 =	rddreg [dreg:$0x2];
	[bflag:$0x3] =	sbarrier.arrive $0xFFFF;
	s2 =	simm.s32 @!p0 $0x1C0A  }
0x1bc: {  	[timem:s3], [sflag:s2] =	dma.local @!p0 [hbm:s0], s1  }
0x1bd: {  	s0 =	simm.s32 @!p0 $0xA  }
0x1be: {  	_ =	swait.ge @!p0 [sflag:s0], s1  }
0x1bf: {  	s1 =	ssub.s32 @!p0 $0x0, s1;
	[sflag:s0] =	ssyncset.done @!p0 $0x0  }
0x1c0: {  	[sflag:s0] =	ssyncadd.s32 @!p0 s1  }
0x1c1: {  	[bflag:$0x3] =	sbarrier.arrive $0xFFFF  }
0x1c2: {  	_ =	shalt  }

</sc_bundles>
